<compile_context>
chip_gen: v7x
topology: tpu7x:2x2x1
jax: 0.10.2.dev20260603
libtpu: 0.0.44.dev20260713+nightly
codegen_flags: <defaults>
</compile_context>

<pallas_src>
import functools

import jax
import jax.numpy as jnp
from jax import lax
from jax.experimental import pallas as pl
from jax.experimental.pallas import tpu as pltpu
from jax.experimental.pallas import tpu_sc as plsc

_N = 10000
_E = 320000
_D = 128
_NP = 10240
_NC = 2
_NS = 16
_NW = _NC * _NS
_C = 80
_ECH = (_E // _NW) // _C
_DCH = (_E // _NS) // _C
_DW = 16
_RPT = _NP // _NS
_ZR = 128



_IB = 5


_EPW = _E // _NW


def _deg2_body(sidx_hbm, didx_hbm, out_hbm, sidx_v, didx_v, hs_v, hd_v):
    c = lax.axis_index("c")
    s = lax.axis_index("s")
    w = s * _NC + c
    z16 = jnp.zeros((16,), jnp.float32)

    def zero(i, carry):
        hs_v[pl.ds(i * 16, 16)] = z16
        hd_v[pl.ds(i * 16, 16)] = z16
        return carry

    lax.fori_loop(0, _NP // 16, zero, 0)
    pltpu.sync_copy(sidx_hbm.at[w], sidx_v)
    pltpu.sync_copy(didx_hbm.at[w], didx_v)
    ones16 = jnp.ones((16,), jnp.float32)

    def step(j, carry):
        vs = sidx_v[pl.ds(j * 16, 16)]
        plsc.addupdate_scatter(hs_v, [vs], ones16)
        vd = didx_v[pl.ds(j * 16, 16)]
        plsc.addupdate_scatter(hd_v, [vd], ones16)
        return carry

    lax.fori_loop(0, _EPW // 16, step, 0)
    pltpu.sync_copy(hs_v, out_hbm.at[0, w])
    pltpu.sync_copy(hd_v, out_hbm.at[1, w])


def _sc_degrees2(edge_index):
    sidx = edge_index[0].reshape(_NW, _EPW)
    didx = edge_index[1].reshape(_NW, _EPW)
    kern = pl.kernel(
        _deg2_body,
        out_type=jax.ShapeDtypeStruct((2, _NW, _NP), jnp.float32),
        mesh=plsc.VectorSubcoreMesh(core_axis_name="c", subcore_axis_name="s"),
        compiler_params=pltpu.CompilerParams(needs_layout_passes=False),
        scratch_types=[
            pltpu.VMEM((_EPW,), jnp.int32),
            pltpu.VMEM((_EPW,), jnp.int32),
            pltpu.VMEM((_NP,), jnp.float32),
            pltpu.VMEM((_NP,), jnp.float32),
        ],
    )
    return kern(sidx, didx)


def _agg_body(tab_hbm, sidx_hbm, didx_hbm, zeros_hbm, out_hbm,
              sidx_v, didx_v, buf_v, acc_sh, sem):
    c = lax.axis_index("c")
    s = lax.axis_index("s")
    w = s * _NC + c
    pltpu.sync_copy(zeros_hbm, buf_v)
    for k in range(_RPT // _C):
        pltpu.sync_copy(buf_v, acc_sh.at[pl.ds(s * _RPT + k * _C, _C)])
    plsc.subcore_barrier()

    def outer(j, carry):
        pltpu.sync_copy(sidx_hbm.at[w, j], sidx_v)
        pltpu.sync_copy(didx_hbm.at[w, j], didx_v)
        for jj in range(_IB):
            pltpu.async_copy(tab_hbm.at[sidx_v.at[jj]], buf_v, sem).wait()
            pltpu.sync_copy(buf_v, acc_sh.at[didx_v.at[jj]], add=True)
        return carry

    lax.fori_loop(0, _ECH // _IB, outer, 0)
    plsc.subcore_barrier()
    for k in range(_RPT // _C):
        rows = pl.ds(s * _RPT + k * _C, _C)
        pltpu.sync_copy(acc_sh.at[rows], buf_v)
        pltpu.sync_copy(buf_v, out_hbm.at[c, rows])


def _sc_aggregate(table, sidx, didx, zeros_blk):
    kern = pl.kernel(
        _agg_body,
        out_type=jax.ShapeDtypeStruct((_NC, _NP, _D), jnp.float32),
        mesh=plsc.VectorSubcoreMesh(core_axis_name="c", subcore_axis_name="s"),
        scratch_types=[
            pltpu.VMEM((_IB, _C), jnp.int32),
            pltpu.VMEM((_IB, _C), jnp.int32),
            pltpu.VMEM((_C, _D), jnp.float32),
            pltpu.VMEM_SHARED((_NP, _D), jnp.float32),
            pltpu.SemaphoreType.DMA,
        ],
    )
    return kern(table, sidx, didx, zeros_blk)



_RB = 2048


def _norm_from(deg_ref, which):
    ones_w = jnp.ones((_NW, 1), jnp.float32)
    d = lax.dot_general(deg_ref[which], ones_w, (((0,), (0,)), ((), ())),
                        precision=lax.Precision.HIGHEST,
                        preferred_element_type=jnp.float32)
    return lax.rsqrt(jnp.maximum(d, 1.0))


def _xn_body(x_ref, deg_ref, xn_ref):
    xn_ref[...] = x_ref[...] * _norm_from(deg_ref, 0)


def _tc_normalize(x_pad, degs):
    return pl.pallas_call(
        _xn_body,
        grid=(_NP // _RB,),
        in_specs=[
            pl.BlockSpec((_RB, _D), lambda i: (i, 0)),
            pl.BlockSpec((2, _NW, _RB), lambda i: (0, 0, i)),
        ],
        out_specs=pl.BlockSpec((_RB, _D), lambda i: (i, 0)),
        out_shape=jax.ShapeDtypeStruct((_NP, _D), jnp.float32),
    )(x_pad, degs)


def _conv1_body(p_ref, deg_ref, w1_ref, b1_ref, w2_ref, g_ref):
    agg = (p_ref[0] + p_ref[1]) * _norm_from(deg_ref, 1)
    h1 = jnp.maximum(
        jnp.dot(agg, w1_ref[...], preferred_element_type=jnp.float32,
                precision=lax.Precision.HIGHEST) + b1_ref[...], 0.0)
    g_ref[...] = jnp.dot(h1 * _norm_from(deg_ref, 0), w2_ref[...],
                         preferred_element_type=jnp.float32,
                         precision=lax.Precision.HIGHEST)


def _tc_conv1(parts, degs, W1, b1, W2):
    return pl.pallas_call(
        _conv1_body,
        grid=(_NP // _RB,),
        in_specs=[
            pl.BlockSpec((2, _RB, _D), lambda i: (0, i, 0)),
            pl.BlockSpec((2, _NW, _RB), lambda i: (0, 0, i)),
            pl.BlockSpec((_D, 2 * _D), lambda i: (0, 0)),
            pl.BlockSpec((1, 2 * _D), lambda i: (0, 0)),
            pl.BlockSpec((2 * _D, _D), lambda i: (0, 0)),
        ],
        out_specs=pl.BlockSpec((_RB, _D), lambda i: (i, 0)),
        out_shape=jax.ShapeDtypeStruct((_NP, _D), jnp.float32),
    )(parts, degs, W1, b1, W2)


def _conv2_body(p_ref, deg_ref, b2_ref, f1w_ref, f2w_ref,
                h_ref, f1_ref, f2_ref):
    agg = (p_ref[0] + p_ref[1]) * _norm_from(deg_ref, 1)
    h = jnp.maximum(agg + b2_ref[...], 0.0)
    h_ref[...] = h
    f1_ref[...] = jnp.dot(h, f1w_ref[...], preferred_element_type=jnp.float32,
                          precision=lax.Precision.HIGHEST)
    f2_ref[...] = jnp.dot(h, f2w_ref[...], preferred_element_type=jnp.float32,
                          precision=lax.Precision.HIGHEST)


def _tc_conv2(parts, degs, b2, Wfc1T, Wfc2T):
    out_sd = jax.ShapeDtypeStruct((_NP, _D), jnp.float32)
    return pl.pallas_call(
        _conv2_body,
        grid=(_NP // _RB,),
        in_specs=[
            pl.BlockSpec((2, _RB, _D), lambda i: (0, i, 0)),
            pl.BlockSpec((2, _NW, _RB), lambda i: (0, 0, i)),
            pl.BlockSpec((1, _D), lambda i: (0, 0)),
            pl.BlockSpec((_D, _D), lambda i: (0, 0)),
            pl.BlockSpec((_D, _D), lambda i: (0, 0)),
        ],
        out_specs=[pl.BlockSpec((_RB, _D), lambda i: (i, 0))] * 3,
        out_shape=[out_sd, out_sd, out_sd],
    )(parts, degs, b2, Wfc1T, Wfc2T)



def kernel(in_feat, edge_index, W1, b1, W2, b2, Wfc1, Wfc2):
    src = edge_index[0].reshape(_NW, _ECH // _IB, _IB, _C)
    dst = edge_index[1].reshape(_NW, _ECH // _IB, _IB, _C)
    x_pad = jnp.zeros((_NP, _D), jnp.float32).at[:_N].set(in_feat)
    zeros_blk = jnp.zeros((_C, _D), jnp.float32)

    degs = _sc_degrees2(edge_index)
    xn = _tc_normalize(x_pad, degs)
    p1 = _sc_aggregate(xn, src, dst, zeros_blk)
    g1 = _tc_conv1(p1, degs, W1, b1.reshape(1, 2 * _D), W2)
    p2 = _sc_aggregate(g1, src, dst, zeros_blk)
    h, f1, f2 = _tc_conv2(p2, degs, b2.reshape(1, _D),
                          Wfc1.T, Wfc2.T)
    return (h[:_N], f1[:_N], f2[:_N])

# --- scband reference (transcript-rebuilt; emitter-appended) ---
"""Pipeline reference for scband-my-gcn-23605140259107 (READ-ONLY COPY).

The authoritative reference and input builder live on the scoring server;
editing this copy changes nothing except your own understanding.
"""

import jax, jax.numpy as jnp
import numpy as np

N = 10000
E = 320000
DIN = 128
H = 128  # h_feats


def setup_inputs(seed: int = 0) -> dict:
    key = jax.random.key(seed)
    ks = jax.random.split(key, 10)
    x = jax.random.normal(ks[0], (N, DIN), dtype=jnp.float32)
    edge_index = jax.random.randint(ks[1], (2, E), 0, N, dtype=jnp.int32)
    # GraphConv params: conv1 (DIN -> 2H), conv2 (2H -> H), each with bias (DGL default)
    W1 = jax.random.normal(ks[2], (DIN, 2 * H), dtype=jnp.float32) * (1.0 / np.sqrt(DIN))
    b1 = jnp.zeros((2 * H,), dtype=jnp.float32)
    W2 = jax.random.normal(ks[3], (2 * H, H), dtype=jnp.float32) * (1.0 / np.sqrt(2 * H))
    b2 = jnp.zeros((H,), dtype=jnp.float32)
    # fc1, fc2: Linear(H, H, bias=False); torch stores weight as [out, in]
    Wfc1 = jax.random.normal(ks[4], (H, H), dtype=jnp.float32) * (1.0 / np.sqrt(H))
    Wfc2 = jax.random.normal(ks[5], (H, H), dtype=jnp.float32) * (1.0 / np.sqrt(H))
    return {"in_feat": x, "edge_index": edge_index, "W1": W1, "b1": b1,
            "W2": W2, "b2": b2, "Wfc1": Wfc1, "Wfc2": Wfc2}


def _gcn_conv(x, src, dst, W, b):
    # DGL GraphConv with norm='both': D_dst^{-1/2} A D_src^{-1/2} X W + b
    ones = jnp.ones((E,), dtype=jnp.float32)
    deg_out = jax.ops.segment_sum(ones, src, num_segments=N)
    deg_in = jax.ops.segment_sum(ones, dst, num_segments=N)
    norm_src = jnp.maximum(deg_out, 1.0) ** -0.5
    norm_dst = jnp.maximum(deg_in, 1.0) ** -0.5
    h = x * norm_src[:, None]
    h = h @ W
    m = jnp.take(h, src, axis=0)
    agg = jax.ops.segment_sum(m, dst, num_segments=N)
    agg = agg * norm_dst[:, None]
    return agg + b


def reference(in_feat, edge_index, W1, b1, W2, b2, Wfc1, Wfc2):
    src = edge_index[0]
    dst = edge_index[1]
    h = jax.nn.relu(_gcn_conv(in_feat, src, dst, W1, b1))
    h = jax.nn.relu(_gcn_conv(h, src, dst, W2, b2))
    feat1 = h @ Wfc1.T
    feat2 = h @ Wfc2.T
    return (h, feat1, feat2)

if __name__ == "__main__":
    import jax
    _d = setup_inputs()
    print(jax.jit(kernel)(*tuple(_d.values())))

</pallas_src>

<mosaic_0001>
#map = affine_map<(d0, d1) -> (0, 0)>
#map1 = affine_map<(d0, d1) -> (0, 0, 0, 0)>
#map2 = affine_map<(d0, d1) -> (0, 0, 0)>
module attributes {stable_mosaic.version = 14 : i64} {
  func.func @_agg_body(%arg0: i32, %arg1: i32, %arg2: memref<10240x128xf32, #tpu.memory_space<hbm>>, %arg3: memref<32x25x5x80xi32, #tpu.memory_space<hbm>>, %arg4: memref<32x25x5x80xi32, #tpu.memory_space<hbm>>, %arg5: memref<80x128xf32, #tpu.memory_space<hbm>>, %arg6: memref<2x10240x128xf32, #tpu.memory_space<hbm>>, %arg7: memref<5x80xi32, #tpu.memory_space<vmem>>, %arg8: memref<5x80xi32, #tpu.memory_space<vmem>>, %arg9: memref<80x128xf32, #tpu.memory_space<vmem>>, %arg10: memref<10240x128xf32, #tpu.memory_space<vmem_shared>>, %arg11: memref<!tpu.dma_semaphore, #tpu.memory_space<semaphore_mem>>) attributes {dimension_semantics = [#tpu.dimension_semantics<core_parallel>, #tpu.dimension_semantics<subcore_parallel>], iteration_bounds = array<i64: 2, 16>, scalar_prefetch = 0 : i64, scratch_operands = 5 : i64, tpu.core_type = #tpu.core_type<sc_vector_subcore>, window_params = [{transform_indices = #map}, {transform_indices = #map1}, {transform_indices = #map1}, {transform_indices = #map}, {transform_indices = #map2}]} {
    %mul3A = arith.constant 2 : i32
    %mul3A_0 = arith.muli %arg1, %mul3A : i32
    %add3A = arith.addi %mul3A_0, %arg0 : i32
    "tpu.region"() ({
      %run_scoped3A = tpu.sem_alloc : memref<!tpu.dma_semaphore, #tpu.memory_space<semaphore_mem>>
      tpu.enqueue_dma source(%arg5 : memref<80x128xf32, #tpu.memory_space<hbm>>) target(%arg9 : memref<80x128xf32, #tpu.memory_space<vmem>>) target_semaphore(%run_scoped3A : memref<!tpu.dma_semaphore, #tpu.memory_space<semaphore_mem>>)
      tpu.wait_dma2 semaphore(%run_scoped3A : memref<!tpu.dma_semaphore, #tpu.memory_space<semaphore_mem>>) src(%arg5 : memref<80x128xf32, #tpu.memory_space<hbm>>) dst(%arg9 : memref<80x128xf32, #tpu.memory_space<vmem>>)
      tpu.yield
    }) : () -> ()
    %mul3A_1 = arith.constant 640 : i32
    %mul3A_2 = arith.muli %arg1, %mul3A_1 : i32
    %add3A_3 = arith.constant 0 : i32
    %add3A_4 = arith.addi %mul3A_2, %add3A_3 : i32
    "tpu.region"() ({
      %run_scoped3A = tpu.sem_alloc : memref<!tpu.dma_semaphore, #tpu.memory_space<semaphore_mem>>
      %dma_start3A = arith.constant 0 : i32
      %dma_start3A_71 = tpu.memref_slice %arg10[%add3A_4, %dma_start3A] : memref<10240x128xf32, #tpu.memory_space<vmem_shared>> -> memref<80x128xf32, #tpu.memory_space<vmem_shared>>
      %dma_start3A_72 = arith.constant 0 : i32
      %dma_start3A_73 = tpu.memref_slice %arg10[%add3A_4, %dma_start3A_72] : memref<10240x128xf32, #tpu.memory_space<vmem_shared>> -> memref<80x128xf32, #tpu.memory_space<vmem_shared>>
      tpu.enqueue_dma source(%arg9 : memref<80x128xf32, #tpu.memory_space<vmem>>) target(%dma_start3A_73 : memref<80x128xf32, #tpu.memory_space<vmem_shared>>) target_semaphore(%run_scoped3A : memref<!tpu.dma_semaphore, #tpu.memory_space<semaphore_mem>>)
      %dma_wait3A = arith.constant 0 : i32
      %dma_wait3A_74 = tpu.memref_slice %arg10[%add3A_4, %dma_wait3A] : memref<10240x128xf32, #tpu.memory_space<vmem_shared>> -> memref<80x128xf32, #tpu.memory_space<vmem_shared>>
      %dma_wait3A_75 = arith.constant 0 : i32
      %dma_wait3A_76 = tpu.memref_slice %arg10[%add3A_4, %dma_wait3A_75] : memref<10240x128xf32, #tpu.memory_space<vmem_shared>> -> memref<80x128xf32, #tpu.memory_space<vmem_shared>>
      tpu.wait_dma2 semaphore(%run_scoped3A : memref<!tpu.dma_semaphore, #tpu.memory_space<semaphore_mem>>) src(%arg9 : memref<80x128xf32, #tpu.memory_space<vmem>>) dst(%dma_wait3A_76 : memref<80x128xf32, #tpu.memory_space<vmem_shared>>)
      tpu.yield
    }) : () -> ()
    %mul3A_5 = arith.constant 640 : i32
    %mul3A_6 = arith.muli %arg1, %mul3A_5 : i32
    %add3A_7 = arith.constant 80 : i32
    %add3A_8 = arith.addi %mul3A_6, %add3A_7 : i32
    "tpu.region"() ({
      %run_scoped3A = tpu.sem_alloc : memref<!tpu.dma_semaphore, #tpu.memory_space<semaphore_mem>>
      %dma_start3A = arith.constant 0 : i32
      %dma_start3A_71 = tpu.memref_slice %arg10[%add3A_8, %dma_start3A] : memref<10240x128xf32, #tpu.memory_space<vmem_shared>> -> memref<80x128xf32, #tpu.memory_space<vmem_shared>>
      %dma_start3A_72 = arith.constant 0 : i32
      %dma_start3A_73 = tpu.memref_slice %arg10[%add3A_8, %dma_start3A_72] : memref<10240x128xf32, #tpu.memory_space<vmem_shared>> -> memref<80x128xf32, #tpu.memory_space<vmem_shared>>
      tpu.enqueue_dma source(%arg9 : memref<80x128xf32, #tpu.memory_space<vmem>>) target(%dma_start3A_73 : memref<80x128xf32, #tpu.memory_space<vmem_shared>>) target_semaphore(%run_scoped3A : memref<!tpu.dma_semaphore, #tpu.memory_space<semaphore_mem>>)
      %dma_wait3A = arith.constant 0 : i32
      %dma_wait3A_74 = tpu.memref_slice %arg10[%add3A_8, %dma_wait3A] : memref<10240x128xf32, #tpu.memory_space<vmem_shared>> -> memref<80x128xf32, #tpu.memory_space<vmem_shared>>
      %dma_wait3A_75 = arith.constant 0 : i32
      %dma_wait3A_76 = tpu.memref_slice %arg10[%add3A_8, %dma_wait3A_75] : memref<10240x128xf32, #tpu.memory_space<vmem_shared>> -> memref<80x128xf32, #tpu.memory_space<vmem_shared>>
      tpu.wait_dma2 semaphore(%run_scoped3A : memref<!tpu.dma_semaphore, #tpu.memory_space<semaphore_mem>>) src(%arg9 : memref<80x128xf32, #tpu.memory_space<vmem>>) dst(%dma_wait3A_76 : memref<80x128xf32, #tpu.memory_space<vmem_shared>>)
      tpu.yield
    }) : () -> ()
    %mul3A_9 = arith.constant 640 : i32
    %mul3A_10 = arith.muli %arg1, %mul3A_9 : i32
    %add3A_11 = arith.constant 160 : i32
    %add3A_12 = arith.addi %mul3A_10, %add3A_11 : i32
    "tpu.region"() ({
      %run_scoped3A = tpu.sem_alloc : memref<!tpu.dma_semaphore, #tpu.memory_space<semaphore_mem>>
      %dma_start3A = arith.constant 0 : i32
      %dma_start3A_71 = tpu.memref_slice %arg10[%add3A_12, %dma_start3A] : memref<10240x128xf32, #tpu.memory_space<vmem_shared>> -> memref<80x128xf32, #tpu.memory_space<vmem_shared>>
      %dma_start3A_72 = arith.constant 0 : i32
      %dma_start3A_73 = tpu.memref_slice %arg10[%add3A_12, %dma_start3A_72] : memref<10240x128xf32, #tpu.memory_space<vmem_shared>> -> memref<80x128xf32, #tpu.memory_space<vmem_shared>>
      tpu.enqueue_dma source(%arg9 : memref<80x128xf32, #tpu.memory_space<vmem>>) target(%dma_start3A_73 : memref<80x128xf32, #tpu.memory_space<vmem_shared>>) target_semaphore(%run_scoped3A : memref<!tpu.dma_semaphore, #tpu.memory_space<semaphore_mem>>)
      %dma_wait3A = arith.constant 0 : i32
      %dma_wait3A_74 = tpu.memref_slice %arg10[%add3A_12, %dma_wait3A] : memref<10240x128xf32, #tpu.memory_space<vmem_shared>> -> memref<80x128xf32, #tpu.memory_space<vmem_shared>>
      %dma_wait3A_75 = arith.constant 0 : i32
      %dma_wait3A_76 = tpu.memref_slice %arg10[%add3A_12, %dma_wait3A_75] : memref<10240x128xf32, #tpu.memory_space<vmem_shared>> -> memref<80x128xf32, #tpu.memory_space<vmem_shared>>
      tpu.wait_dma2 semaphore(%run_scoped3A : memref<!tpu.dma_semaphore, #tpu.memory_space<semaphore_mem>>) src(%arg9 : memref<80x128xf32, #tpu.memory_space<vmem>>) dst(%dma_wait3A_76 : memref<80x128xf32, #tpu.memory_space<vmem_shared>>)
      tpu.yield
    }) : () -> ()
    %mul3A_13 = arith.constant 640 : i32
    %mul3A_14 = arith.muli %arg1, %mul3A_13 : i32
    %add3A_15 = arith.constant 240 : i32
    %add3A_16 = arith.addi %mul3A_14, %add3A_15 : i32
    "tpu.region"() ({
      %run_scoped3A = tpu.sem_alloc : memref<!tpu.dma_semaphore, #tpu.memory_space<semaphore_mem>>
      %dma_start3A = arith.constant 0 : i32
      %dma_start3A_71 = tpu.memref_slice %arg10[%add3A_16, %dma_start3A] : memref<10240x128xf32, #tpu.memory_space<vmem_shared>> -> memref<80x128xf32, #tpu.memory_space<vmem_shared>>
      %dma_start3A_72 = arith.constant 0 : i32
      %dma_start3A_73 = tpu.memref_slice %arg10[%add3A_16, %dma_start3A_72] : memref<10240x128xf32, #tpu.memory_space<vmem_shared>> -> memref<80x128xf32, #tpu.memory_space<vmem_shared>>
      tpu.enqueue_dma source(%arg9 : memref<80x128xf32, #tpu.memory_space<vmem>>) target(%dma_start3A_73 : memref<80x128xf32, #tpu.memory_space<vmem_shared>>) target_semaphore(%run_scoped3A : memref<!tpu.dma_semaphore, #tpu.memory_space<semaphore_mem>>)
      %dma_wait3A = arith.constant 0 : i32
      %dma_wait3A_74 = tpu.memref_slice %arg10[%add3A_16, %dma_wait3A] : memref<10240x128xf32, #tpu.memory_space<vmem_shared>> -> memref<80x128xf32, #tpu.memory_space<vmem_shared>>
      %dma_wait3A_75 = arith.constant 0 : i32
      %dma_wait3A_76 = tpu.memref_slice %arg10[%add3A_16, %dma_wait3A_75] : memref<10240x128xf32, #tpu.memory_space<vmem_shared>> -> memref<80x128xf32, #tpu.memory_space<vmem_shared>>
      tpu.wait_dma2 semaphore(%run_scoped3A : memref<!tpu.dma_semaphore, #tpu.memory_space<semaphore_mem>>) src(%arg9 : memref<80x128xf32, #tpu.memory_space<vmem>>) dst(%dma_wait3A_76 : memref<80x128xf32, #tpu.memory_space<vmem_shared>>)
      tpu.yield
    }) : () -> ()
    %mul3A_17 = arith.constant 640 : i32
    %mul3A_18 = arith.muli %arg1, %mul3A_17 : i32
    %add3A_19 = arith.constant 320 : i32
    %add3A_20 = arith.addi %mul3A_18, %add3A_19 : i32
    "tpu.region"() ({
      %run_scoped3A = tpu.sem_alloc : memref<!tpu.dma_semaphore, #tpu.memory_space<semaphore_mem>>
      %dma_start3A = arith.constant 0 : i32
      %dma_start3A_71 = tpu.memref_slice %arg10[%add3A_20, %dma_start3A] : memref<10240x128xf32, #tpu.memory_space<vmem_shared>> -> memref<80x128xf32, #tpu.memory_space<vmem_shared>>
      %dma_start3A_72 = arith.constant 0 : i32
      %dma_start3A_73 = tpu.memref_slice %arg10[%add3A_20, %dma_start3A_72] : memref<10240x128xf32, #tpu.memory_space<vmem_shared>> -> memref<80x128xf32, #tpu.memory_space<vmem_shared>>
      tpu.enqueue_dma source(%arg9 : memref<80x128xf32, #tpu.memory_space<vmem>>) target(%dma_start3A_73 : memref<80x128xf32, #tpu.memory_space<vmem_shared>>) target_semaphore(%run_scoped3A : memref<!tpu.dma_semaphore, #tpu.memory_space<semaphore_mem>>)
      %dma_wait3A = arith.constant 0 : i32
      %dma_wait3A_74 = tpu.memref_slice %arg10[%add3A_20, %dma_wait3A] : memref<10240x128xf32, #tpu.memory_space<vmem_shared>> -> memref<80x128xf32, #tpu.memory_space<vmem_shared>>
      %dma_wait3A_75 = arith.constant 0 : i32
      %dma_wait3A_76 = tpu.memref_slice %arg10[%add3A_20, %dma_wait3A_75] : memref<10240x128xf32, #tpu.memory_space<vmem_shared>> -> memref<80x128xf32, #tpu.memory_space<vmem_shared>>
      tpu.wait_dma2 semaphore(%run_scoped3A : memref<!tpu.dma_semaphore, #tpu.memory_space<semaphore_mem>>) src(%arg9 : memref<80x128xf32, #tpu.memory_space<vmem>>) dst(%dma_wait3A_76 : memref<80x128xf32, #tpu.memory_space<vmem_shared>>)
      tpu.yield
    }) : () -> ()
    %mul3A_21 = arith.constant 640 : i32
    %mul3A_22 = arith.muli %arg1, %mul3A_21 : i32
    %add3A_23 = arith.constant 400 : i32
    %add3A_24 = arith.addi %mul3A_22, %add3A_23 : i32
    "tpu.region"() ({
      %run_scoped3A = tpu.sem_alloc : memref<!tpu.dma_semaphore, #tpu.memory_space<semaphore_mem>>
      %dma_start3A = arith.constant 0 : i32
      %dma_start3A_71 = tpu.memref_slice %arg10[%add3A_24, %dma_start3A] : memref<10240x128xf32, #tpu.memory_space<vmem_shared>> -> memref<80x128xf32, #tpu.memory_space<vmem_shared>>
      %dma_start3A_72 = arith.constant 0 : i32
      %dma_start3A_73 = tpu.memref_slice %arg10[%add3A_24, %dma_start3A_72] : memref<10240x128xf32, #tpu.memory_space<vmem_shared>> -> memref<80x128xf32, #tpu.memory_space<vmem_shared>>
      tpu.enqueue_dma source(%arg9 : memref<80x128xf32, #tpu.memory_space<vmem>>) target(%dma_start3A_73 : memref<80x128xf32, #tpu.memory_space<vmem_shared>>) target_semaphore(%run_scoped3A : memref<!tpu.dma_semaphore, #tpu.memory_space<semaphore_mem>>)
      %dma_wait3A = arith.constant 0 : i32
      %dma_wait3A_74 = tpu.memref_slice %arg10[%add3A_24, %dma_wait3A] : memref<10240x128xf32, #tpu.memory_space<vmem_shared>> -> memref<80x128xf32, #tpu.memory_space<vmem_shared>>
      %dma_wait3A_75 = arith.constant 0 : i32
      %dma_wait3A_76 = tpu.memref_slice %arg10[%add3A_24, %dma_wait3A_75] : memref<10240x128xf32, #tpu.memory_space<vmem_shared>> -> memref<80x128xf32, #tpu.memory_space<vmem_shared>>
      tpu.wait_dma2 semaphore(%run_scoped3A : memref<!tpu.dma_semaphore, #tpu.memory_space<semaphore_mem>>) src(%arg9 : memref<80x128xf32, #tpu.memory_space<vmem>>) dst(%dma_wait3A_76 : memref<80x128xf32, #tpu.memory_space<vmem_shared>>)
      tpu.yield
    }) : () -> ()
    %mul3A_25 = arith.constant 640 : i32
    %mul3A_26 = arith.muli %arg1, %mul3A_25 : i32
    %add3A_27 = arith.constant 480 : i32
    %add3A_28 = arith.addi %mul3A_26, %add3A_27 : i32
    "tpu.region"() ({
      %run_scoped3A = tpu.sem_alloc : memref<!tpu.dma_semaphore, #tpu.memory_space<semaphore_mem>>
      %dma_start3A = arith.constant 0 : i32
      %dma_start3A_71 = tpu.memref_slice %arg10[%add3A_28, %dma_start3A] : memref<10240x128xf32, #tpu.memory_space<vmem_shared>> -> memref<80x128xf32, #tpu.memory_space<vmem_shared>>
      %dma_start3A_72 = arith.constant 0 : i32
      %dma_start3A_73 = tpu.memref_slice %arg10[%add3A_28, %dma_start3A_72] : memref<10240x128xf32, #tpu.memory_space<vmem_shared>> -> memref<80x128xf32, #tpu.memory_space<vmem_shared>>
      tpu.enqueue_dma source(%arg9 : memref<80x128xf32, #tpu.memory_space<vmem>>) target(%dma_start3A_73 : memref<80x128xf32, #tpu.memory_space<vmem_shared>>) target_semaphore(%run_scoped3A : memref<!tpu.dma_semaphore, #tpu.memory_space<semaphore_mem>>)
      %dma_wait3A = arith.constant 0 : i32
      %dma_wait3A_74 = tpu.memref_slice %arg10[%add3A_28, %dma_wait3A] : memref<10240x128xf32, #tpu.memory_space<vmem_shared>> -> memref<80x128xf32, #tpu.memory_space<vmem_shared>>
      %dma_wait3A_75 = arith.constant 0 : i32
      %dma_wait3A_76 = tpu.memref_slice %arg10[%add3A_28, %dma_wait3A_75] : memref<10240x128xf32, #tpu.memory_space<vmem_shared>> -> memref<80x128xf32, #tpu.memory_space<vmem_shared>>
      tpu.wait_dma2 semaphore(%run_scoped3A : memref<!tpu.dma_semaphore, #tpu.memory_space<semaphore_mem>>) src(%arg9 : memref<80x128xf32, #tpu.memory_space<vmem>>) dst(%dma_wait3A_76 : memref<80x128xf32, #tpu.memory_space<vmem_shared>>)
      tpu.yield
    }) : () -> ()
    %mul3A_29 = arith.constant 640 : i32
    %mul3A_30 = arith.muli %arg1, %mul3A_29 : i32
    %add3A_31 = arith.constant 560 : i32
    %add3A_32 = arith.addi %mul3A_30, %add3A_31 : i32
    "tpu.region"() ({
      %run_scoped3A = tpu.sem_alloc : memref<!tpu.dma_semaphore, #tpu.memory_space<semaphore_mem>>
      %dma_start3A = arith.constant 0 : i32
      %dma_start3A_71 = tpu.memref_slice %arg10[%add3A_32, %dma_start3A] : memref<10240x128xf32, #tpu.memory_space<vmem_shared>> -> memref<80x128xf32, #tpu.memory_space<vmem_shared>>
      %dma_start3A_72 = arith.constant 0 : i32
      %dma_start3A_73 = tpu.memref_slice %arg10[%add3A_32, %dma_start3A_72] : memref<10240x128xf32, #tpu.memory_space<vmem_shared>> -> memref<80x128xf32, #tpu.memory_space<vmem_shared>>
      tpu.enqueue_dma source(%arg9 : memref<80x128xf32, #tpu.memory_space<vmem>>) target(%dma_start3A_73 : memref<80x128xf32, #tpu.memory_space<vmem_shared>>) target_semaphore(%run_scoped3A : memref<!tpu.dma_semaphore, #tpu.memory_space<semaphore_mem>>)
      %dma_wait3A = arith.constant 0 : i32
      %dma_wait3A_74 = tpu.memref_slice %arg10[%add3A_32, %dma_wait3A] : memref<10240x128xf32, #tpu.memory_space<vmem_shared>> -> memref<80x128xf32, #tpu.memory_space<vmem_shared>>
      %dma_wait3A_75 = arith.constant 0 : i32
      %dma_wait3A_76 = tpu.memref_slice %arg10[%add3A_32, %dma_wait3A_75] : memref<10240x128xf32, #tpu.memory_space<vmem_shared>> -> memref<80x128xf32, #tpu.memory_space<vmem_shared>>
      tpu.wait_dma2 semaphore(%run_scoped3A : memref<!tpu.dma_semaphore, #tpu.memory_space<semaphore_mem>>) src(%arg9 : memref<80x128xf32, #tpu.memory_space<vmem>>) dst(%dma_wait3A_76 : memref<80x128xf32, #tpu.memory_space<vmem_shared>>)
      tpu.yield
    }) : () -> ()
    %barrier3A = arith.constant 0 : index
    tpu.barrier barrier_id(%barrier3A)
    %scan3A = arith.constant 0 : i32
    %scan3A_33 = arith.constant 0 : i32
    %scan3A_34 = arith.constant 25 : i32
    %scan3A_35 = arith.addi %scan3A_33, %scan3A_34 : i32
    %scan3A_36 = arith.constant 1 : i32
    scf.for %scan3A_71 = %scan3A_33 to %scan3A_35 step %scan3A_36  : i32 {
      "tpu.region"() ({
        %run_scoped3A_144 = tpu.sem_alloc : memref<!tpu.dma_semaphore, #tpu.memory_space<semaphore_mem>>
        %dma_start3A_145 = arith.constant 0 : i32
        %dma_start3A_146 = arith.constant 0 : i32
        %dma_start3A_147 = tpu.memref_slice %arg3[%add3A, %scan3A_71, %dma_start3A_145, %dma_start3A_146] : memref<32x25x5x80xi32, #tpu.memory_space<hbm>> -> memref<1x1x5x80xi32, #tpu.memory_space<hbm>>
        %dma_start3A_148 = tpu.memref_squeeze %dma_start3A_147 : memref<1x1x5x80xi32, #tpu.memory_space<hbm>> -> memref<5x80xi32, #tpu.memory_space<hbm>>
        %dma_start3A_149 = arith.constant 0 : i32
        %dma_start3A_150 = arith.constant 0 : i32
        %dma_start3A_151 = tpu.memref_slice %arg3[%add3A, %scan3A_71, %dma_start3A_149, %dma_start3A_150] : memref<32x25x5x80xi32, #tpu.memory_space<hbm>> -> memref<1x1x5x80xi32, #tpu.memory_space<hbm>>
        %dma_start3A_152 = tpu.memref_squeeze %dma_start3A_151 : memref<1x1x5x80xi32, #tpu.memory_space<hbm>> -> memref<5x80xi32, #tpu.memory_space<hbm>>
        tpu.enqueue_dma source(%dma_start3A_152 : memref<5x80xi32, #tpu.memory_space<hbm>>) target(%arg7 : memref<5x80xi32, #tpu.memory_space<vmem>>) target_semaphore(%run_scoped3A_144 : memref<!tpu.dma_semaphore, #tpu.memory_space<semaphore_mem>>)
        %dma_wait3A_153 = arith.constant 0 : i32
        %dma_wait3A_154 = arith.constant 0 : i32
        %dma_wait3A_155 = tpu.memref_slice %arg3[%add3A, %scan3A_71, %dma_wait3A_153, %dma_wait3A_154] : memref<32x25x5x80xi32, #tpu.memory_space<hbm>> -> memref<1x1x5x80xi32, #tpu.memory_space<hbm>>
        %dma_wait3A_156 = tpu.memref_squeeze %dma_wait3A_155 : memref<1x1x5x80xi32, #tpu.memory_space<hbm>> -> memref<5x80xi32, #tpu.memory_space<hbm>>
        %dma_wait3A_157 = arith.constant 0 : i32
        %dma_wait3A_158 = arith.constant 0 : i32
        %dma_wait3A_159 = tpu.memref_slice %arg3[%add3A, %scan3A_71, %dma_wait3A_157, %dma_wait3A_158] : memref<32x25x5x80xi32, #tpu.memory_space<hbm>> -> memref<1x1x5x80xi32, #tpu.memory_space<hbm>>
        %dma_wait3A_160 = tpu.memref_squeeze %dma_wait3A_159 : memref<1x1x5x80xi32, #tpu.memory_space<hbm>> -> memref<5x80xi32, #tpu.memory_space<hbm>>
        tpu.wait_dma2 semaphore(%run_scoped3A_144 : memref<!tpu.dma_semaphore, #tpu.memory_space<semaphore_mem>>) src(%dma_wait3A_160 : memref<5x80xi32, #tpu.memory_space<hbm>>) dst(%arg7 : memref<5x80xi32, #tpu.memory_space<vmem>>)
        tpu.yield
      }) : () -> ()
      "tpu.region"() ({
        %run_scoped3A_144 = tpu.sem_alloc : memref<!tpu.dma_semaphore, #tpu.memory_space<semaphore_mem>>
        %dma_start3A_145 = arith.constant 0 : i32
        %dma_start3A_146 = arith.constant 0 : i32
        %dma_start3A_147 = tpu.memref_slice %arg4[%add3A, %scan3A_71, %dma_start3A_145, %dma_start3A_146] : memref<32x25x5x80xi32, #tpu.memory_space<hbm>> -> memref<1x1x5x80xi32, #tpu.memory_space<hbm>>
        %dma_start3A_148 = tpu.memref_squeeze %dma_start3A_147 : memref<1x1x5x80xi32, #tpu.memory_space<hbm>> -> memref<5x80xi32, #tpu.memory_space<hbm>>
        %dma_start3A_149 = arith.constant 0 : i32
        %dma_start3A_150 = arith.constant 0 : i32
        %dma_start3A_151 = tpu.memref_slice %arg4[%add3A, %scan3A_71, %dma_start3A_149, %dma_start3A_150] : memref<32x25x5x80xi32, #tpu.memory_space<hbm>> -> memref<1x1x5x80xi32, #tpu.memory_space<hbm>>
        %dma_start3A_152 = tpu.memref_squeeze %dma_start3A_151 : memref<1x1x5x80xi32, #tpu.memory_space<hbm>> -> memref<5x80xi32, #tpu.memory_space<hbm>>
        tpu.enqueue_dma source(%dma_start3A_152 : memref<5x80xi32, #tpu.memory_space<hbm>>) target(%arg8 : memref<5x80xi32, #tpu.memory_space<vmem>>) target_semaphore(%run_scoped3A_144 : memref<!tpu.dma_semaphore, #tpu.memory_space<semaphore_mem>>)
        %dma_wait3A_153 = arith.constant 0 : i32
        %dma_wait3A_154 = arith.constant 0 : i32
        %dma_wait3A_155 = tpu.memref_slice %arg4[%add3A, %scan3A_71, %dma_wait3A_153, %dma_wait3A_154] : memref<32x25x5x80xi32, #tpu.memory_space<hbm>> -> memref<1x1x5x80xi32, #tpu.memory_space<hbm>>
        %dma_wait3A_156 = tpu.memref_squeeze %dma_wait3A_155 : memref<1x1x5x80xi32, #tpu.memory_space<hbm>> -> memref<5x80xi32, #tpu.memory_space<hbm>>
        %dma_wait3A_157 = arith.constant 0 : i32
        %dma_wait3A_158 = arith.constant 0 : i32
        %dma_wait3A_159 = tpu.memref_slice %arg4[%add3A, %scan3A_71, %dma_wait3A_157, %dma_wait3A_158] : memref<32x25x5x80xi32, #tpu.memory_space<hbm>> -> memref<1x1x5x80xi32, #tpu.memory_space<hbm>>
        %dma_wait3A_160 = tpu.memref_squeeze %dma_wait3A_159 : memref<1x1x5x80xi32, #tpu.memory_space<hbm>> -> memref<5x80xi32, #tpu.memory_space<hbm>>
        tpu.wait_dma2 semaphore(%run_scoped3A_144 : memref<!tpu.dma_semaphore, #tpu.memory_space<semaphore_mem>>) src(%dma_wait3A_160 : memref<5x80xi32, #tpu.memory_space<hbm>>) dst(%arg8 : memref<5x80xi32, #tpu.memory_space<vmem>>)
        tpu.yield
      }) : () -> ()
      %dma_start3A = arith.constant 0 : i32
      %dma_start3A_72 = arith.constant 0 : i32
      %dma_start3A_73 = tpu.memref_slice %arg7[%dma_start3A, %dma_start3A_72] : memref<5x80xi32, #tpu.memory_space<vmem>> -> memref<1x80xi32, #tpu.memory_space<vmem>>
      %dma_start3A_74 = tpu.memref_squeeze %dma_start3A_73 : memref<1x80xi32, #tpu.memory_space<vmem>> -> memref<80xi32, #tpu.memory_space<vmem>>
      %dma_start3A_75 = arith.constant 0 : i32
      %dma_start3A_76 = arith.constant 0 : i32
      %dma_start3A_77 = tpu.memref_slice %arg2[%dma_start3A_75, %dma_start3A_76] : memref<10240x128xf32, #tpu.memory_space<hbm>> -> memref<10240x128xf32, #tpu.memory_space<hbm>>
      tpu.enqueue_indirect_dma source(%dma_start3A_77 : memref<10240x128xf32, #tpu.memory_space<hbm>>) target(%arg9 : memref<80x128xf32, #tpu.memory_space<vmem>>) offsets(%dma_start3A_74 : memref<80xi32, #tpu.memory_space<vmem>>) semaphore(%arg11 : memref<!tpu.dma_semaphore, #tpu.memory_space<semaphore_mem>>)
      %dma_wait3A = arith.constant 0 : i32
      %dma_wait3A_78 = arith.constant 0 : i32
      %dma_wait3A_79 = tpu.memref_slice %arg7[%dma_wait3A, %dma_wait3A_78] : memref<5x80xi32, #tpu.memory_space<vmem>> -> memref<1x80xi32, #tpu.memory_space<vmem>>
      %dma_wait3A_80 = tpu.memref_squeeze %dma_wait3A_79 : memref<1x80xi32, #tpu.memory_space<vmem>> -> memref<80xi32, #tpu.memory_space<vmem>>
      %dma_wait3A_81 = arith.constant 0 : i32
      %dma_wait3A_82 = arith.constant 0 : i32
      %dma_wait3A_83 = tpu.memref_slice %arg2[%dma_wait3A_81, %dma_wait3A_82] : memref<10240x128xf32, #tpu.memory_space<hbm>> -> memref<10240x128xf32, #tpu.memory_space<hbm>>
      tpu.wait_indirect_dma semaphore(%arg11 : memref<!tpu.dma_semaphore, #tpu.memory_space<semaphore_mem>>) src(%dma_wait3A_83 : memref<10240x128xf32, #tpu.memory_space<hbm>>) dst(%arg9 : memref<80x128xf32, #tpu.memory_space<vmem>>)
      %run_scoped3A = arith.constant 0 : i32
      "tpu.region"() ({
        %run_scoped3A_144 = tpu.sem_alloc : memref<!tpu.dma_semaphore, #tpu.memory_space<semaphore_mem>>
        %dma_start3A_145 = arith.constant 0 : i32
        %dma_start3A_146 = tpu.memref_slice %arg8[%run_scoped3A, %dma_start3A_145] : memref<5x80xi32, #tpu.memory_space<vmem>> -> memref<1x80xi32, #tpu.memory_space<vmem>>
        %dma_start3A_147 = tpu.memref_squeeze %dma_start3A_146 : memref<1x80xi32, #tpu.memory_space<vmem>> -> memref<80xi32, #tpu.memory_space<vmem>>
        %dma_start3A_148 = arith.constant 0 : i32
        %dma_start3A_149 = arith.constant 0 : i32
        %dma_start3A_150 = tpu.memref_slice %arg10[%dma_start3A_148, %dma_start3A_149] : memref<10240x128xf32, #tpu.memory_space<vmem_shared>> -> memref<10240x128xf32, #tpu.memory_space<vmem_shared>>
        tpu.enqueue_indirect_dma source(%arg9 : memref<80x128xf32, #tpu.memory_space<vmem>>) target(%dma_start3A_150 : memref<10240x128xf32, #tpu.memory_space<vmem_shared>>) offsets(%dma_start3A_147 : memref<80xi32, #tpu.memory_space<vmem>>) semaphore(%run_scoped3A_144 : memref<!tpu.dma_semaphore, #tpu.memory_space<semaphore_mem>>) {add = true}
        %dma_wait3A_151 = arith.constant 0 : i32
        %dma_wait3A_152 = tpu.memref_slice %arg8[%run_scoped3A, %dma_wait3A_151] : memref<5x80xi32, #tpu.memory_space<vmem>> -> memref<1x80xi32, #tpu.memory_space<vmem>>
        %dma_wait3A_153 = tpu.memref_squeeze %dma_wait3A_152 : memref<1x80xi32, #tpu.memory_space<vmem>> -> memref<80xi32, #tpu.memory_space<vmem>>
        %dma_wait3A_154 = arith.constant 0 : i32
        %dma_wait3A_155 = arith.constant 0 : i32
        %dma_wait3A_156 = tpu.memref_slice %arg10[%dma_wait3A_154, %dma_wait3A_155] : memref<10240x128xf32, #tpu.memory_space<vmem_shared>> -> memref<10240x128xf32, #tpu.memory_space<vmem_shared>>
        tpu.wait_indirect_dma semaphore(%run_scoped3A_144 : memref<!tpu.dma_semaphore, #tpu.memory_space<semaphore_mem>>) src(%arg9 : memref<80x128xf32, #tpu.memory_space<vmem>>) dst(%dma_wait3A_156 : memref<10240x128xf32, #tpu.memory_space<vmem_shared>>)
        tpu.yield
      }) : () -> ()
      %dma_start3A_84 = arith.constant 1 : i32
      %dma_start3A_85 = arith.constant 0 : i32
      %dma_start3A_86 = tpu.memref_slice %arg7[%dma_start3A_84, %dma_start3A_85] : memref<5x80xi32, #tpu.memory_space<vmem>> -> memref<1x80xi32, #tpu.memory_space<vmem>>
      %dma_start3A_87 = tpu.memref_squeeze %dma_start3A_86 : memref<1x80xi32, #tpu.memory_space<vmem>> -> memref<80xi32, #tpu.memory_space<vmem>>
      %dma_start3A_88 = arith.constant 0 : i32
      %dma_start3A_89 = arith.constant 0 : i32
      %dma_start3A_90 = tpu.memref_slice %arg2[%dma_start3A_88, %dma_start3A_89] : memref<10240x128xf32, #tpu.memory_space<hbm>> -> memref<10240x128xf32, #tpu.memory_space<hbm>>
      tpu.enqueue_indirect_dma source(%dma_start3A_90 : memref<10240x128xf32, #tpu.memory_space<hbm>>) target(%arg9 : memref<80x128xf32, #tpu.memory_space<vmem>>) offsets(%dma_start3A_87 : memref<80xi32, #tpu.memory_space<vmem>>) semaphore(%arg11 : memref<!tpu.dma_semaphore, #tpu.memory_space<semaphore_mem>>)
      %dma_wait3A_91 = arith.constant 1 : i32
      %dma_wait3A_92 = arith.constant 0 : i32
      %dma_wait3A_93 = tpu.memref_slice %arg7[%dma_wait3A_91, %dma_wait3A_92] : memref<5x80xi32, #tpu.memory_space<vmem>> -> memref<1x80xi32, #tpu.memory_space<vmem>>
      %dma_wait3A_94 = tpu.memref_squeeze %dma_wait3A_93 : memref<1x80xi32, #tpu.memory_space<vmem>> -> memref<80xi32, #tpu.memory_space<vmem>>
      %dma_wait3A_95 = arith.constant 0 : i32
      %dma_wait3A_96 = arith.constant 0 : i32
      %dma_wait3A_97 = tpu.memref_slice %arg2[%dma_wait3A_95, %dma_wait3A_96] : memref<10240x128xf32, #tpu.memory_space<hbm>> -> memref<10240x128xf32, #tpu.memory_space<hbm>>
      tpu.wait_indirect_dma semaphore(%arg11 : memref<!tpu.dma_semaphore, #tpu.memory_space<semaphore_mem>>) src(%dma_wait3A_97 : memref<10240x128xf32, #tpu.memory_space<hbm>>) dst(%arg9 : memref<80x128xf32, #tpu.memory_space<vmem>>)
      %run_scoped3A_98 = arith.constant 1 : i32
      "tpu.region"() ({
        %run_scoped3A_144 = tpu.sem_alloc : memref<!tpu.dma_semaphore, #tpu.memory_space<semaphore_mem>>
        %dma_start3A_145 = arith.constant 0 : i32
        %dma_start3A_146 = tpu.memref_slice %arg8[%run_scoped3A_98, %dma_start3A_145] : memref<5x80xi32, #tpu.memory_space<vmem>> -> memref<1x80xi32, #tpu.memory_space<vmem>>
        %dma_start3A_147 = tpu.memref_squeeze %dma_start3A_146 : memref<1x80xi32, #tpu.memory_space<vmem>> -> memref<80xi32, #tpu.memory_space<vmem>>
        %dma_start3A_148 = arith.constant 0 : i32
        %dma_start3A_149 = arith.constant 0 : i32
        %dma_start3A_150 = tpu.memref_slice %arg10[%dma_start3A_148, %dma_start3A_149] : memref<10240x128xf32, #tpu.memory_space<vmem_shared>> -> memref<10240x128xf32, #tpu.memory_space<vmem_shared>>
        tpu.enqueue_indirect_dma source(%arg9 : memref<80x128xf32, #tpu.memory_space<vmem>>) target(%dma_start3A_150 : memref<10240x128xf32, #tpu.memory_space<vmem_shared>>) offsets(%dma_start3A_147 : memref<80xi32, #tpu.memory_space<vmem>>) semaphore(%run_scoped3A_144 : memref<!tpu.dma_semaphore, #tpu.memory_space<semaphore_mem>>) {add = true}
        %dma_wait3A_151 = arith.constant 0 : i32
        %dma_wait3A_152 = tpu.memref_slice %arg8[%run_scoped3A_98, %dma_wait3A_151] : memref<5x80xi32, #tpu.memory_space<vmem>> -> memref<1x80xi32, #tpu.memory_space<vmem>>
        %dma_wait3A_153 = tpu.memref_squeeze %dma_wait3A_152 : memref<1x80xi32, #tpu.memory_space<vmem>> -> memref<80xi32, #tpu.memory_space<vmem>>
        %dma_wait3A_154 = arith.constant 0 : i32
        %dma_wait3A_155 = arith.constant 0 : i32
        %dma_wait3A_156 = tpu.memref_slice %arg10[%dma_wait3A_154, %dma_wait3A_155] : memref<10240x128xf32, #tpu.memory_space<vmem_shared>> -> memref<10240x128xf32, #tpu.memory_space<vmem_shared>>
        tpu.wait_indirect_dma semaphore(%run_scoped3A_144 : memref<!tpu.dma_semaphore, #tpu.memory_space<semaphore_mem>>) src(%arg9 : memref<80x128xf32, #tpu.memory_space<vmem>>) dst(%dma_wait3A_156 : memref<10240x128xf32, #tpu.memory_space<vmem_shared>>)
        tpu.yield
      }) : () -> ()
      %dma_start3A_99 = arith.constant 2 : i32
      %dma_start3A_100 = arith.constant 0 : i32
      %dma_start3A_101 = tpu.memref_slice %arg7[%dma_start3A_99, %dma_start3A_100] : memref<5x80xi32, #tpu.memory_space<vmem>> -> memref<1x80xi32, #tpu.memory_space<vmem>>
      %dma_start3A_102 = tpu.memref_squeeze %dma_start3A_101 : memref<1x80xi32, #tpu.memory_space<vmem>> -> memref<80xi32, #tpu.memory_space<vmem>>
      %dma_start3A_103 = arith.constant 0 : i32
      %dma_start3A_104 = arith.constant 0 : i32
      %dma_start3A_105 = tpu.memref_slice %arg2[%dma_start3A_103, %dma_start3A_104] : memref<10240x128xf32, #tpu.memory_space<hbm>> -> memref<10240x128xf32, #tpu.memory_space<hbm>>
      tpu.enqueue_indirect_dma source(%dma_start3A_105 : memref<10240x128xf32, #tpu.memory_space<hbm>>) target(%arg9 : memref<80x128xf32, #tpu.memory_space<vmem>>) offsets(%dma_start3A_102 : memref<80xi32, #tpu.memory_space<vmem>>) semaphore(%arg11 : memref<!tpu.dma_semaphore, #tpu.memory_space<semaphore_mem>>)
      %dma_wait3A_106 = arith.constant 2 : i32
      %dma_wait3A_107 = arith.constant 0 : i32
      %dma_wait3A_108 = tpu.memref_slice %arg7[%dma_wait3A_106, %dma_wait3A_107] : memref<5x80xi32, #tpu.memory_space<vmem>> -> memref<1x80xi32, #tpu.memory_space<vmem>>
      %dma_wait3A_109 = tpu.memref_squeeze %dma_wait3A_108 : memref<1x80xi32, #tpu.memory_space<vmem>> -> memref<80xi32, #tpu.memory_space<vmem>>
      %dma_wait3A_110 = arith.constant 0 : i32
      %dma_wait3A_111 = arith.constant 0 : i32
      %dma_wait3A_112 = tpu.memref_slice %arg2[%dma_wait3A_110, %dma_wait3A_111] : memref<10240x128xf32, #tpu.memory_space<hbm>> -> memref<10240x128xf32, #tpu.memory_space<hbm>>
      tpu.wait_indirect_dma semaphore(%arg11 : memref<!tpu.dma_semaphore, #tpu.memory_space<semaphore_mem>>) src(%dma_wait3A_112 : memref<10240x128xf32, #tpu.memory_space<hbm>>) dst(%arg9 : memref<80x128xf32, #tpu.memory_space<vmem>>)
      %run_scoped3A_113 = arith.constant 2 : i32
      "tpu.region"() ({
        %run_scoped3A_144 = tpu.sem_alloc : memref<!tpu.dma_semaphore, #tpu.memory_space<semaphore_mem>>
        %dma_start3A_145 = arith.constant 0 : i32
        %dma_start3A_146 = tpu.memref_slice %arg8[%run_scoped3A_113, %dma_start3A_145] : memref<5x80xi32, #tpu.memory_space<vmem>> -> memref<1x80xi32, #tpu.memory_space<vmem>>
        %dma_start3A_147 = tpu.memref_squeeze %dma_start3A_146 : memref<1x80xi32, #tpu.memory_space<vmem>> -> memref<80xi32, #tpu.memory_space<vmem>>
        %dma_start3A_148 = arith.constant 0 : i32
        %dma_start3A_149 = arith.constant 0 : i32
        %dma_start3A_150 = tpu.memref_slice %arg10[%dma_start3A_148, %dma_start3A_149] : memref<10240x128xf32, #tpu.memory_space<vmem_shared>> -> memref<10240x128xf32, #tpu.memory_space<vmem_shared>>
        tpu.enqueue_indirect_dma source(%arg9 : memref<80x128xf32, #tpu.memory_space<vmem>>) target(%dma_start3A_150 : memref<10240x128xf32, #tpu.memory_space<vmem_shared>>) offsets(%dma_start3A_147 : memref<80xi32, #tpu.memory_space<vmem>>) semaphore(%run_scoped3A_144 : memref<!tpu.dma_semaphore, #tpu.memory_space<semaphore_mem>>) {add = true}
        %dma_wait3A_151 = arith.constant 0 : i32
        %dma_wait3A_152 = tpu.memref_slice %arg8[%run_scoped3A_113, %dma_wait3A_151] : memref<5x80xi32, #tpu.memory_space<vmem>> -> memref<1x80xi32, #tpu.memory_space<vmem>>
        %dma_wait3A_153 = tpu.memref_squeeze %dma_wait3A_152 : memref<1x80xi32, #tpu.memory_space<vmem>> -> memref<80xi32, #tpu.memory_space<vmem>>
        %dma_wait3A_154 = arith.constant 0 : i32
        %dma_wait3A_155 = arith.constant 0 : i32
        %dma_wait3A_156 = tpu.memref_slice %arg10[%dma_wait3A_154, %dma_wait3A_155] : memref<10240x128xf32, #tpu.memory_space<vmem_shared>> -> memref<10240x128xf32, #tpu.memory_space<vmem_shared>>
        tpu.wait_indirect_dma semaphore(%run_scoped3A_144 : memref<!tpu.dma_semaphore, #tpu.memory_space<semaphore_mem>>) src(%arg9 : memref<80x128xf32, #tpu.memory_space<vmem>>) dst(%dma_wait3A_156 : memref<10240x128xf32, #tpu.memory_space<vmem_shared>>)
        tpu.yield
      }) : () -> ()
      %dma_start3A_114 = arith.constant 3 : i32
      %dma_start3A_115 = arith.constant 0 : i32
      %dma_start3A_116 = tpu.memref_slice %arg7[%dma_start3A_114, %dma_start3A_115] : memref<5x80xi32, #tpu.memory_space<vmem>> -> memref<1x80xi32, #tpu.memory_space<vmem>>
      %dma_start3A_117 = tpu.memref_squeeze %dma_start3A_116 : memref<1x80xi32, #tpu.memory_space<vmem>> -> memref<80xi32, #tpu.memory_space<vmem>>
      %dma_start3A_118 = arith.constant 0 : i32
      %dma_start3A_119 = arith.constant 0 : i32
      %dma_start3A_120 = tpu.memref_slice %arg2[%dma_start3A_118, %dma_start3A_119] : memref<10240x128xf32, #tpu.memory_space<hbm>> -> memref<10240x128xf32, #tpu.memory_space<hbm>>
      tpu.enqueue_indirect_dma source(%dma_start3A_120 : memref<10240x128xf32, #tpu.memory_space<hbm>>) target(%arg9 : memref<80x128xf32, #tpu.memory_space<vmem>>) offsets(%dma_start3A_117 : memref<80xi32, #tpu.memory_space<vmem>>) semaphore(%arg11 : memref<!tpu.dma_semaphore, #tpu.memory_space<semaphore_mem>>)
      %dma_wait3A_121 = arith.constant 3 : i32
      %dma_wait3A_122 = arith.constant 0 : i32
      %dma_wait3A_123 = tpu.memref_slice %arg7[%dma_wait3A_121, %dma_wait3A_122] : memref<5x80xi32, #tpu.memory_space<vmem>> -> memref<1x80xi32, #tpu.memory_space<vmem>>
      %dma_wait3A_124 = tpu.memref_squeeze %dma_wait3A_123 : memref<1x80xi32, #tpu.memory_space<vmem>> -> memref<80xi32, #tpu.memory_space<vmem>>
      %dma_wait3A_125 = arith.constant 0 : i32
      %dma_wait3A_126 = arith.constant 0 : i32
      %dma_wait3A_127 = tpu.memref_slice %arg2[%dma_wait3A_125, %dma_wait3A_126] : memref<10240x128xf32, #tpu.memory_space<hbm>> -> memref<10240x128xf32, #tpu.memory_space<hbm>>
      tpu.wait_indirect_dma semaphore(%arg11 : memref<!tpu.dma_semaphore, #tpu.memory_space<semaphore_mem>>) src(%dma_wait3A_127 : memref<10240x128xf32, #tpu.memory_space<hbm>>) dst(%arg9 : memref<80x128xf32, #tpu.memory_space<vmem>>)
      %run_scoped3A_128 = arith.constant 3 : i32
      "tpu.region"() ({
        %run_scoped3A_144 = tpu.sem_alloc : memref<!tpu.dma_semaphore, #tpu.memory_space<semaphore_mem>>
        %dma_start3A_145 = arith.constant 0 : i32
        %dma_start3A_146 = tpu.memref_slice %arg8[%run_scoped3A_128, %dma_start3A_145] : memref<5x80xi32, #tpu.memory_space<vmem>> -> memref<1x80xi32, #tpu.memory_space<vmem>>
        %dma_start3A_147 = tpu.memref_squeeze %dma_start3A_146 : memref<1x80xi32, #tpu.memory_space<vmem>> -> memref<80xi32, #tpu.memory_space<vmem>>
        %dma_start3A_148 = arith.constant 0 : i32
        %dma_start3A_149 = arith.constant 0 : i32
        %dma_start3A_150 = tpu.memref_slice %arg10[%dma_start3A_148, %dma_start3A_149] : memref<10240x128xf32, #tpu.memory_space<vmem_shared>> -> memref<10240x128xf32, #tpu.memory_space<vmem_shared>>
        tpu.enqueue_indirect_dma source(%arg9 : memref<80x128xf32, #tpu.memory_space<vmem>>) target(%dma_start3A_150 : memref<10240x128xf32, #tpu.memory_space<vmem_shared>>) offsets(%dma_start3A_147 : memref<80xi32, #tpu.memory_space<vmem>>) semaphore(%run_scoped3A_144 : memref<!tpu.dma_semaphore, #tpu.memory_space<semaphore_mem>>) {add = true}
        %dma_wait3A_151 = arith.constant 0 : i32
        %dma_wait3A_152 = tpu.memref_slice %arg8[%run_scoped3A_128, %dma_wait3A_151] : memref<5x80xi32, #tpu.memory_space<vmem>> -> memref<1x80xi32, #tpu.memory_space<vmem>>
        %dma_wait3A_153 = tpu.memref_squeeze %dma_wait3A_152 : memref<1x80xi32, #tpu.memory_space<vmem>> -> memref<80xi32, #tpu.memory_space<vmem>>
        %dma_wait3A_154 = arith.constant 0 : i32
        %dma_wait3A_155 = arith.constant 0 : i32
        %dma_wait3A_156 = tpu.memref_slice %arg10[%dma_wait3A_154, %dma_wait3A_155] : memref<10240x128xf32, #tpu.memory_space<vmem_shared>> -> memref<10240x128xf32, #tpu.memory_space<vmem_shared>>
        tpu.wait_indirect_dma semaphore(%run_scoped3A_144 : memref<!tpu.dma_semaphore, #tpu.memory_space<semaphore_mem>>) src(%arg9 : memref<80x128xf32, #tpu.memory_space<vmem>>) dst(%dma_wait3A_156 : memref<10240x128xf32, #tpu.memory_space<vmem_shared>>)
        tpu.yield
      }) : () -> ()
      %dma_start3A_129 = arith.constant 4 : i32
      %dma_start3A_130 = arith.constant 0 : i32
      %dma_start3A_131 = tpu.memref_slice %arg7[%dma_start3A_129, %dma_start3A_130] : memref<5x80xi32, #tpu.memory_space<vmem>> -> memref<1x80xi32, #tpu.memory_space<vmem>>
      %dma_start3A_132 = tpu.memref_squeeze %dma_start3A_131 : memref<1x80xi32, #tpu.memory_space<vmem>> -> memref<80xi32, #tpu.memory_space<vmem>>
      %dma_start3A_133 = arith.constant 0 : i32
      %dma_start3A_134 = arith.constant 0 : i32
      %dma_start3A_135 = tpu.memref_slice %arg2[%dma_start3A_133, %dma_start3A_134] : memref<10240x128xf32, #tpu.memory_space<hbm>> -> memref<10240x128xf32, #tpu.memory_space<hbm>>
      tpu.enqueue_indirect_dma source(%dma_start3A_135 : memref<10240x128xf32, #tpu.memory_space<hbm>>) target(%arg9 : memref<80x128xf32, #tpu.memory_space<vmem>>) offsets(%dma_start3A_132 : memref<80xi32, #tpu.memory_space<vmem>>) semaphore(%arg11 : memref<!tpu.dma_semaphore, #tpu.memory_space<semaphore_mem>>)
      %dma_wait3A_136 = arith.constant 4 : i32
      %dma_wait3A_137 = arith.constant 0 : i32
      %dma_wait3A_138 = tpu.memref_slice %arg7[%dma_wait3A_136, %dma_wait3A_137] : memref<5x80xi32, #tpu.memory_space<vmem>> -> memref<1x80xi32, #tpu.memory_space<vmem>>
      %dma_wait3A_139 = tpu.memref_squeeze %dma_wait3A_138 : memref<1x80xi32, #tpu.memory_space<vmem>> -> memref<80xi32, #tpu.memory_space<vmem>>
      %dma_wait3A_140 = arith.constant 0 : i32
      %dma_wait3A_141 = arith.constant 0 : i32
      %dma_wait3A_142 = tpu.memref_slice %arg2[%dma_wait3A_140, %dma_wait3A_141] : memref<10240x128xf32, #tpu.memory_space<hbm>> -> memref<10240x128xf32, #tpu.memory_space<hbm>>
      tpu.wait_indirect_dma semaphore(%arg11 : memref<!tpu.dma_semaphore, #tpu.memory_space<semaphore_mem>>) src(%dma_wait3A_142 : memref<10240x128xf32, #tpu.memory_space<hbm>>) dst(%arg9 : memref<80x128xf32, #tpu.memory_space<vmem>>)
      %run_scoped3A_143 = arith.constant 4 : i32
      "tpu.region"() ({
        %run_scoped3A_144 = tpu.sem_alloc : memref<!tpu.dma_semaphore, #tpu.memory_space<semaphore_mem>>
        %dma_start3A_145 = arith.constant 0 : i32
        %dma_start3A_146 = tpu.memref_slice %arg8[%run_scoped3A_143, %dma_start3A_145] : memref<5x80xi32, #tpu.memory_space<vmem>> -> memref<1x80xi32, #tpu.memory_space<vmem>>
        %dma_start3A_147 = tpu.memref_squeeze %dma_start3A_146 : memref<1x80xi32, #tpu.memory_space<vmem>> -> memref<80xi32, #tpu.memory_space<vmem>>
        %dma_start3A_148 = arith.constant 0 : i32
        %dma_start3A_149 = arith.constant 0 : i32
        %dma_start3A_150 = tpu.memref_slice %arg10[%dma_start3A_148, %dma_start3A_149] : memref<10240x128xf32, #tpu.memory_space<vmem_shared>> -> memref<10240x128xf32, #tpu.memory_space<vmem_shared>>
        tpu.enqueue_indirect_dma source(%arg9 : memref<80x128xf32, #tpu.memory_space<vmem>>) target(%dma_start3A_150 : memref<10240x128xf32, #tpu.memory_space<vmem_shared>>) offsets(%dma_start3A_147 : memref<80xi32, #tpu.memory_space<vmem>>) semaphore(%run_scoped3A_144 : memref<!tpu.dma_semaphore, #tpu.memory_space<semaphore_mem>>) {add = true}
        %dma_wait3A_151 = arith.constant 0 : i32
        %dma_wait3A_152 = tpu.memref_slice %arg8[%run_scoped3A_143, %dma_wait3A_151] : memref<5x80xi32, #tpu.memory_space<vmem>> -> memref<1x80xi32, #tpu.memory_space<vmem>>
        %dma_wait3A_153 = tpu.memref_squeeze %dma_wait3A_152 : memref<1x80xi32, #tpu.memory_space<vmem>> -> memref<80xi32, #tpu.memory_space<vmem>>
        %dma_wait3A_154 = arith.constant 0 : i32
        %dma_wait3A_155 = arith.constant 0 : i32
        %dma_wait3A_156 = tpu.memref_slice %arg10[%dma_wait3A_154, %dma_wait3A_155] : memref<10240x128xf32, #tpu.memory_space<vmem_shared>> -> memref<10240x128xf32, #tpu.memory_space<vmem_shared>>
        tpu.wait_indirect_dma semaphore(%run_scoped3A_144 : memref<!tpu.dma_semaphore, #tpu.memory_space<semaphore_mem>>) src(%arg9 : memref<80x128xf32, #tpu.memory_space<vmem>>) dst(%dma_wait3A_156 : memref<10240x128xf32, #tpu.memory_space<vmem_shared>>)
        tpu.yield
      }) : () -> ()
    }
    %scan3A_37 = arith.constant 25 : i32
    %barrier3A_38 = arith.constant 0 : index
    tpu.barrier barrier_id(%barrier3A_38)
    %mul3A_39 = arith.constant 640 : i32
    %mul3A_40 = arith.muli %arg1, %mul3A_39 : i32
    %add3A_41 = arith.constant 0 : i32
    %add3A_42 = arith.addi %mul3A_40, %add3A_41 : i32
    "tpu.region"() ({
      %run_scoped3A = tpu.sem_alloc : memref<!tpu.dma_semaphore, #tpu.memory_space<semaphore_mem>>
      %dma_start3A = arith.constant 0 : i32
      %dma_start3A_71 = tpu.memref_slice %arg10[%add3A_42, %dma_start3A] : memref<10240x128xf32, #tpu.memory_space<vmem_shared>> -> memref<80x128xf32, #tpu.memory_space<vmem_shared>>
      %dma_start3A_72 = arith.constant 0 : i32
      %dma_start3A_73 = tpu.memref_slice %arg10[%add3A_42, %dma_start3A_72] : memref<10240x128xf32, #tpu.memory_space<vmem_shared>> -> memref<80x128xf32, #tpu.memory_space<vmem_shared>>
      tpu.enqueue_dma source(%dma_start3A_73 : memref<80x128xf32, #tpu.memory_space<vmem_shared>>) target(%arg9 : memref<80x128xf32, #tpu.memory_space<vmem>>) target_semaphore(%run_scoped3A : memref<!tpu.dma_semaphore, #tpu.memory_space<semaphore_mem>>)
      %dma_wait3A = arith.constant 0 : i32
      %dma_wait3A_74 = tpu.memref_slice %arg10[%add3A_42, %dma_wait3A] : memref<10240x128xf32, #tpu.memory_space<vmem_shared>> -> memref<80x128xf32, #tpu.memory_space<vmem_shared>>
      %dma_wait3A_75 = arith.constant 0 : i32
      %dma_wait3A_76 = tpu.memref_slice %arg10[%add3A_42, %dma_wait3A_75] : memref<10240x128xf32, #tpu.memory_space<vmem_shared>> -> memref<80x128xf32, #tpu.memory_space<vmem_shared>>
      tpu.wait_dma2 semaphore(%run_scoped3A : memref<!tpu.dma_semaphore, #tpu.memory_space<semaphore_mem>>) src(%dma_wait3A_76 : memref<80x128xf32, #tpu.memory_space<vmem_shared>>) dst(%arg9 : memref<80x128xf32, #tpu.memory_space<vmem>>)
      tpu.yield
    }) : () -> ()
    "tpu.region"() ({
      %run_scoped3A = tpu.sem_alloc : memref<!tpu.dma_semaphore, #tpu.memory_space<semaphore_mem>>
      %dma_start3A = arith.constant 0 : i32
      %dma_start3A_71 = tpu.memref_slice %arg6[%arg0, %add3A_42, %dma_start3A] : memref<2x10240x128xf32, #tpu.memory_space<hbm>> -> memref<1x80x128xf32, #tpu.memory_space<hbm>>
      %dma_start3A_72 = tpu.memref_squeeze %dma_start3A_71 : memref<1x80x128xf32, #tpu.memory_space<hbm>> -> memref<80x128xf32, #tpu.memory_space<hbm>>
      %dma_start3A_73 = arith.constant 0 : i32
      %dma_start3A_74 = tpu.memref_slice %arg6[%arg0, %add3A_42, %dma_start3A_73] : memref<2x10240x128xf32, #tpu.memory_space<hbm>> -> memref<1x80x128xf32, #tpu.memory_space<hbm>>
      %dma_start3A_75 = tpu.memref_squeeze %dma_start3A_74 : memref<1x80x128xf32, #tpu.memory_space<hbm>> -> memref<80x128xf32, #tpu.memory_space<hbm>>
      tpu.enqueue_dma source(%arg9 : memref<80x128xf32, #tpu.memory_space<vmem>>) target(%dma_start3A_75 : memref<80x128xf32, #tpu.memory_space<hbm>>) target_semaphore(%run_scoped3A : memref<!tpu.dma_semaphore, #tpu.memory_space<semaphore_mem>>)
      %dma_wait3A = arith.constant 0 : i32
      %dma_wait3A_76 = tpu.memref_slice %arg6[%arg0, %add3A_42, %dma_wait3A] : memref<2x10240x128xf32, #tpu.memory_space<hbm>> -> memref<1x80x128xf32, #tpu.memory_space<hbm>>
      %dma_wait3A_77 = tpu.memref_squeeze %dma_wait3A_76 : memref<1x80x128xf32, #tpu.memory_space<hbm>> -> memref<80x128xf32, #tpu.memory_space<hbm>>
      %dma_wait3A_78 = arith.constant 0 : i32
      %dma_wait3A_79 = tpu.memref_slice %arg6[%arg0, %add3A_42, %dma_wait3A_78] : memref<2x10240x128xf32, #tpu.memory_space<hbm>> -> memref<1x80x128xf32, #tpu.memory_space<hbm>>
      %dma_wait3A_80 = tpu.memref_squeeze %dma_wait3A_79 : memref<1x80x128xf32, #tpu.memory_space<hbm>> -> memref<80x128xf32, #tpu.memory_space<hbm>>
      tpu.wait_dma2 semaphore(%run_scoped3A : memref<!tpu.dma_semaphore, #tpu.memory_space<semaphore_mem>>) src(%arg9 : memref<80x128xf32, #tpu.memory_space<vmem>>) dst(%dma_wait3A_80 : memref<80x128xf32, #tpu.memory_space<hbm>>)
      tpu.yield
    }) : () -> ()
    %mul3A_43 = arith.constant 640 : i32
    %mul3A_44 = arith.muli %arg1, %mul3A_43 : i32
    %add3A_45 = arith.constant 80 : i32
    %add3A_46 = arith.addi %mul3A_44, %add3A_45 : i32
    "tpu.region"() ({
      %run_scoped3A = tpu.sem_alloc : memref<!tpu.dma_semaphore, #tpu.memory_space<semaphore_mem>>
      %dma_start3A = arith.constant 0 : i32
      %dma_start3A_71 = tpu.memref_slice %arg10[%add3A_46, %dma_start3A] : memref<10240x128xf32, #tpu.memory_space<vmem_shared>> -> memref<80x128xf32, #tpu.memory_space<vmem_shared>>
      %dma_start3A_72 = arith.constant 0 : i32
      %dma_start3A_73 = tpu.memref_slice %arg10[%add3A_46, %dma_start3A_72] : memref<10240x128xf32, #tpu.memory_space<vmem_shared>> -> memref<80x128xf32, #tpu.memory_space<vmem_shared>>
      tpu.enqueue_dma source(%dma_start3A_73 : memref<80x128xf32, #tpu.memory_space<vmem_shared>>) target(%arg9 : memref<80x128xf32, #tpu.memory_space<vmem>>) target_semaphore(%run_scoped3A : memref<!tpu.dma_semaphore, #tpu.memory_space<semaphore_mem>>)
      %dma_wait3A = arith.constant 0 : i32
      %dma_wait3A_74 = tpu.memref_slice %arg10[%add3A_46, %dma_wait3A] : memref<10240x128xf32, #tpu.memory_space<vmem_shared>> -> memref<80x128xf32, #tpu.memory_space<vmem_shared>>
      %dma_wait3A_75 = arith.constant 0 : i32
      %dma_wait3A_76 = tpu.memref_slice %arg10[%add3A_46, %dma_wait3A_75] : memref<10240x128xf32, #tpu.memory_space<vmem_shared>> -> memref<80x128xf32, #tpu.memory_space<vmem_shared>>
      tpu.wait_dma2 semaphore(%run_scoped3A : memref<!tpu.dma_semaphore, #tpu.memory_space<semaphore_mem>>) src(%dma_wait3A_76 : memref<80x128xf32, #tpu.memory_space<vmem_shared>>) dst(%arg9 : memref<80x128xf32, #tpu.memory_space<vmem>>)
      tpu.yield
    }) : () -> ()
    "tpu.region"() ({
      %run_scoped3A = tpu.sem_alloc : memref<!tpu.dma_semaphore, #tpu.memory_space<semaphore_mem>>
      %dma_start3A = arith.constant 0 : i32
      %dma_start3A_71 = tpu.memref_slice %arg6[%arg0, %add3A_46, %dma_start3A] : memref<2x10240x128xf32, #tpu.memory_space<hbm>> -> memref<1x80x128xf32, #tpu.memory_space<hbm>>
      %dma_start3A_72 = tpu.memref_squeeze %dma_start3A_71 : memref<1x80x128xf32, #tpu.memory_space<hbm>> -> memref<80x128xf32, #tpu.memory_space<hbm>>
      %dma_start3A_73 = arith.constant 0 : i32
      %dma_start3A_74 = tpu.memref_slice %arg6[%arg0, %add3A_46, %dma_start3A_73] : memref<2x10240x128xf32, #tpu.memory_space<hbm>> -> memref<1x80x128xf32, #tpu.memory_space<hbm>>
      %dma_start3A_75 = tpu.memref_squeeze %dma_start3A_74 : memref<1x80x128xf32, #tpu.memory_space<hbm>> -> memref<80x128xf32, #tpu.memory_space<hbm>>
      tpu.enqueue_dma source(%arg9 : memref<80x128xf32, #tpu.memory_space<vmem>>) target(%dma_start3A_75 : memref<80x128xf32, #tpu.memory_space<hbm>>) target_semaphore(%run_scoped3A : memref<!tpu.dma_semaphore, #tpu.memory_space<semaphore_mem>>)
      %dma_wait3A = arith.constant 0 : i32
      %dma_wait3A_76 = tpu.memref_slice %arg6[%arg0, %add3A_46, %dma_wait3A] : memref<2x10240x128xf32, #tpu.memory_space<hbm>> -> memref<1x80x128xf32, #tpu.memory_space<hbm>>
      %dma_wait3A_77 = tpu.memref_squeeze %dma_wait3A_76 : memref<1x80x128xf32, #tpu.memory_space<hbm>> -> memref<80x128xf32, #tpu.memory_space<hbm>>
      %dma_wait3A_78 = arith.constant 0 : i32
      %dma_wait3A_79 = tpu.memref_slice %arg6[%arg0, %add3A_46, %dma_wait3A_78] : memref<2x10240x128xf32, #tpu.memory_space<hbm>> -> memref<1x80x128xf32, #tpu.memory_space<hbm>>
      %dma_wait3A_80 = tpu.memref_squeeze %dma_wait3A_79 : memref<1x80x128xf32, #tpu.memory_space<hbm>> -> memref<80x128xf32, #tpu.memory_space<hbm>>
      tpu.wait_dma2 semaphore(%run_scoped3A : memref<!tpu.dma_semaphore, #tpu.memory_space<semaphore_mem>>) src(%arg9 : memref<80x128xf32, #tpu.memory_space<vmem>>) dst(%dma_wait3A_80 : memref<80x128xf32, #tpu.memory_space<hbm>>)
      tpu.yield
    }) : () -> ()
    %mul3A_47 = arith.constant 640 : i32
    %mul3A_48 = arith.muli %arg1, %mul3A_47 : i32
    %add3A_49 = arith.constant 160 : i32
    %add3A_50 = arith.addi %mul3A_48, %add3A_49 : i32
    "tpu.region"() ({
      %run_scoped3A = tpu.sem_alloc : memref<!tpu.dma_semaphore, #tpu.memory_space<semaphore_mem>>
      %dma_start3A = arith.constant 0 : i32
      %dma_start3A_71 = tpu.memref_slice %arg10[%add3A_50, %dma_start3A] : memref<10240x128xf32, #tpu.memory_space<vmem_shared>> -> memref<80x128xf32, #tpu.memory_space<vmem_shared>>
      %dma_start3A_72 = arith.constant 0 : i32
      %dma_start3A_73 = tpu.memref_slice %arg10[%add3A_50, %dma_start3A_72] : memref<10240x128xf32, #tpu.memory_space<vmem_shared>> -> memref<80x128xf32, #tpu.memory_space<vmem_shared>>
      tpu.enqueue_dma source(%dma_start3A_73 : memref<80x128xf32, #tpu.memory_space<vmem_shared>>) target(%arg9 : memref<80x128xf32, #tpu.memory_space<vmem>>) target_semaphore(%run_scoped3A : memref<!tpu.dma_semaphore, #tpu.memory_space<semaphore_mem>>)
      %dma_wait3A = arith.constant 0 : i32
      %dma_wait3A_74 = tpu.memref_slice %arg10[%add3A_50, %dma_wait3A] : memref<10240x128xf32, #tpu.memory_space<vmem_shared>> -> memref<80x128xf32, #tpu.memory_space<vmem_shared>>
      %dma_wait3A_75 = arith.constant 0 : i32
      %dma_wait3A_76 = tpu.memref_slice %arg10[%add3A_50, %dma_wait3A_75] : memref<10240x128xf32, #tpu.memory_space<vmem_shared>> -> memref<80x128xf32, #tpu.memory_space<vmem_shared>>
      tpu.wait_dma2 semaphore(%run_scoped3A : memref<!tpu.dma_semaphore, #tpu.memory_space<semaphore_mem>>) src(%dma_wait3A_76 : memref<80x128xf32, #tpu.memory_space<vmem_shared>>) dst(%arg9 : memref<80x128xf32, #tpu.memory_space<vmem>>)
      tpu.yield
    }) : () -> ()
    "tpu.region"() ({
      %run_scoped3A = tpu.sem_alloc : memref<!tpu.dma_semaphore, #tpu.memory_space<semaphore_mem>>
      %dma_start3A = arith.constant 0 : i32
      %dma_start3A_71 = tpu.memref_slice %arg6[%arg0, %add3A_50, %dma_start3A] : memref<2x10240x128xf32, #tpu.memory_space<hbm>> -> memref<1x80x128xf32, #tpu.memory_space<hbm>>
      %dma_start3A_72 = tpu.memref_squeeze %dma_start3A_71 : memref<1x80x128xf32, #tpu.memory_space<hbm>> -> memref<80x128xf32, #tpu.memory_space<hbm>>
      %dma_start3A_73 = arith.constant 0 : i32
      %dma_start3A_74 = tpu.memref_slice %arg6[%arg0, %add3A_50, %dma_start3A_73] : memref<2x10240x128xf32, #tpu.memory_space<hbm>> -> memref<1x80x128xf32, #tpu.memory_space<hbm>>
      %dma_start3A_75 = tpu.memref_squeeze %dma_start3A_74 : memref<1x80x128xf32, #tpu.memory_space<hbm>> -> memref<80x128xf32, #tpu.memory_space<hbm>>
      tpu.enqueue_dma source(%arg9 : memref<80x128xf32, #tpu.memory_space<vmem>>) target(%dma_start3A_75 : memref<80x128xf32, #tpu.memory_space<hbm>>) target_semaphore(%run_scoped3A : memref<!tpu.dma_semaphore, #tpu.memory_space<semaphore_mem>>)
      %dma_wait3A = arith.constant 0 : i32
      %dma_wait3A_76 = tpu.memref_slice %arg6[%arg0, %add3A_50, %dma_wait3A] : memref<2x10240x128xf32, #tpu.memory_space<hbm>> -> memref<1x80x128xf32, #tpu.memory_space<hbm>>
      %dma_wait3A_77 = tpu.memref_squeeze %dma_wait3A_76 : memref<1x80x128xf32, #tpu.memory_space<hbm>> -> memref<80x128xf32, #tpu.memory_space<hbm>>
      %dma_wait3A_78 = arith.constant 0 : i32
      %dma_wait3A_79 = tpu.memref_slice %arg6[%arg0, %add3A_50, %dma_wait3A_78] : memref<2x10240x128xf32, #tpu.memory_space<hbm>> -> memref<1x80x128xf32, #tpu.memory_space<hbm>>
      %dma_wait3A_80 = tpu.memref_squeeze %dma_wait3A_79 : memref<1x80x128xf32, #tpu.memory_space<hbm>> -> memref<80x128xf32, #tpu.memory_space<hbm>>
      tpu.wait_dma2 semaphore(%run_scoped3A : memref<!tpu.dma_semaphore, #tpu.memory_space<semaphore_mem>>) src(%arg9 : memref<80x128xf32, #tpu.memory_space<vmem>>) dst(%dma_wait3A_80 : memref<80x128xf32, #tpu.memory_space<hbm>>)
      tpu.yield
    }) : () -> ()
    %mul3A_51 = arith.constant 640 : i32
    %mul3A_52 = arith.muli %arg1, %mul3A_51 : i32
    %add3A_53 = arith.constant 240 : i32
    %add3A_54 = arith.addi %mul3A_52, %add3A_53 : i32
    "tpu.region"() ({
      %run_scoped3A = tpu.sem_alloc : memref<!tpu.dma_semaphore, #tpu.memory_space<semaphore_mem>>
      %dma_start3A = arith.constant 0 : i32
      %dma_start3A_71 = tpu.memref_slice %arg10[%add3A_54, %dma_start3A] : memref<10240x128xf32, #tpu.memory_space<vmem_shared>> -> memref<80x128xf32, #tpu.memory_space<vmem_shared>>
      %dma_start3A_72 = arith.constant 0 : i32
      %dma_start3A_73 = tpu.memref_slice %arg10[%add3A_54, %dma_start3A_72] : memref<10240x128xf32, #tpu.memory_space<vmem_shared>> -> memref<80x128xf32, #tpu.memory_space<vmem_shared>>
      tpu.enqueue_dma source(%dma_start3A_73 : memref<80x128xf32, #tpu.memory_space<vmem_shared>>) target(%arg9 : memref<80x128xf32, #tpu.memory_space<vmem>>) target_semaphore(%run_scoped3A : memref<!tpu.dma_semaphore, #tpu.memory_space<semaphore_mem>>)
      %dma_wait3A = arith.constant 0 : i32
      %dma_wait3A_74 = tpu.memref_slice %arg10[%add3A_54, %dma_wait3A] : memref<10240x128xf32, #tpu.memory_space<vmem_shared>> -> memref<80x128xf32, #tpu.memory_space<vmem_shared>>
      %dma_wait3A_75 = arith.constant 0 : i32
      %dma_wait3A_76 = tpu.memref_slice %arg10[%add3A_54, %dma_wait3A_75] : memref<10240x128xf32, #tpu.memory_space<vmem_shared>> -> memref<80x128xf32, #tpu.memory_space<vmem_shared>>
      tpu.wait_dma2 semaphore(%run_scoped3A : memref<!tpu.dma_semaphore, #tpu.memory_space<semaphore_mem>>) src(%dma_wait3A_76 : memref<80x128xf32, #tpu.memory_space<vmem_shared>>) dst(%arg9 : memref<80x128xf32, #tpu.memory_space<vmem>>)
      tpu.yield
    }) : () -> ()
    "tpu.region"() ({
      %run_scoped3A = tpu.sem_alloc : memref<!tpu.dma_semaphore, #tpu.memory_space<semaphore_mem>>
      %dma_start3A = arith.constant 0 : i32
      %dma_start3A_71 = tpu.memref_slice %arg6[%arg0, %add3A_54, %dma_start3A] : memref<2x10240x128xf32, #tpu.memory_space<hbm>> -> memref<1x80x128xf32, #tpu.memory_space<hbm>>
      %dma_start3A_72 = tpu.memref_squeeze %dma_start3A_71 : memref<1x80x128xf32, #tpu.memory_space<hbm>> -> memref<80x128xf32, #tpu.memory_space<hbm>>
      %dma_start3A_73 = arith.constant 0 : i32
      %dma_start3A_74 = tpu.memref_slice %arg6[%arg0, %add3A_54, %dma_start3A_73] : memref<2x10240x128xf32, #tpu.memory_space<hbm>> -> memref<1x80x128xf32, #tpu.memory_space<hbm>>
      %dma_start3A_75 = tpu.memref_squeeze %dma_start3A_74 : memref<1x80x128xf32, #tpu.memory_space<hbm>> -> memref<80x128xf32, #tpu.memory_space<hbm>>
      tpu.enqueue_dma source(%arg9 : memref<80x128xf32, #tpu.memory_space<vmem>>) target(%dma_start3A_75 : memref<80x128xf32, #tpu.memory_space<hbm>>) target_semaphore(%run_scoped3A : memref<!tpu.dma_semaphore, #tpu.memory_space<semaphore_mem>>)
      %dma_wait3A = arith.constant 0 : i32
      %dma_wait3A_76 = tpu.memref_slice %arg6[%arg0, %add3A_54, %dma_wait3A] : memref<2x10240x128xf32, #tpu.memory_space<hbm>> -> memref<1x80x128xf32, #tpu.memory_space<hbm>>
      %dma_wait3A_77 = tpu.memref_squeeze %dma_wait3A_76 : memref<1x80x128xf32, #tpu.memory_space<hbm>> -> memref<80x128xf32, #tpu.memory_space<hbm>>
      %dma_wait3A_78 = arith.constant 0 : i32
      %dma_wait3A_79 = tpu.memref_slice %arg6[%arg0, %add3A_54, %dma_wait3A_78] : memref<2x10240x128xf32, #tpu.memory_space<hbm>> -> memref<1x80x128xf32, #tpu.memory_space<hbm>>
      %dma_wait3A_80 = tpu.memref_squeeze %dma_wait3A_79 : memref<1x80x128xf32, #tpu.memory_space<hbm>> -> memref<80x128xf32, #tpu.memory_space<hbm>>
      tpu.wait_dma2 semaphore(%run_scoped3A : memref<!tpu.dma_semaphore, #tpu.memory_space<semaphore_mem>>) src(%arg9 : memref<80x128xf32, #tpu.memory_space<vmem>>) dst(%dma_wait3A_80 : memref<80x128xf32, #tpu.memory_space<hbm>>)
      tpu.yield
    }) : () -> ()
    %mul3A_55 = arith.constant 640 : i32
    %mul3A_56 = arith.muli %arg1, %mul3A_55 : i32
    %add3A_57 = arith.constant 320 : i32
    %add3A_58 = arith.addi %mul3A_56, %add3A_57 : i32
    "tpu.region"() ({
      %run_scoped3A = tpu.sem_alloc : memref<!tpu.dma_semaphore, #tpu.memory_space<semaphore_mem>>
      %dma_start3A = arith.constant 0 : i32
      %dma_start3A_71 = tpu.memref_slice %arg10[%add3A_58, %dma_start3A] : memref<10240x128xf32, #tpu.memory_space<vmem_shared>> -> memref<80x128xf32, #tpu.memory_space<vmem_shared>>
      %dma_start3A_72 = arith.constant 0 : i32
      %dma_start3A_73 = tpu.memref_slice %arg10[%add3A_58, %dma_start3A_72] : memref<10240x128xf32, #tpu.memory_space<vmem_shared>> -> memref<80x128xf32, #tpu.memory_space<vmem_shared>>
      tpu.enqueue_dma source(%dma_start3A_73 : memref<80x128xf32, #tpu.memory_space<vmem_shared>>) target(%arg9 : memref<80x128xf32, #tpu.memory_space<vmem>>) target_semaphore(%run_scoped3A : memref<!tpu.dma_semaphore, #tpu.memory_space<semaphore_mem>>)
      %dma_wait3A = arith.constant 0 : i32
      %dma_wait3A_74 = tpu.memref_slice %arg10[%add3A_58, %dma_wait3A] : memref<10240x128xf32, #tpu.memory_space<vmem_shared>> -> memref<80x128xf32, #tpu.memory_space<vmem_shared>>
      %dma_wait3A_75 = arith.constant 0 : i32
      %dma_wait3A_76 = tpu.memref_slice %arg10[%add3A_58, %dma_wait3A_75] : memref<10240x128xf32, #tpu.memory_space<vmem_shared>> -> memref<80x128xf32, #tpu.memory_space<vmem_shared>>
      tpu.wait_dma2 semaphore(%run_scoped3A : memref<!tpu.dma_semaphore, #tpu.memory_space<semaphore_mem>>) src(%dma_wait3A_76 : memref<80x128xf32, #tpu.memory_space<vmem_shared>>) dst(%arg9 : memref<80x128xf32, #tpu.memory_space<vmem>>)
      tpu.yield
    }) : () -> ()
    "tpu.region"() ({
      %run_scoped3A = tpu.sem_alloc : memref<!tpu.dma_semaphore, #tpu.memory_space<semaphore_mem>>
      %dma_start3A = arith.constant 0 : i32
      %dma_start3A_71 = tpu.memref_slice %arg6[%arg0, %add3A_58, %dma_start3A] : memref<2x10240x128xf32, #tpu.memory_space<hbm>> -> memref<1x80x128xf32, #tpu.memory_space<hbm>>
      %dma_start3A_72 = tpu.memref_squeeze %dma_start3A_71 : memref<1x80x128xf32, #tpu.memory_space<hbm>> -> memref<80x128xf32, #tpu.memory_space<hbm>>
      %dma_start3A_73 = arith.constant 0 : i32
      %dma_start3A_74 = tpu.memref_slice %arg6[%arg0, %add3A_58, %dma_start3A_73] : memref<2x10240x128xf32, #tpu.memory_space<hbm>> -> memref<1x80x128xf32, #tpu.memory_space<hbm>>
      %dma_start3A_75 = tpu.memref_squeeze %dma_start3A_74 : memref<1x80x128xf32, #tpu.memory_space<hbm>> -> memref<80x128xf32, #tpu.memory_space<hbm>>
      tpu.enqueue_dma source(%arg9 : memref<80x128xf32, #tpu.memory_space<vmem>>) target(%dma_start3A_75 : memref<80x128xf32, #tpu.memory_space<hbm>>) target_semaphore(%run_scoped3A : memref<!tpu.dma_semaphore, #tpu.memory_space<semaphore_mem>>)
      %dma_wait3A = arith.constant 0 : i32
      %dma_wait3A_76 = tpu.memref_slice %arg6[%arg0, %add3A_58, %dma_wait3A] : memref<2x10240x128xf32, #tpu.memory_space<hbm>> -> memref<1x80x128xf32, #tpu.memory_space<hbm>>
      %dma_wait3A_77 = tpu.memref_squeeze %dma_wait3A_76 : memref<1x80x128xf32, #tpu.memory_space<hbm>> -> memref<80x128xf32, #tpu.memory_space<hbm>>
      %dma_wait3A_78 = arith.constant 0 : i32
      %dma_wait3A_79 = tpu.memref_slice %arg6[%arg0, %add3A_58, %dma_wait3A_78] : memref<2x10240x128xf32, #tpu.memory_space<hbm>> -> memref<1x80x128xf32, #tpu.memory_space<hbm>>
      %dma_wait3A_80 = tpu.memref_squeeze %dma_wait3A_79 : memref<1x80x128xf32, #tpu.memory_space<hbm>> -> memref<80x128xf32, #tpu.memory_space<hbm>>
      tpu.wait_dma2 semaphore(%run_scoped3A : memref<!tpu.dma_semaphore, #tpu.memory_space<semaphore_mem>>) src(%arg9 : memref<80x128xf32, #tpu.memory_space<vmem>>) dst(%dma_wait3A_80 : memref<80x128xf32, #tpu.memory_space<hbm>>)
      tpu.yield
    }) : () -> ()
    %mul3A_59 = arith.constant 640 : i32
    %mul3A_60 = arith.muli %arg1, %mul3A_59 : i32
    %add3A_61 = arith.constant 400 : i32
    %add3A_62 = arith.addi %mul3A_60, %add3A_61 : i32
    "tpu.region"() ({
      %run_scoped3A = tpu.sem_alloc : memref<!tpu.dma_semaphore, #tpu.memory_space<semaphore_mem>>
      %dma_start3A = arith.constant 0 : i32
      %dma_start3A_71 = tpu.memref_slice %arg10[%add3A_62, %dma_start3A] : memref<10240x128xf32, #tpu.memory_space<vmem_shared>> -> memref<80x128xf32, #tpu.memory_space<vmem_shared>>
      %dma_start3A_72 = arith.constant 0 : i32
      %dma_start3A_73 = tpu.memref_slice %arg10[%add3A_62, %dma_start3A_72] : memref<10240x128xf32, #tpu.memory_space<vmem_shared>> -> memref<80x128xf32, #tpu.memory_space<vmem_shared>>
      tpu.enqueue_dma source(%dma_start3A_73 : memref<80x128xf32, #tpu.memory_space<vmem_shared>>) target(%arg9 : memref<80x128xf32, #tpu.memory_space<vmem>>) target_semaphore(%run_scoped3A : memref<!tpu.dma_semaphore, #tpu.memory_space<semaphore_mem>>)
      %dma_wait3A = arith.constant 0 : i32
      %dma_wait3A_74 = tpu.memref_slice %arg10[%add3A_62, %dma_wait3A] : memref<10240x128xf32, #tpu.memory_space<vmem_shared>> -> memref<80x128xf32, #tpu.memory_space<vmem_shared>>
      %dma_wait3A_75 = arith.constant 0 : i32
      %dma_wait3A_76 = tpu.memref_slice %arg10[%add3A_62, %dma_wait3A_75] : memref<10240x128xf32, #tpu.memory_space<vmem_shared>> -> memref<80x128xf32, #tpu.memory_space<vmem_shared>>
      tpu.wait_dma2 semaphore(%run_scoped3A : memref<!tpu.dma_semaphore, #tpu.memory_space<semaphore_mem>>) src(%dma_wait3A_76 : memref<80x128xf32, #tpu.memory_space<vmem_shared>>) dst(%arg9 : memref<80x128xf32, #tpu.memory_space<vmem>>)
      tpu.yield
    }) : () -> ()
    "tpu.region"() ({
      %run_scoped3A = tpu.sem_alloc : memref<!tpu.dma_semaphore, #tpu.memory_space<semaphore_mem>>
      %dma_start3A = arith.constant 0 : i32
      %dma_start3A_71 = tpu.memref_slice %arg6[%arg0, %add3A_62, %dma_start3A] : memref<2x10240x128xf32, #tpu.memory_space<hbm>> -> memref<1x80x128xf32, #tpu.memory_space<hbm>>
      %dma_start3A_72 = tpu.memref_squeeze %dma_start3A_71 : memref<1x80x128xf32, #tpu.memory_space<hbm>> -> memref<80x128xf32, #tpu.memory_space<hbm>>
      %dma_start3A_73 = arith.constant 0 : i32
      %dma_start3A_74 = tpu.memref_slice %arg6[%arg0, %add3A_62, %dma_start3A_73] : memref<2x10240x128xf32, #tpu.memory_space<hbm>> -> memref<1x80x128xf32, #tpu.memory_space<hbm>>
      %dma_start3A_75 = tpu.memref_squeeze %dma_start3A_74 : memref<1x80x128xf32, #tpu.memory_space<hbm>> -> memref<80x128xf32, #tpu.memory_space<hbm>>
      tpu.enqueue_dma source(%arg9 : memref<80x128xf32, #tpu.memory_space<vmem>>) target(%dma_start3A_75 : memref<80x128xf32, #tpu.memory_space<hbm>>) target_semaphore(%run_scoped3A : memref<!tpu.dma_semaphore, #tpu.memory_space<semaphore_mem>>)
      %dma_wait3A = arith.constant 0 : i32
      %dma_wait3A_76 = tpu.memref_slice %arg6[%arg0, %add3A_62, %dma_wait3A] : memref<2x10240x128xf32, #tpu.memory_space<hbm>> -> memref<1x80x128xf32, #tpu.memory_space<hbm>>
      %dma_wait3A_77 = tpu.memref_squeeze %dma_wait3A_76 : memref<1x80x128xf32, #tpu.memory_space<hbm>> -> memref<80x128xf32, #tpu.memory_space<hbm>>
      %dma_wait3A_78 = arith.constant 0 : i32
      %dma_wait3A_79 = tpu.memref_slice %arg6[%arg0, %add3A_62, %dma_wait3A_78] : memref<2x10240x128xf32, #tpu.memory_space<hbm>> -> memref<1x80x128xf32, #tpu.memory_space<hbm>>
      %dma_wait3A_80 = tpu.memref_squeeze %dma_wait3A_79 : memref<1x80x128xf32, #tpu.memory_space<hbm>> -> memref<80x128xf32, #tpu.memory_space<hbm>>
      tpu.wait_dma2 semaphore(%run_scoped3A : memref<!tpu.dma_semaphore, #tpu.memory_space<semaphore_mem>>) src(%arg9 : memref<80x128xf32, #tpu.memory_space<vmem>>) dst(%dma_wait3A_80 : memref<80x128xf32, #tpu.memory_space<hbm>>)
      tpu.yield
    }) : () -> ()
    %mul3A_63 = arith.constant 640 : i32
    %mul3A_64 = arith.muli %arg1, %mul3A_63 : i32
    %add3A_65 = arith.constant 480 : i32
    %add3A_66 = arith.addi %mul3A_64, %add3A_65 : i32
    "tpu.region"() ({
      %run_scoped3A = tpu.sem_alloc : memref<!tpu.dma_semaphore, #tpu.memory_space<semaphore_mem>>
      %dma_start3A = arith.constant 0 : i32
      %dma_start3A_71 = tpu.memref_slice %arg10[%add3A_66, %dma_start3A] : memref<10240x128xf32, #tpu.memory_space<vmem_shared>> -> memref<80x128xf32, #tpu.memory_space<vmem_shared>>
      %dma_start3A_72 = arith.constant 0 : i32
      %dma_start3A_73 = tpu.memref_slice %arg10[%add3A_66, %dma_start3A_72] : memref<10240x128xf32, #tpu.memory_space<vmem_shared>> -> memref<80x128xf32, #tpu.memory_space<vmem_shared>>
      tpu.enqueue_dma source(%dma_start3A_73 : memref<80x128xf32, #tpu.memory_space<vmem_shared>>) target(%arg9 : memref<80x128xf32, #tpu.memory_space<vmem>>) target_semaphore(%run_scoped3A : memref<!tpu.dma_semaphore, #tpu.memory_space<semaphore_mem>>)
      %dma_wait3A = arith.constant 0 : i32
      %dma_wait3A_74 = tpu.memref_slice %arg10[%add3A_66, %dma_wait3A] : memref<10240x128xf32, #tpu.memory_space<vmem_shared>> -> memref<80x128xf32, #tpu.memory_space<vmem_shared>>
      %dma_wait3A_75 = arith.constant 0 : i32
      %dma_wait3A_76 = tpu.memref_slice %arg10[%add3A_66, %dma_wait3A_75] : memref<10240x128xf32, #tpu.memory_space<vmem_shared>> -> memref<80x128xf32, #tpu.memory_space<vmem_shared>>
      tpu.wait_dma2 semaphore(%run_scoped3A : memref<!tpu.dma_semaphore, #tpu.memory_space<semaphore_mem>>) src(%dma_wait3A_76 : memref<80x128xf32, #tpu.memory_space<vmem_shared>>) dst(%arg9 : memref<80x128xf32, #tpu.memory_space<vmem>>)
      tpu.yield
    }) : () -> ()
    "tpu.region"() ({
      %run_scoped3A = tpu.sem_alloc : memref<!tpu.dma_semaphore, #tpu.memory_space<semaphore_mem>>
      %dma_start3A = arith.constant 0 : i32
      %dma_start3A_71 = tpu.memref_slice %arg6[%arg0, %add3A_66, %dma_start3A] : memref<2x10240x128xf32, #tpu.memory_space<hbm>> -> memref<1x80x128xf32, #tpu.memory_space<hbm>>
      %dma_start3A_72 = tpu.memref_squeeze %dma_start3A_71 : memref<1x80x128xf32, #tpu.memory_space<hbm>> -> memref<80x128xf32, #tpu.memory_space<hbm>>
      %dma_start3A_73 = arith.constant 0 : i32
      %dma_start3A_74 = tpu.memref_slice %arg6[%arg0, %add3A_66, %dma_start3A_73] : memref<2x10240x128xf32, #tpu.memory_space<hbm>> -> memref<1x80x128xf32, #tpu.memory_space<hbm>>
      %dma_start3A_75 = tpu.memref_squeeze %dma_start3A_74 : memref<1x80x128xf32, #tpu.memory_space<hbm>> -> memref<80x128xf32, #tpu.memory_space<hbm>>
      tpu.enqueue_dma source(%arg9 : memref<80x128xf32, #tpu.memory_space<vmem>>) target(%dma_start3A_75 : memref<80x128xf32, #tpu.memory_space<hbm>>) target_semaphore(%run_scoped3A : memref<!tpu.dma_semaphore, #tpu.memory_space<semaphore_mem>>)
      %dma_wait3A = arith.constant 0 : i32
      %dma_wait3A_76 = tpu.memref_slice %arg6[%arg0, %add3A_66, %dma_wait3A] : memref<2x10240x128xf32, #tpu.memory_space<hbm>> -> memref<1x80x128xf32, #tpu.memory_space<hbm>>
      %dma_wait3A_77 = tpu.memref_squeeze %dma_wait3A_76 : memref<1x80x128xf32, #tpu.memory_space<hbm>> -> memref<80x128xf32, #tpu.memory_space<hbm>>
      %dma_wait3A_78 = arith.constant 0 : i32
      %dma_wait3A_79 = tpu.memref_slice %arg6[%arg0, %add3A_66, %dma_wait3A_78] : memref<2x10240x128xf32, #tpu.memory_space<hbm>> -> memref<1x80x128xf32, #tpu.memory_space<hbm>>
      %dma_wait3A_80 = tpu.memref_squeeze %dma_wait3A_79 : memref<1x80x128xf32, #tpu.memory_space<hbm>> -> memref<80x128xf32, #tpu.memory_space<hbm>>
      tpu.wait_dma2 semaphore(%run_scoped3A : memref<!tpu.dma_semaphore, #tpu.memory_space<semaphore_mem>>) src(%arg9 : memref<80x128xf32, #tpu.memory_space<vmem>>) dst(%dma_wait3A_80 : memref<80x128xf32, #tpu.memory_space<hbm>>)
      tpu.yield
    }) : () -> ()
    %mul3A_67 = arith.constant 640 : i32
    %mul3A_68 = arith.muli %arg1, %mul3A_67 : i32
    %add3A_69 = arith.constant 560 : i32
    %add3A_70 = arith.addi %mul3A_68, %add3A_69 : i32
    "tpu.region"() ({
      %run_scoped3A = tpu.sem_alloc : memref<!tpu.dma_semaphore, #tpu.memory_space<semaphore_mem>>
      %dma_start3A = arith.constant 0 : i32
      %dma_start3A_71 = tpu.memref_slice %arg10[%add3A_70, %dma_start3A] : memref<10240x128xf32, #tpu.memory_space<vmem_shared>> -> memref<80x128xf32, #tpu.memory_space<vmem_shared>>
      %dma_start3A_72 = arith.constant 0 : i32
      %dma_start3A_73 = tpu.memref_slice %arg10[%add3A_70, %dma_start3A_72] : memref<10240x128xf32, #tpu.memory_space<vmem_shared>> -> memref<80x128xf32, #tpu.memory_space<vmem_shared>>
      tpu.enqueue_dma source(%dma_start3A_73 : memref<80x128xf32, #tpu.memory_space<vmem_shared>>) target(%arg9 : memref<80x128xf32, #tpu.memory_space<vmem>>) target_semaphore(%run_scoped3A : memref<!tpu.dma_semaphore, #tpu.memory_space<semaphore_mem>>)
      %dma_wait3A = arith.constant 0 : i32
      %dma_wait3A_74 = tpu.memref_slice %arg10[%add3A_70, %dma_wait3A] : memref<10240x128xf32, #tpu.memory_space<vmem_shared>> -> memref<80x128xf32, #tpu.memory_space<vmem_shared>>
      %dma_wait3A_75 = arith.constant 0 : i32
      %dma_wait3A_76 = tpu.memref_slice %arg10[%add3A_70, %dma_wait3A_75] : memref<10240x128xf32, #tpu.memory_space<vmem_shared>> -> memref<80x128xf32, #tpu.memory_space<vmem_shared>>
      tpu.wait_dma2 semaphore(%run_scoped3A : memref<!tpu.dma_semaphore, #tpu.memory_space<semaphore_mem>>) src(%dma_wait3A_76 : memref<80x128xf32, #tpu.memory_space<vmem_shared>>) dst(%arg9 : memref<80x128xf32, #tpu.memory_space<vmem>>)
      tpu.yield
    }) : () -> ()
    "tpu.region"() ({
      %run_scoped3A = tpu.sem_alloc : memref<!tpu.dma_semaphore, #tpu.memory_space<semaphore_mem>>
      %dma_start3A = arith.constant 0 : i32
      %dma_start3A_71 = tpu.memref_slice %arg6[%arg0, %add3A_70, %dma_start3A] : memref<2x10240x128xf32, #tpu.memory_space<hbm>> -> memref<1x80x128xf32, #tpu.memory_space<hbm>>
      %dma_start3A_72 = tpu.memref_squeeze %dma_start3A_71 : memref<1x80x128xf32, #tpu.memory_space<hbm>> -> memref<80x128xf32, #tpu.memory_space<hbm>>
      %dma_start3A_73 = arith.constant 0 : i32
      %dma_start3A_74 = tpu.memref_slice %arg6[%arg0, %add3A_70, %dma_start3A_73] : memref<2x10240x128xf32, #tpu.memory_space<hbm>> -> memref<1x80x128xf32, #tpu.memory_space<hbm>>
      %dma_start3A_75 = tpu.memref_squeeze %dma_start3A_74 : memref<1x80x128xf32, #tpu.memory_space<hbm>> -> memref<80x128xf32, #tpu.memory_space<hbm>>
      tpu.enqueue_dma source(%arg9 : memref<80x128xf32, #tpu.memory_space<vmem>>) target(%dma_start3A_75 : memref<80x128xf32, #tpu.memory_space<hbm>>) target_semaphore(%run_scoped3A : memref<!tpu.dma_semaphore, #tpu.memory_space<semaphore_mem>>)
      %dma_wait3A = arith.constant 0 : i32
      %dma_wait3A_76 = tpu.memref_slice %arg6[%arg0, %add3A_70, %dma_wait3A] : memref<2x10240x128xf32, #tpu.memory_space<hbm>> -> memref<1x80x128xf32, #tpu.memory_space<hbm>>
      %dma_wait3A_77 = tpu.memref_squeeze %dma_wait3A_76 : memref<1x80x128xf32, #tpu.memory_space<hbm>> -> memref<80x128xf32, #tpu.memory_space<hbm>>
      %dma_wait3A_78 = arith.constant 0 : i32
      %dma_wait3A_79 = tpu.memref_slice %arg6[%arg0, %add3A_70, %dma_wait3A_78] : memref<2x10240x128xf32, #tpu.memory_space<hbm>> -> memref<1x80x128xf32, #tpu.memory_space<hbm>>
      %dma_wait3A_80 = tpu.memref_squeeze %dma_wait3A_79 : memref<1x80x128xf32, #tpu.memory_space<hbm>> -> memref<80x128xf32, #tpu.memory_space<hbm>>
      tpu.wait_dma2 semaphore(%run_scoped3A : memref<!tpu.dma_semaphore, #tpu.memory_space<semaphore_mem>>) src(%arg9 : memref<80x128xf32, #tpu.memory_space<vmem>>) dst(%dma_wait3A_80 : memref<80x128xf32, #tpu.memory_space<hbm>>)
      tpu.yield
    }) : () -> ()
    return
  }
}

#map = affine_map<(d0, d1) -> (0, 0)>
#map1 = affine_map<(d0, d1) -> (0, 0, 0, 0)>
#map2 = affine_map<(d0, d1) -> (0, 0, 0)>
module attributes {stable_mosaic.version = 14 : i64} {
  func.func @_agg_body(%arg0: i32, %arg1: i32, %arg2: memref<10240x128xf32, #tpu.memory_space<hbm>>, %arg3: memref<32x25x5x80xi32, #tpu.memory_space<hbm>>, %arg4: memref<32x25x5x80xi32, #tpu.memory_space<hbm>>, %arg5: memref<80x128xf32, #tpu.memory_space<hbm>>, %arg6: memref<2x10240x128xf32, #tpu.memory_space<hbm>>, %arg7: memref<5x80xi32, #tpu.memory_space<vmem>>, %arg8: memref<5x80xi32, #tpu.memory_space<vmem>>, %arg9: memref<80x128xf32, #tpu.memory_space<vmem>>, %arg10: memref<10240x128xf32, #tpu.memory_space<vmem_shared>>, %arg11: memref<!tpu.dma_semaphore, #tpu.memory_space<semaphore_mem>>) attributes {dimension_semantics = [#tpu.dimension_semantics<core_parallel>, #tpu.dimension_semantics<subcore_parallel>], iteration_bounds = array<i64: 2, 16>, scalar_prefetch = 0 : i64, scratch_operands = 5 : i64, tpu.core_type = #tpu.core_type<sc_vector_subcore>, window_params = [{transform_indices = #map}, {transform_indices = #map1}, {transform_indices = #map1}, {transform_indices = #map}, {transform_indices = #map2}]} {
    %mul3A = arith.constant 2 : i32
    %mul3A_0 = arith.muli %arg1, %mul3A : i32
    %add3A = arith.addi %mul3A_0, %arg0 : i32
    "tpu.region"() ({
      %run_scoped3A = tpu.sem_alloc : memref<!tpu.dma_semaphore, #tpu.memory_space<semaphore_mem>>
      tpu.enqueue_dma source(%arg5 : memref<80x128xf32, #tpu.memory_space<hbm>>) target(%arg9 : memref<80x128xf32, #tpu.memory_space<vmem>>) target_semaphore(%run_scoped3A : memref<!tpu.dma_semaphore, #tpu.memory_space<semaphore_mem>>)
      tpu.wait_dma2 semaphore(%run_scoped3A : memref<!tpu.dma_semaphore, #tpu.memory_space<semaphore_mem>>) src(%arg5 : memref<80x128xf32, #tpu.memory_space<hbm>>) dst(%arg9 : memref<80x128xf32, #tpu.memory_space<vmem>>)
      tpu.yield
    }) : () -> ()
    %mul3A_1 = arith.constant 640 : i32
    %mul3A_2 = arith.muli %arg1, %mul3A_1 : i32
    %add3A_3 = arith.constant 0 : i32
    %add3A_4 = arith.addi %mul3A_2, %add3A_3 : i32
    "tpu.region"() ({
      %run_scoped3A = tpu.sem_alloc : memref<!tpu.dma_semaphore, #tpu.memory_space<semaphore_mem>>
      %dma_start3A = arith.constant 0 : i32
      %dma_start3A_71 = tpu.memref_slice %arg10[%add3A_4, %dma_start3A] : memref<10240x128xf32, #tpu.memory_space<vmem_shared>> -> memref<80x128xf32, #tpu.memory_space<vmem_shared>>
      %dma_start3A_72 = arith.constant 0 : i32
      %dma_start3A_73 = tpu.memref_slice %arg10[%add3A_4, %dma_start3A_72] : memref<10240x128xf32, #tpu.memory_space<vmem_shared>> -> memref<80x128xf32, #tpu.memory_space<vmem_shared>>
      tpu.enqueue_dma source(%arg9 : memref<80x128xf32, #tpu.memory_space<vmem>>) target(%dma_start3A_73 : memref<80x128xf32, #tpu.memory_space<vmem_shared>>) target_semaphore(%run_scoped3A : memref<!tpu.dma_semaphore, #tpu.memory_space<semaphore_mem>>)
      %dma_wait3A = arith.constant 0 : i32
      %dma_wait3A_74 = tpu.memref_slice %arg10[%add3A_4, %dma_wait3A] : memref<10240x128xf32, #tpu.memory_space<vmem_shared>> -> memref<80x128xf32, #tpu.memory_space<vmem_shared>>
      %dma_wait3A_75 = arith.constant 0 : i32
      %dma_wait3A_76 = tpu.memref_slice %arg10[%add3A_4, %dma_wait3A_75] : memref<10240x128xf32, #tpu.memory_space<vmem_shared>> -> memref<80x128xf32, #tpu.memory_space<vmem_shared>>
      tpu.wait_dma2 semaphore(%run_scoped3A : memref<!tpu.dma_semaphore, #tpu.memory_space<semaphore_mem>>) src(%arg9 : memref<80x128xf32, #tpu.memory_space<vmem>>) dst(%dma_wait3A_76 : memref<80x128xf32, #tpu.memory_space<vmem_shared>>)
      tpu.yield
    }) : () -> ()
    %mul3A_5 = arith.constant 640 : i32
    %mul3A_6 = arith.muli %arg1, %mul3A_5 : i32
    %add3A_7 = arith.constant 80 : i32
    %add3A_8 = arith.addi %mul3A_6, %add3A_7 : i32
    "tpu.region"() ({
      %run_scoped3A = tpu.sem_alloc : memref<!tpu.dma_semaphore, #tpu.memory_space<semaphore_mem>>
      %dma_start3A = arith.constant 0 : i32
      %dma_start3A_71 = tpu.memref_slice %arg10[%add3A_8, %dma_start3A] : memref<10240x128xf32, #tpu.memory_space<vmem_shared>> -> memref<80x128xf32, #tpu.memory_space<vmem_shared>>
      %dma_start3A_72 = arith.constant 0 : i32
      %dma_start3A_73 = tpu.memref_slice %arg10[%add3A_8, %dma_start3A_72] : memref<10240x128xf32, #tpu.memory_space<vmem_shared>> -> memref<80x128xf32, #tpu.memory_space<vmem_shared>>
      tpu.enqueue_dma source(%arg9 : memref<80x128xf32, #tpu.memory_space<vmem>>) target(%dma_start3A_73 : memref<80x128xf32, #tpu.memory_space<vmem_shared>>) target_semaphore(%run_scoped3A : memref<!tpu.dma_semaphore, #tpu.memory_space<semaphore_mem>>)
      %dma_wait3A = arith.constant 0 : i32
      %dma_wait3A_74 = tpu.memref_slice %arg10[%add3A_8, %dma_wait3A] : memref<10240x128xf32, #tpu.memory_space<vmem_shared>> -> memref<80x128xf32, #tpu.memory_space<vmem_shared>>
      %dma_wait3A_75 = arith.constant 0 : i32
      %dma_wait3A_76 = tpu.memref_slice %arg10[%add3A_8, %dma_wait3A_75] : memref<10240x128xf32, #tpu.memory_space<vmem_shared>> -> memref<80x128xf32, #tpu.memory_space<vmem_shared>>
      tpu.wait_dma2 semaphore(%run_scoped3A : memref<!tpu.dma_semaphore, #tpu.memory_space<semaphore_mem>>) src(%arg9 : memref<80x128xf32, #tpu.memory_space<vmem>>) dst(%dma_wait3A_76 : memref<80x128xf32, #tpu.memory_space<vmem_shared>>)
      tpu.yield
    }) : () -> ()
    %mul3A_9 = arith.constant 640 : i32
    %mul3A_10 = arith.muli %arg1, %mul3A_9 : i32
    %add3A_11 = arith.constant 160 : i32
    %add3A_12 = arith.addi %mul3A_10, %add3A_11 : i32
    "tpu.region"() ({
      %run_scoped3A = tpu.sem_alloc : memref<!tpu.dma_semaphore, #tpu.memory_space<semaphore_mem>>
      %dma_start3A = arith.constant 0 : i32
      %dma_start3A_71 = tpu.memref_slice %arg10[%add3A_12, %dma_start3A] : memref<10240x128xf32, #tpu.memory_space<vmem_shared>> -> memref<80x128xf32, #tpu.memory_space<vmem_shared>>
      %dma_start3A_72 = arith.constant 0 : i32
      %dma_start3A_73 = tpu.memref_slice %arg10[%add3A_12, %dma_start3A_72] : memref<10240x128xf32, #tpu.memory_space<vmem_shared>> -> memref<80x128xf32, #tpu.memory_space<vmem_shared>>
      tpu.enqueue_dma source(%arg9 : memref<80x128xf32, #tpu.memory_space<vmem>>) target(%dma_start3A_73 : memref<80x128xf32, #tpu.memory_space<vmem_shared>>) target_semaphore(%run_scoped3A : memref<!tpu.dma_semaphore, #tpu.memory_space<semaphore_mem>>)
      %dma_wait3A = arith.constant 0 : i32
      %dma_wait3A_74 = tpu.memref_slice %arg10[%add3A_12, %dma_wait3A] : memref<10240x128xf32, #tpu.memory_space<vmem_shared>> -> memref<80x128xf32, #tpu.memory_space<vmem_shared>>
      %dma_wait3A_75 = arith.constant 0 : i32
      %dma_wait3A_76 = tpu.memref_slice %arg10[%add3A_12, %dma_wait3A_75] : memref<10240x128xf32, #tpu.memory_space<vmem_shared>> -> memref<80x128xf32, #tpu.memory_space<vmem_shared>>
      tpu.wait_dma2 semaphore(%run_scoped3A : memref<!tpu.dma_semaphore, #tpu.memory_space<semaphore_mem>>) src(%arg9 : memref<80x128xf32, #tpu.memory_space<vmem>>) dst(%dma_wait3A_76 : memref<80x128xf32, #tpu.memory_space<vmem_shared>>)
      tpu.yield
    }) : () -> ()
    %mul3A_13 = arith.constant 640 : i32
    %mul3A_14 = arith.muli %arg1, %mul3A_13 : i32
    %add3A_15 = arith.constant 240 : i32
    %add3A_16 = arith.addi %mul3A_14, %add3A_15 : i32
    "tpu.region"() ({
      %run_scoped3A = tpu.sem_alloc : memref<!tpu.dma_semaphore, #tpu.memory_space<semaphore_mem>>
      %dma_start3A = arith.constant 0 : i32
      %dma_start3A_71 = tpu.memref_slice %arg10[%add3A_16, %dma_start3A] : memref<10240x128xf32, #tpu.memory_space<vmem_shared>> -> memref<80x128xf32, #tpu.memory_space<vmem_shared>>
      %dma_start3A_72 = arith.constant 0 : i32
      %dma_start3A_73 = tpu.memref_slice %arg10[%add3A_16, %dma_start3A_72] : memref<10240x128xf32, #tpu.memory_space<vmem_shared>> -> memref<80x128xf32, #tpu.memory_space<vmem_shared>>
      tpu.enqueue_dma source(%arg9 : memref<80x128xf32, #tpu.memory_space<vmem>>) target(%dma_start3A_73 : memref<80x128xf32, #tpu.memory_space<vmem_shared>>) target_semaphore(%run_scoped3A : memref<!tpu.dma_semaphore, #tpu.memory_space<semaphore_mem>>)
      %dma_wait3A = arith.constant 0 : i32
      %dma_wait3A_74 = tpu.memref_slice %arg10[%add3A_16, %dma_wait3A] : memref<10240x128xf32, #tpu.memory_space<vmem_shared>> -> memref<80x128xf32, #tpu.memory_space<vmem_shared>>
      %dma_wait3A_75 = arith.constant 0 : i32
      %dma_wait3A_76 = tpu.memref_slice %arg10[%add3A_16, %dma_wait3A_75] : memref<10240x128xf32, #tpu.memory_space<vmem_shared>> -> memref<80x128xf32, #tpu.memory_space<vmem_shared>>
      tpu.wait_dma2 semaphore(%run_scoped3A : memref<!tpu.dma_semaphore, #tpu.memory_space<semaphore_mem>>) src(%arg9 : memref<80x128xf32, #tpu.memory_space<vmem>>) dst(%dma_wait3A_76 : memref<80x128xf32, #tpu.memory_space<vmem_shared>>)
      tpu.yield
    }) : () -> ()
    %mul3A_17 = arith.constant 640 : i32
    %mul3A_18 = arith.muli %arg1, %mul3A_17 : i32
    %add3A_19 = arith.constant 320 : i32
    %add3A_20 = arith.addi %mul3A_18, %add3A_19 : i32
    "tpu.region"() ({
      %run_scoped3A = tpu.sem_alloc : memref<!tpu.dma_semaphore, #tpu.memory_space<semaphore_mem>>
      %dma_start3A = arith.constant 0 : i32
      %dma_start3A_71 = tpu.memref_slice %arg10[%add3A_20, %dma_start3A] : memref<10240x128xf32, #tpu.memory_space<vmem_shared>> -> memref<80x128xf32, #tpu.memory_space<vmem_shared>>
      %dma_start3A_72 = arith.constant 0 : i32
      %dma_start3A_73 = tpu.memref_slice %arg10[%add3A_20, %dma_start3A_72] : memref<10240x128xf32, #tpu.memory_space<vmem_shared>> -> memref<80x128xf32, #tpu.memory_space<vmem_shared>>
      tpu.enqueue_dma source(%arg9 : memref<80x128xf32, #tpu.memory_space<vmem>>) target(%dma_start3A_73 : memref<80x128xf32, #tpu.memory_space<vmem_shared>>) target_semaphore(%run_scoped3A : memref<!tpu.dma_semaphore, #tpu.memory_space<semaphore_mem>>)
      %dma_wait3A = arith.constant 0 : i32
      %dma_wait3A_74 = tpu.memref_slice %arg10[%add3A_20, %dma_wait3A] : memref<10240x128xf32, #tpu.memory_space<vmem_shared>> -> memref<80x128xf32, #tpu.memory_space<vmem_shared>>
      %dma_wait3A_75 = arith.constant 0 : i32
      %dma_wait3A_76 = tpu.memref_slice %arg10[%add3A_20, %dma_wait3A_75] : memref<10240x128xf32, #tpu.memory_space<vmem_shared>> -> memref<80x128xf32, #tpu.memory_space<vmem_shared>>
      tpu.wait_dma2 semaphore(%run_scoped3A : memref<!tpu.dma_semaphore, #tpu.memory_space<semaphore_mem>>) src(%arg9 : memref<80x128xf32, #tpu.memory_space<vmem>>) dst(%dma_wait3A_76 : memref<80x128xf32, #tpu.memory_space<vmem_shared>>)
      tpu.yield
    }) : () -> ()
    %mul3A_21 = arith.constant 640 : i32
    %mul3A_22 = arith.muli %arg1, %mul3A_21 : i32
    %add3A_23 = arith.constant 400 : i32
    %add3A_24 = arith.addi %mul3A_22, %add3A_23 : i32
    "tpu.region"() ({
      %run_scoped3A = tpu.sem_alloc : memref<!tpu.dma_semaphore, #tpu.memory_space<semaphore_mem>>
      %dma_start3A = arith.constant 0 : i32
      %dma_start3A_71 = tpu.memref_slice %arg10[%add3A_24, %dma_start3A] : memref<10240x128xf32, #tpu.memory_space<vmem_shared>> -> memref<80x128xf32, #tpu.memory_space<vmem_shared>>
      %dma_start3A_72 = arith.constant 0 : i32
      %dma_start3A_73 = tpu.memref_slice %arg10[%add3A_24, %dma_start3A_72] : memref<10240x128xf32, #tpu.memory_space<vmem_shared>> -> memref<80x128xf32, #tpu.memory_space<vmem_shared>>
      tpu.enqueue_dma source(%arg9 : memref<80x128xf32, #tpu.memory_space<vmem>>) target(%dma_start3A_73 : memref<80x128xf32, #tpu.memory_space<vmem_shared>>) target_semaphore(%run_scoped3A : memref<!tpu.dma_semaphore, #tpu.memory_space<semaphore_mem>>)
      %dma_wait3A = arith.constant 0 : i32
      %dma_wait3A_74 = tpu.memref_slice %arg10[%add3A_24, %dma_wait3A] : memref<10240x128xf32, #tpu.memory_space<vmem_shared>> -> memref<80x128xf32, #tpu.memory_space<vmem_shared>>
      %dma_wait3A_75 = arith.constant 0 : i32
      %dma_wait3A_76 = tpu.memref_slice %arg10[%add3A_24, %dma_wait3A_75] : memref<10240x128xf32, #tpu.memory_space<vmem_shared>> -> memref<80x128xf32, #tpu.memory_space<vmem_shared>>
      tpu.wait_dma2 semaphore(%run_scoped3A : memref<!tpu.dma_semaphore, #tpu.memory_space<semaphore_mem>>) src(%arg9 : memref<80x128xf32, #tpu.memory_space<vmem>>) dst(%dma_wait3A_76 : memref<80x128xf32, #tpu.memory_space<vmem_shared>>)
      tpu.yield
    }) : () -> ()
    %mul3A_25 = arith.constant 640 : i32
    %mul3A_26 = arith.muli %arg1, %mul3A_25 : i32
    %add3A_27 = arith.constant 480 : i32
    %add3A_28 = arith.addi %mul3A_26, %add3A_27 : i32
    "tpu.region"() ({
      %run_scoped3A = tpu.sem_alloc : memref<!tpu.dma_semaphore, #tpu.memory_space<semaphore_mem>>
      %dma_start3A = arith.constant 0 : i32
      %dma_start3A_71 = tpu.memref_slice %arg10[%add3A_28, %dma_start3A] : memref<10240x128xf32, #tpu.memory_space<vmem_shared>> -> memref<80x128xf32, #tpu.memory_space<vmem_shared>>
      %dma_start3A_72 = arith.constant 0 : i32
      %dma_start3A_73 = tpu.memref_slice %arg10[%add3A_28, %dma_start3A_72] : memref<10240x128xf32, #tpu.memory_space<vmem_shared>> -> memref<80x128xf32, #tpu.memory_space<vmem_shared>>
      tpu.enqueue_dma source(%arg9 : memref<80x128xf32, #tpu.memory_space<vmem>>) target(%dma_start3A_73 : memref<80x128xf32, #tpu.memory_space<vmem_shared>>) target_semaphore(%run_scoped3A : memref<!tpu.dma_semaphore, #tpu.memory_space<semaphore_mem>>)
      %dma_wait3A = arith.constant 0 : i32
      %dma_wait3A_74 = tpu.memref_slice %arg10[%add3A_28, %dma_wait3A] : memref<10240x128xf32, #tpu.memory_space<vmem_shared>> -> memref<80x128xf32, #tpu.memory_space<vmem_shared>>
      %dma_wait3A_75 = arith.constant 0 : i32
      %dma_wait3A_76 = tpu.memref_slice %arg10[%add3A_28, %dma_wait3A_75] : memref<10240x128xf32, #tpu.memory_space<vmem_shared>> -> memref<80x128xf32, #tpu.memory_space<vmem_shared>>
      tpu.wait_dma2 semaphore(%run_scoped3A : memref<!tpu.dma_semaphore, #tpu.memory_space<semaphore_mem>>) src(%arg9 : memref<80x128xf32, #tpu.memory_space<vmem>>) dst(%dma_wait3A_76 : memref<80x128xf32, #tpu.memory_space<vmem_shared>>)
      tpu.yield
    }) : () -> ()
    %mul3A_29 = arith.constant 640 : i32
    %mul3A_30 = arith.muli %arg1, %mul3A_29 : i32
    %add3A_31 = arith.constant 560 : i32
    %add3A_32 = arith.addi %mul3A_30, %add3A_31 : i32
    "tpu.region"() ({
      %run_scoped3A = tpu.sem_alloc : memref<!tpu.dma_semaphore, #tpu.memory_space<semaphore_mem>>
      %dma_start3A = arith.constant 0 : i32
      %dma_start3A_71 = tpu.memref_slice %arg10[%add3A_32, %dma_start3A] : memref<10240x128xf32, #tpu.memory_space<vmem_shared>> -> memref<80x128xf32, #tpu.memory_space<vmem_shared>>
      %dma_start3A_72 = arith.constant 0 : i32
      %dma_start3A_73 = tpu.memref_slice %arg10[%add3A_32, %dma_start3A_72] : memref<10240x128xf32, #tpu.memory_space<vmem_shared>> -> memref<80x128xf32, #tpu.memory_space<vmem_shared>>
      tpu.enqueue_dma source(%arg9 : memref<80x128xf32, #tpu.memory_space<vmem>>) target(%dma_start3A_73 : memref<80x128xf32, #tpu.memory_space<vmem_shared>>) target_semaphore(%run_scoped3A : memref<!tpu.dma_semaphore, #tpu.memory_space<semaphore_mem>>)
      %dma_wait3A = arith.constant 0 : i32
      %dma_wait3A_74 = tpu.memref_slice %arg10[%add3A_32, %dma_wait3A] : memref<10240x128xf32, #tpu.memory_space<vmem_shared>> -> memref<80x128xf32, #tpu.memory_space<vmem_shared>>
      %dma_wait3A_75 = arith.constant 0 : i32
      %dma_wait3A_76 = tpu.memref_slice %arg10[%add3A_32, %dma_wait3A_75] : memref<10240x128xf32, #tpu.memory_space<vmem_shared>> -> memref<80x128xf32, #tpu.memory_space<vmem_shared>>
      tpu.wait_dma2 semaphore(%run_scoped3A : memref<!tpu.dma_semaphore, #tpu.memory_space<semaphore_mem>>) src(%arg9 : memref<80x128xf32, #tpu.memory_space<vmem>>) dst(%dma_wait3A_76 : memref<80x128xf32, #tpu.memory_space<vmem_shared>>)
      tpu.yield
    }) : () -> ()
    %barrier3A = arith.constant 0 : index
    tpu.barrier barrier_id(%barrier3A)
    %scan3A = arith.constant 0 : i32
    %scan3A_33 = arith.constant 0 : i32
    %scan3A_34 = arith.constant 25 : i32
    %scan3A_35 = arith.addi %scan3A_33, %scan3A_34 : i32
    %scan3A_36 = arith.constant 1 : i32
    scf.for %scan3A_71 = %scan3A_33 to %scan3A_35 step %scan3A_36  : i32 {
      "tpu.region"() ({
        %run_scoped3A_144 = tpu.sem_alloc : memref<!tpu.dma_semaphore, #tpu.memory_space<semaphore_mem>>
        %dma_start3A_145 = arith.constant 0 : i32
        %dma_start3A_146 = arith.constant 0 : i32
        %dma_start3A_147 = tpu.memref_slice %arg3[%add3A, %scan3A_71, %dma_start3A_145, %dma_start3A_146] : memref<32x25x5x80xi32, #tpu.memory_space<hbm>> -> memref<1x1x5x80xi32, #tpu.memory_space<hbm>>
        %dma_start3A_148 = tpu.memref_squeeze %dma_start3A_147 : memref<1x1x5x80xi32, #tpu.memory_space<hbm>> -> memref<5x80xi32, #tpu.memory_space<hbm>>
        %dma_start3A_149 = arith.constant 0 : i32
        %dma_start3A_150 = arith.constant 0 : i32
        %dma_start3A_151 = tpu.memref_slice %arg3[%add3A, %scan3A_71, %dma_start3A_149, %dma_start3A_150] : memref<32x25x5x80xi32, #tpu.memory_space<hbm>> -> memref<1x1x5x80xi32, #tpu.memory_space<hbm>>
        %dma_start3A_152 = tpu.memref_squeeze %dma_start3A_151 : memref<1x1x5x80xi32, #tpu.memory_space<hbm>> -> memref<5x80xi32, #tpu.memory_space<hbm>>
        tpu.enqueue_dma source(%dma_start3A_152 : memref<5x80xi32, #tpu.memory_space<hbm>>) target(%arg7 : memref<5x80xi32, #tpu.memory_space<vmem>>) target_semaphore(%run_scoped3A_144 : memref<!tpu.dma_semaphore, #tpu.memory_space<semaphore_mem>>)
        %dma_wait3A_153 = arith.constant 0 : i32
        %dma_wait3A_154 = arith.constant 0 : i32
        %dma_wait3A_155 = tpu.memref_slice %arg3[%add3A, %scan3A_71, %dma_wait3A_153, %dma_wait3A_154] : memref<32x25x5x80xi32, #tpu.memory_space<hbm>> -> memref<1x1x5x80xi32, #tpu.memory_space<hbm>>
        %dma_wait3A_156 = tpu.memref_squeeze %dma_wait3A_155 : memref<1x1x5x80xi32, #tpu.memory_space<hbm>> -> memref<5x80xi32, #tpu.memory_space<hbm>>
        %dma_wait3A_157 = arith.constant 0 : i32
        %dma_wait3A_158 = arith.constant 0 : i32
        %dma_wait3A_159 = tpu.memref_slice %arg3[%add3A, %scan3A_71, %dma_wait3A_157, %dma_wait3A_158] : memref<32x25x5x80xi32, #tpu.memory_space<hbm>> -> memref<1x1x5x80xi32, #tpu.memory_space<hbm>>
        %dma_wait3A_160 = tpu.memref_squeeze %dma_wait3A_159 : memref<1x1x5x80xi32, #tpu.memory_space<hbm>> -> memref<5x80xi32, #tpu.memory_space<hbm>>
        tpu.wait_dma2 semaphore(%run_scoped3A_144 : memref<!tpu.dma_semaphore, #tpu.memory_space<semaphore_mem>>) src(%dma_wait3A_160 : memref<5x80xi32, #tpu.memory_space<hbm>>) dst(%arg7 : memref<5x80xi32, #tpu.memory_space<vmem>>)
        tpu.yield
      }) : () -> ()
      "tpu.region"() ({
        %run_scoped3A_144 = tpu.sem_alloc : memref<!tpu.dma_semaphore, #tpu.memory_space<semaphore_mem>>
        %dma_start3A_145 = arith.constant 0 : i32
        %dma_start3A_146 = arith.constant 0 : i32
        %dma_start3A_147 = tpu.memref_slice %arg4[%add3A, %scan3A_71, %dma_start3A_145, %dma_start3A_146] : memref<32x25x5x80xi32, #tpu.memory_space<hbm>> -> memref<1x1x5x80xi32, #tpu.memory_space<hbm>>
        %dma_start3A_148 = tpu.memref_squeeze %dma_start3A_147 : memref<1x1x5x80xi32, #tpu.memory_space<hbm>> -> memref<5x80xi32, #tpu.memory_space<hbm>>
        %dma_start3A_149 = arith.constant 0 : i32
        %dma_start3A_150 = arith.constant 0 : i32
        %dma_start3A_151 = tpu.memref_slice %arg4[%add3A, %scan3A_71, %dma_start3A_149, %dma_start3A_150] : memref<32x25x5x80xi32, #tpu.memory_space<hbm>> -> memref<1x1x5x80xi32, #tpu.memory_space<hbm>>
        %dma_start3A_152 = tpu.memref_squeeze %dma_start3A_151 : memref<1x1x5x80xi32, #tpu.memory_space<hbm>> -> memref<5x80xi32, #tpu.memory_space<hbm>>
        tpu.enqueue_dma source(%dma_start3A_152 : memref<5x80xi32, #tpu.memory_space<hbm>>) target(%arg8 : memref<5x80xi32, #tpu.memory_space<vmem>>) target_semaphore(%run_scoped3A_144 : memref<!tpu.dma_semaphore, #tpu.memory_space<semaphore_mem>>)
        %dma_wait3A_153 = arith.constant 0 : i32
        %dma_wait3A_154 = arith.constant 0 : i32
        %dma_wait3A_155 = tpu.memref_slice %arg4[%add3A, %scan3A_71, %dma_wait3A_153, %dma_wait3A_154] : memref<32x25x5x80xi32, #tpu.memory_space<hbm>> -> memref<1x1x5x80xi32, #tpu.memory_space<hbm>>
        %dma_wait3A_156 = tpu.memref_squeeze %dma_wait3A_155 : memref<1x1x5x80xi32, #tpu.memory_space<hbm>> -> memref<5x80xi32, #tpu.memory_space<hbm>>
        %dma_wait3A_157 = arith.constant 0 : i32
        %dma_wait3A_158 = arith.constant 0 : i32
        %dma_wait3A_159 = tpu.memref_slice %arg4[%add3A, %scan3A_71, %dma_wait3A_157, %dma_wait3A_158] : memref<32x25x5x80xi32, #tpu.memory_space<hbm>> -> memref<1x1x5x80xi32, #tpu.memory_space<hbm>>
        %dma_wait3A_160 = tpu.memref_squeeze %dma_wait3A_159 : memref<1x1x5x80xi32, #tpu.memory_space<hbm>> -> memref<5x80xi32, #tpu.memory_space<hbm>>
        tpu.wait_dma2 semaphore(%run_scoped3A_144 : memref<!tpu.dma_semaphore, #tpu.memory_space<semaphore_mem>>) src(%dma_wait3A_160 : memref<5x80xi32, #tpu.memory_space<hbm>>) dst(%arg8 : memref<5x80xi32, #tpu.memory_space<vmem>>)
        tpu.yield
      }) : () -> ()
      %dma_start3A = arith.constant 0 : i32
      %dma_start3A_72 = arith.constant 0 : i32
      %dma_start3A_73 = tpu.memref_slice %arg7[%dma_start3A, %dma_start3A_72] : memref<5x80xi32, #tpu.memory_space<vmem>> -> memref<1x80xi32, #tpu.memory_space<vmem>>
      %dma_start3A_74 = tpu.memref_squeeze %dma_start3A_73 : memref<1x80xi32, #tpu.memory_space<vmem>> -> memref<80xi32, #tpu.memory_space<vmem>>
      %dma_start3A_75 = arith.constant 0 : i32
      %dma_start3A_76 = arith.constant 0 : i32
      %dma_start3A_77 = tpu.memref_slice %arg2[%dma_start3A_75, %dma_start3A_76] : memref<10240x128xf32, #tpu.memory_space<hbm>> -> memref<10240x128xf32, #tpu.memory_space<hbm>>
      tpu.enqueue_indirect_dma source(%dma_start3A_77 : memref<10240x128xf32, #tpu.memory_space<hbm>>) target(%arg9 : memref<80x128xf32, #tpu.memory_space<vmem>>) offsets(%dma_start3A_74 : memref<80xi32, #tpu.memory_space<vmem>>) semaphore(%arg11 : memref<!tpu.dma_semaphore, #tpu.memory_space<semaphore_mem>>)
      %dma_wait3A = arith.constant 0 : i32
      %dma_wait3A_78 = arith.constant 0 : i32
      %dma_wait3A_79 = tpu.memref_slice %arg7[%dma_wait3A, %dma_wait3A_78] : memref<5x80xi32, #tpu.memory_space<vmem>> -> memref<1x80xi32, #tpu.memory_space<vmem>>
      %dma_wait3A_80 = tpu.memref_squeeze %dma_wait3A_79 : memref<1x80xi32, #tpu.memory_space<vmem>> -> memref<80xi32, #tpu.memory_space<vmem>>
      %dma_wait3A_81 = arith.constant 0 : i32
      %dma_wait3A_82 = arith.constant 0 : i32
      %dma_wait3A_83 = tpu.memref_slice %arg2[%dma_wait3A_81, %dma_wait3A_82] : memref<10240x128xf32, #tpu.memory_space<hbm>> -> memref<10240x128xf32, #tpu.memory_space<hbm>>
      tpu.wait_indirect_dma semaphore(%arg11 : memref<!tpu.dma_semaphore, #tpu.memory_space<semaphore_mem>>) src(%dma_wait3A_83 : memref<10240x128xf32, #tpu.memory_space<hbm>>) dst(%arg9 : memref<80x128xf32, #tpu.memory_space<vmem>>)
      %run_scoped3A = arith.constant 0 : i32
      "tpu.region"() ({
        %run_scoped3A_144 = tpu.sem_alloc : memref<!tpu.dma_semaphore, #tpu.memory_space<semaphore_mem>>
        %dma_start3A_145 = arith.constant 0 : i32
        %dma_start3A_146 = tpu.memref_slice %arg8[%run_scoped3A, %dma_start3A_145] : memref<5x80xi32, #tpu.memory_space<vmem>> -> memref<1x80xi32, #tpu.memory_space<vmem>>
        %dma_start3A_147 = tpu.memref_squeeze %dma_start3A_146 : memref<1x80xi32, #tpu.memory_space<vmem>> -> memref<80xi32, #tpu.memory_space<vmem>>
        %dma_start3A_148 = arith.constant 0 : i32
        %dma_start3A_149 = arith.constant 0 : i32
        %dma_start3A_150 = tpu.memref_slice %arg10[%dma_start3A_148, %dma_start3A_149] : memref<10240x128xf32, #tpu.memory_space<vmem_shared>> -> memref<10240x128xf32, #tpu.memory_space<vmem_shared>>
        tpu.enqueue_indirect_dma source(%arg9 : memref<80x128xf32, #tpu.memory_space<vmem>>) target(%dma_start3A_150 : memref<10240x128xf32, #tpu.memory_space<vmem_shared>>) offsets(%dma_start3A_147 : memref<80xi32, #tpu.memory_space<vmem>>) semaphore(%run_scoped3A_144 : memref<!tpu.dma_semaphore, #tpu.memory_space<semaphore_mem>>) {add = true}
        %dma_wait3A_151 = arith.constant 0 : i32
        %dma_wait3A_152 = tpu.memref_slice %arg8[%run_scoped3A, %dma_wait3A_151] : memref<5x80xi32, #tpu.memory_space<vmem>> -> memref<1x80xi32, #tpu.memory_space<vmem>>
        %dma_wait3A_153 = tpu.memref_squeeze %dma_wait3A_152 : memref<1x80xi32, #tpu.memory_space<vmem>> -> memref<80xi32, #tpu.memory_space<vmem>>
        %dma_wait3A_154 = arith.constant 0 : i32
        %dma_wait3A_155 = arith.constant 0 : i32
        %dma_wait3A_156 = tpu.memref_slice %arg10[%dma_wait3A_154, %dma_wait3A_155] : memref<10240x128xf32, #tpu.memory_space<vmem_shared>> -> memref<10240x128xf32, #tpu.memory_space<vmem_shared>>
        tpu.wait_indirect_dma semaphore(%run_scoped3A_144 : memref<!tpu.dma_semaphore, #tpu.memory_space<semaphore_mem>>) src(%arg9 : memref<80x128xf32, #tpu.memory_space<vmem>>) dst(%dma_wait3A_156 : memref<10240x128xf32, #tpu.memory_space<vmem_shared>>)
        tpu.yield
      }) : () -> ()
      %dma_start3A_84 = arith.constant 1 : i32
      %dma_start3A_85 = arith.constant 0 : i32
      %dma_start3A_86 = tpu.memref_slice %arg7[%dma_start3A_84, %dma_start3A_85] : memref<5x80xi32, #tpu.memory_space<vmem>> -> memref<1x80xi32, #tpu.memory_space<vmem>>
      %dma_start3A_87 = tpu.memref_squeeze %dma_start3A_86 : memref<1x80xi32, #tpu.memory_space<vmem>> -> memref<80xi32, #tpu.memory_space<vmem>>
      %dma_start3A_88 = arith.constant 0 : i32
      %dma_start3A_89 = arith.constant 0 : i32
      %dma_start3A_90 = tpu.memref_slice %arg2[%dma_start3A_88, %dma_start3A_89] : memref<10240x128xf32, #tpu.memory_space<hbm>> -> memref<10240x128xf32, #tpu.memory_space<hbm>>
      tpu.enqueue_indirect_dma source(%dma_start3A_90 : memref<10240x128xf32, #tpu.memory_space<hbm>>) target(%arg9 : memref<80x128xf32, #tpu.memory_space<vmem>>) offsets(%dma_start3A_87 : memref<80xi32, #tpu.memory_space<vmem>>) semaphore(%arg11 : memref<!tpu.dma_semaphore, #tpu.memory_space<semaphore_mem>>)
      %dma_wait3A_91 = arith.constant 1 : i32
      %dma_wait3A_92 = arith.constant 0 : i32
      %dma_wait3A_93 = tpu.memref_slice %arg7[%dma_wait3A_91, %dma_wait3A_92] : memref<5x80xi32, #tpu.memory_space<vmem>> -> memref<1x80xi32, #tpu.memory_space<vmem>>
      %dma_wait3A_94 = tpu.memref_squeeze %dma_wait3A_93 : memref<1x80xi32, #tpu.memory_space<vmem>> -> memref<80xi32, #tpu.memory_space<vmem>>
      %dma_wait3A_95 = arith.constant 0 : i32
      %dma_wait3A_96 = arith.constant 0 : i32
      %dma_wait3A_97 = tpu.memref_slice %arg2[%dma_wait3A_95, %dma_wait3A_96] : memref<10240x128xf32, #tpu.memory_space<hbm>> -> memref<10240x128xf32, #tpu.memory_space<hbm>>
      tpu.wait_indirect_dma semaphore(%arg11 : memref<!tpu.dma_semaphore, #tpu.memory_space<semaphore_mem>>) src(%dma_wait3A_97 : memref<10240x128xf32, #tpu.memory_space<hbm>>) dst(%arg9 : memref<80x128xf32, #tpu.memory_space<vmem>>)
      %run_scoped3A_98 = arith.constant 1 : i32
      "tpu.region"() ({
        %run_scoped3A_144 = tpu.sem_alloc : memref<!tpu.dma_semaphore, #tpu.memory_space<semaphore_mem>>
        %dma_start3A_145 = arith.constant 0 : i32
        %dma_start3A_146 = tpu.memref_slice %arg8[%run_scoped3A_98, %dma_start3A_145] : memref<5x80xi32, #tpu.memory_space<vmem>> -> memref<1x80xi32, #tpu.memory_space<vmem>>
        %dma_start3A_147 = tpu.memref_squeeze %dma_start3A_146 : memref<1x80xi32, #tpu.memory_space<vmem>> -> memref<80xi32, #tpu.memory_space<vmem>>
        %dma_start3A_148 = arith.constant 0 : i32
        %dma_start3A_149 = arith.constant 0 : i32
        %dma_start3A_150 = tpu.memref_slice %arg10[%dma_start3A_148, %dma_start3A_149] : memref<10240x128xf32, #tpu.memory_space<vmem_shared>> -> memref<10240x128xf32, #tpu.memory_space<vmem_shared>>
        tpu.enqueue_indirect_dma source(%arg9 : memref<80x128xf32, #tpu.memory_space<vmem>>) target(%dma_start3A_150 : memref<10240x128xf32, #tpu.memory_space<vmem_shared>>) offsets(%dma_start3A_147 : memref<80xi32, #tpu.memory_space<vmem>>) semaphore(%run_scoped3A_144 : memref<!tpu.dma_semaphore, #tpu.memory_space<semaphore_mem>>) {add = true}
        %dma_wait3A_151 = arith.constant 0 : i32
        %dma_wait3A_152 = tpu.memref_slice %arg8[%run_scoped3A_98, %dma_wait3A_151] : memref<5x80xi32, #tpu.memory_space<vmem>> -> memref<1x80xi32, #tpu.memory_space<vmem>>
        %dma_wait3A_153 = tpu.memref_squeeze %dma_wait3A_152 : memref<1x80xi32, #tpu.memory_space<vmem>> -> memref<80xi32, #tpu.memory_space<vmem>>
        %dma_wait3A_154 = arith.constant 0 : i32
        %dma_wait3A_155 = arith.constant 0 : i32
        %dma_wait3A_156 = tpu.memref_slice %arg10[%dma_wait3A_154, %dma_wait3A_155] : memref<10240x128xf32, #tpu.memory_space<vmem_shared>> -> memref<10240x128xf32, #tpu.memory_space<vmem_shared>>
        tpu.wait_indirect_dma semaphore(%run_scoped3A_144 : memref<!tpu.dma_semaphore, #tpu.memory_space<semaphore_mem>>) src(%arg9 : memref<80x128xf32, #tpu.memory_space<vmem>>) dst(%dma_wait3A_156 : memref<10240x128xf32, #tpu.memory_space<vmem_shared>>)
        tpu.yield
      }) : () -> ()
      %dma_start3A_99 = arith.constant 2 : i32
      %dma_start3A_100 = arith.constant 0 : i32
      %dma_start3A_101 = tpu.memref_slice %arg7[%dma_start3A_99, %dma_start3A_100] : memref<5x80xi32, #tpu.memory_space<vmem>> -> memref<1x80xi32, #tpu.memory_space<vmem>>
      %dma_start3A_102 = tpu.memref_squeeze %dma_start3A_101 : memref<1x80xi32, #tpu.memory_space<vmem>> -> memref<80xi32, #tpu.memory_space<vmem>>
      %dma_start3A_103 = arith.constant 0 : i32
      %dma_start3A_104 = arith.constant 0 : i32
      %dma_start3A_105 = tpu.memref_slice %arg2[%dma_start3A_103, %dma_start3A_104] : memref<10240x128xf32, #tpu.memory_space<hbm>> -> memref<10240x128xf32, #tpu.memory_space<hbm>>
      tpu.enqueue_indirect_dma source(%dma_start3A_105 : memref<10240x128xf32, #tpu.memory_space<hbm>>) target(%arg9 : memref<80x128xf32, #tpu.memory_space<vmem>>) offsets(%dma_start3A_102 : memref<80xi32, #tpu.memory_space<vmem>>) semaphore(%arg11 : memref<!tpu.dma_semaphore, #tpu.memory_space<semaphore_mem>>)
      %dma_wait3A_106 = arith.constant 2 : i32
      %dma_wait3A_107 = arith.constant 0 : i32
      %dma_wait3A_108 = tpu.memref_slice %arg7[%dma_wait3A_106, %dma_wait3A_107] : memref<5x80xi32, #tpu.memory_space<vmem>> -> memref<1x80xi32, #tpu.memory_space<vmem>>
      %dma_wait3A_109 = tpu.memref_squeeze %dma_wait3A_108 : memref<1x80xi32, #tpu.memory_space<vmem>> -> memref<80xi32, #tpu.memory_space<vmem>>
      %dma_wait3A_110 = arith.constant 0 : i32
      %dma_wait3A_111 = arith.constant 0 : i32
      %dma_wait3A_112 = tpu.memref_slice %arg2[%dma_wait3A_110, %dma_wait3A_111] : memref<10240x128xf32, #tpu.memory_space<hbm>> -> memref<10240x128xf32, #tpu.memory_space<hbm>>
      tpu.wait_indirect_dma semaphore(%arg11 : memref<!tpu.dma_semaphore, #tpu.memory_space<semaphore_mem>>) src(%dma_wait3A_112 : memref<10240x128xf32, #tpu.memory_space<hbm>>) dst(%arg9 : memref<80x128xf32, #tpu.memory_space<vmem>>)
      %run_scoped3A_113 = arith.constant 2 : i32
      "tpu.region"() ({
        %run_scoped3A_144 = tpu.sem_alloc : memref<!tpu.dma_semaphore, #tpu.memory_space<semaphore_mem>>
        %dma_start3A_145 = arith.constant 0 : i32
        %dma_start3A_146 = tpu.memref_slice %arg8[%run_scoped3A_113, %dma_start3A_145] : memref<5x80xi32, #tpu.memory_space<vmem>> -> memref<1x80xi32, #tpu.memory_space<vmem>>
        %dma_start3A_147 = tpu.memref_squeeze %dma_start3A_146 : memref<1x80xi32, #tpu.memory_space<vmem>> -> memref<80xi32, #tpu.memory_space<vmem>>
        %dma_start3A_148 = arith.constant 0 : i32
        %dma_start3A_149 = arith.constant 0 : i32
        %dma_start3A_150 = tpu.memref_slice %arg10[%dma_start3A_148, %dma_start3A_149] : memref<10240x128xf32, #tpu.memory_space<vmem_shared>> -> memref<10240x128xf32, #tpu.memory_space<vmem_shared>>
        tpu.enqueue_indirect_dma source(%arg9 : memref<80x128xf32, #tpu.memory_space<vmem>>) target(%dma_start3A_150 : memref<10240x128xf32, #tpu.memory_space<vmem_shared>>) offsets(%dma_start3A_147 : memref<80xi32, #tpu.memory_space<vmem>>) semaphore(%run_scoped3A_144 : memref<!tpu.dma_semaphore, #tpu.memory_space<semaphore_mem>>) {add = true}
        %dma_wait3A_151 = arith.constant 0 : i32
        %dma_wait3A_152 = tpu.memref_slice %arg8[%run_scoped3A_113, %dma_wait3A_151] : memref<5x80xi32, #tpu.memory_space<vmem>> -> memref<1x80xi32, #tpu.memory_space<vmem>>
        %dma_wait3A_153 = tpu.memref_squeeze %dma_wait3A_152 : memref<1x80xi32, #tpu.memory_space<vmem>> -> memref<80xi32, #tpu.memory_space<vmem>>
        %dma_wait3A_154 = arith.constant 0 : i32
        %dma_wait3A_155 = arith.constant 0 : i32
        %dma_wait3A_156 = tpu.memref_slice %arg10[%dma_wait3A_154, %dma_wait3A_155] : memref<10240x128xf32, #tpu.memory_space<vmem_shared>> -> memref<10240x128xf32, #tpu.memory_space<vmem_shared>>
        tpu.wait_indirect_dma semaphore(%run_scoped3A_144 : memref<!tpu.dma_semaphore, #tpu.memory_space<semaphore_mem>>) src(%arg9 : memref<80x128xf32, #tpu.memory_space<vmem>>) dst(%dma_wait3A_156 : memref<10240x128xf32, #tpu.memory_space<vmem_shared>>)
        tpu.yield
      }) : () -> ()
      %dma_start3A_114 = arith.constant 3 : i32
      %dma_start3A_115 = arith.constant 0 : i32
      %dma_start3A_116 = tpu.memref_slice %arg7[%dma_start3A_114, %dma_start3A_115] : memref<5x80xi32, #tpu.memory_space<vmem>> -> memref<1x80xi32, #tpu.memory_space<vmem>>
      %dma_start3A_117 = tpu.memref_squeeze %dma_start3A_116 : memref<1x80xi32, #tpu.memory_space<vmem>> -> memref<80xi32, #tpu.memory_space<vmem>>
      %dma_start3A_118 = arith.constant 0 : i32
      %dma_start3A_119 = arith.constant 0 : i32
      %dma_start3A_120 = tpu.memref_slice %arg2[%dma_start3A_118, %dma_start3A_119] : memref<10240x128xf32, #tpu.memory_space<hbm>> -> memref<10240x128xf32, #tpu.memory_space<hbm>>
      tpu.enqueue_indirect_dma source(%dma_start3A_120 : memref<10240x128xf32, #tpu.memory_space<hbm>>) target(%arg9 : memref<80x128xf32, #tpu.memory_space<vmem>>) offsets(%dma_start3A_117 : memref<80xi32, #tpu.memory_space<vmem>>) semaphore(%arg11 : memref<!tpu.dma_semaphore, #tpu.memory_space<semaphore_mem>>)
      %dma_wait3A_121 = arith.constant 3 : i32
      %dma_wait3A_122 = arith.constant 0 : i32
      %dma_wait3A_123 = tpu.memref_slice %arg7[%dma_wait3A_121, %dma_wait3A_122] : memref<5x80xi32, #tpu.memory_space<vmem>> -> memref<1x80xi32, #tpu.memory_space<vmem>>
      %dma_wait3A_124 = tpu.memref_squeeze %dma_wait3A_123 : memref<1x80xi32, #tpu.memory_space<vmem>> -> memref<80xi32, #tpu.memory_space<vmem>>
      %dma_wait3A_125 = arith.constant 0 : i32
      %dma_wait3A_126 = arith.constant 0 : i32
      %dma_wait3A_127 = tpu.memref_slice %arg2[%dma_wait3A_125, %dma_wait3A_126] : memref<10240x128xf32, #tpu.memory_space<hbm>> -> memref<10240x128xf32, #tpu.memory_space<hbm>>
      tpu.wait_indirect_dma semaphore(%arg11 : memref<!tpu.dma_semaphore, #tpu.memory_space<semaphore_mem>>) src(%dma_wait3A_127 : memref<10240x128xf32, #tpu.memory_space<hbm>>) dst(%arg9 : memref<80x128xf32, #tpu.memory_space<vmem>>)
      %run_scoped3A_128 = arith.constant 3 : i32
      "tpu.region"() ({
        %run_scoped3A_144 = tpu.sem_alloc : memref<!tpu.dma_semaphore, #tpu.memory_space<semaphore_mem>>
        %dma_start3A_145 = arith.constant 0 : i32
        %dma_start3A_146 = tpu.memref_slice %arg8[%run_scoped3A_128, %dma_start3A_145] : memref<5x80xi32, #tpu.memory_space<vmem>> -> memref<1x80xi32, #tpu.memory_space<vmem>>
        %dma_start3A_147 = tpu.memref_squeeze %dma_start3A_146 : memref<1x80xi32, #tpu.memory_space<vmem>> -> memref<80xi32, #tpu.memory_space<vmem>>
        %dma_start3A_148 = arith.constant 0 : i32
        %dma_start3A_149 = arith.constant 0 : i32
        %dma_start3A_150 = tpu.memref_slice %arg10[%dma_start3A_148, %dma_start3A_149] : memref<10240x128xf32, #tpu.memory_space<vmem_shared>> -> memref<10240x128xf32, #tpu.memory_space<vmem_shared>>
        tpu.enqueue_indirect_dma source(%arg9 : memref<80x128xf32, #tpu.memory_space<vmem>>) target(%dma_start3A_150 : memref<10240x128xf32, #tpu.memory_space<vmem_shared>>) offsets(%dma_start3A_147 : memref<80xi32, #tpu.memory_space<vmem>>) semaphore(%run_scoped3A_144 : memref<!tpu.dma_semaphore, #tpu.memory_space<semaphore_mem>>) {add = true}
        %dma_wait3A_151 = arith.constant 0 : i32
        %dma_wait3A_152 = tpu.memref_slice %arg8[%run_scoped3A_128, %dma_wait3A_151] : memref<5x80xi32, #tpu.memory_space<vmem>> -> memref<1x80xi32, #tpu.memory_space<vmem>>
        %dma_wait3A_153 = tpu.memref_squeeze %dma_wait3A_152 : memref<1x80xi32, #tpu.memory_space<vmem>> -> memref<80xi32, #tpu.memory_space<vmem>>
        %dma_wait3A_154 = arith.constant 0 : i32
        %dma_wait3A_155 = arith.constant 0 : i32
        %dma_wait3A_156 = tpu.memref_slice %arg10[%dma_wait3A_154, %dma_wait3A_155] : memref<10240x128xf32, #tpu.memory_space<vmem_shared>> -> memref<10240x128xf32, #tpu.memory_space<vmem_shared>>
        tpu.wait_indirect_dma semaphore(%run_scoped3A_144 : memref<!tpu.dma_semaphore, #tpu.memory_space<semaphore_mem>>) src(%arg9 : memref<80x128xf32, #tpu.memory_space<vmem>>) dst(%dma_wait3A_156 : memref<10240x128xf32, #tpu.memory_space<vmem_shared>>)
        tpu.yield
      }) : () -> ()
      %dma_start3A_129 = arith.constant 4 : i32
      %dma_start3A_130 = arith.constant 0 : i32
      %dma_start3A_131 = tpu.memref_slice %arg7[%dma_start3A_129, %dma_start3A_130] : memref<5x80xi32, #tpu.memory_space<vmem>> -> memref<1x80xi32, #tpu.memory_space<vmem>>
      %dma_start3A_132 = tpu.memref_squeeze %dma_start3A_131 : memref<1x80xi32, #tpu.memory_space<vmem>> -> memref<80xi32, #tpu.memory_space<vmem>>
      %dma_start3A_133 = arith.constant 0 : i32
      %dma_start3A_134 = arith.constant 0 : i32
      %dma_start3A_135 = tpu.memref_slice %arg2[%dma_start3A_133, %dma_start3A_134] : memref<10240x128xf32, #tpu.memory_space<hbm>> -> memref<10240x128xf32, #tpu.memory_space<hbm>>
      tpu.enqueue_indirect_dma source(%dma_start3A_135 : memref<10240x128xf32, #tpu.memory_space<hbm>>) target(%arg9 : memref<80x128xf32, #tpu.memory_space<vmem>>) offsets(%dma_start3A_132 : memref<80xi32, #tpu.memory_space<vmem>>) semaphore(%arg11 : memref<!tpu.dma_semaphore, #tpu.memory_space<semaphore_mem>>)
      %dma_wait3A_136 = arith.constant 4 : i32
      %dma_wait3A_137 = arith.constant 0 : i32
      %dma_wait3A_138 = tpu.memref_slice %arg7[%dma_wait3A_136, %dma_wait3A_137] : memref<5x80xi32, #tpu.memory_space<vmem>> -> memref<1x80xi32, #tpu.memory_space<vmem>>
      %dma_wait3A_139 = tpu.memref_squeeze %dma_wait3A_138 : memref<1x80xi32, #tpu.memory_space<vmem>> -> memref<80xi32, #tpu.memory_space<vmem>>
      %dma_wait3A_140 = arith.constant 0 : i32
      %dma_wait3A_141 = arith.constant 0 : i32
      %dma_wait3A_142 = tpu.memref_slice %arg2[%dma_wait3A_140, %dma_wait3A_141] : memref<10240x128xf32, #tpu.memory_space<hbm>> -> memref<10240x128xf32, #tpu.memory_space<hbm>>
      tpu.wait_indirect_dma semaphore(%arg11 : memref<!tpu.dma_semaphore, #tpu.memory_space<semaphore_mem>>) src(%dma_wait3A_142 : memref<10240x128xf32, #tpu.memory_space<hbm>>) dst(%arg9 : memref<80x128xf32, #tpu.memory_space<vmem>>)
      %run_scoped3A_143 = arith.constant 4 : i32
      "tpu.region"() ({
        %run_scoped3A_144 = tpu.sem_alloc : memref<!tpu.dma_semaphore, #tpu.memory_space<semaphore_mem>>
        %dma_start3A_145 = arith.constant 0 : i32
        %dma_start3A_146 = tpu.memref_slice %arg8[%run_scoped3A_143, %dma_start3A_145] : memref<5x80xi32, #tpu.memory_space<vmem>> -> memref<1x80xi32, #tpu.memory_space<vmem>>
        %dma_start3A_147 = tpu.memref_squeeze %dma_start3A_146 : memref<1x80xi32, #tpu.memory_space<vmem>> -> memref<80xi32, #tpu.memory_space<vmem>>
        %dma_start3A_148 = arith.constant 0 : i32
        %dma_start3A_149 = arith.constant 0 : i32
        %dma_start3A_150 = tpu.memref_slice %arg10[%dma_start3A_148, %dma_start3A_149] : memref<10240x128xf32, #tpu.memory_space<vmem_shared>> -> memref<10240x128xf32, #tpu.memory_space<vmem_shared>>
        tpu.enqueue_indirect_dma source(%arg9 : memref<80x128xf32, #tpu.memory_space<vmem>>) target(%dma_start3A_150 : memref<10240x128xf32, #tpu.memory_space<vmem_shared>>) offsets(%dma_start3A_147 : memref<80xi32, #tpu.memory_space<vmem>>) semaphore(%run_scoped3A_144 : memref<!tpu.dma_semaphore, #tpu.memory_space<semaphore_mem>>) {add = true}
        %dma_wait3A_151 = arith.constant 0 : i32
        %dma_wait3A_152 = tpu.memref_slice %arg8[%run_scoped3A_143, %dma_wait3A_151] : memref<5x80xi32, #tpu.memory_space<vmem>> -> memref<1x80xi32, #tpu.memory_space<vmem>>
        %dma_wait3A_153 = tpu.memref_squeeze %dma_wait3A_152 : memref<1x80xi32, #tpu.memory_space<vmem>> -> memref<80xi32, #tpu.memory_space<vmem>>
        %dma_wait3A_154 = arith.constant 0 : i32
        %dma_wait3A_155 = arith.constant 0 : i32
        %dma_wait3A_156 = tpu.memref_slice %arg10[%dma_wait3A_154, %dma_wait3A_155] : memref<10240x128xf32, #tpu.memory_space<vmem_shared>> -> memref<10240x128xf32, #tpu.memory_space<vmem_shared>>
        tpu.wait_indirect_dma semaphore(%run_scoped3A_144 : memref<!tpu.dma_semaphore, #tpu.memory_space<semaphore_mem>>) src(%arg9 : memref<80x128xf32, #tpu.memory_space<vmem>>) dst(%dma_wait3A_156 : memref<10240x128xf32, #tpu.memory_space<vmem_shared>>)
        tpu.yield
      }) : () -> ()
    }
    %scan3A_37 = arith.constant 25 : i32
    %barrier3A_38 = arith.constant 0 : index
    tpu.barrier barrier_id(%barrier3A_38)
    %mul3A_39 = arith.constant 640 : i32
    %mul3A_40 = arith.muli %arg1, %mul3A_39 : i32
    %add3A_41 = arith.constant 0 : i32
    %add3A_42 = arith.addi %mul3A_40, %add3A_41 : i32
    "tpu.region"() ({
      %run_scoped3A = tpu.sem_alloc : memref<!tpu.dma_semaphore, #tpu.memory_space<semaphore_mem>>
      %dma_start3A = arith.constant 0 : i32
      %dma_start3A_71 = tpu.memref_slice %arg10[%add3A_42, %dma_start3A] : memref<10240x128xf32, #tpu.memory_space<vmem_shared>> -> memref<80x128xf32, #tpu.memory_space<vmem_shared>>
      %dma_start3A_72 = arith.constant 0 : i32
      %dma_start3A_73 = tpu.memref_slice %arg10[%add3A_42, %dma_start3A_72] : memref<10240x128xf32, #tpu.memory_space<vmem_shared>> -> memref<80x128xf32, #tpu.memory_space<vmem_shared>>
      tpu.enqueue_dma source(%dma_start3A_73 : memref<80x128xf32, #tpu.memory_space<vmem_shared>>) target(%arg9 : memref<80x128xf32, #tpu.memory_space<vmem>>) target_semaphore(%run_scoped3A : memref<!tpu.dma_semaphore, #tpu.memory_space<semaphore_mem>>)
      %dma_wait3A = arith.constant 0 : i32
      %dma_wait3A_74 = tpu.memref_slice %arg10[%add3A_42, %dma_wait3A] : memref<10240x128xf32, #tpu.memory_space<vmem_shared>> -> memref<80x128xf32, #tpu.memory_space<vmem_shared>>
      %dma_wait3A_75 = arith.constant 0 : i32
      %dma_wait3A_76 = tpu.memref_slice %arg10[%add3A_42, %dma_wait3A_75] : memref<10240x128xf32, #tpu.memory_space<vmem_shared>> -> memref<80x128xf32, #tpu.memory_space<vmem_shared>>
      tpu.wait_dma2 semaphore(%run_scoped3A : memref<!tpu.dma_semaphore, #tpu.memory_space<semaphore_mem>>) src(%dma_wait3A_76 : memref<80x128xf32, #tpu.memory_space<vmem_shared>>) dst(%arg9 : memref<80x128xf32, #tpu.memory_space<vmem>>)
      tpu.yield
    }) : () -> ()
    "tpu.region"() ({
      %run_scoped3A = tpu.sem_alloc : memref<!tpu.dma_semaphore, #tpu.memory_space<semaphore_mem>>
      %dma_start3A = arith.constant 0 : i32
      %dma_start3A_71 = tpu.memref_slice %arg6[%arg0, %add3A_42, %dma_start3A] : memref<2x10240x128xf32, #tpu.memory_space<hbm>> -> memref<1x80x128xf32, #tpu.memory_space<hbm>>
      %dma_start3A_72 = tpu.memref_squeeze %dma_start3A_71 : memref<1x80x128xf32, #tpu.memory_space<hbm>> -> memref<80x128xf32, #tpu.memory_space<hbm>>
      %dma_start3A_73 = arith.constant 0 : i32
      %dma_start3A_74 = tpu.memref_slice %arg6[%arg0, %add3A_42, %dma_start3A_73] : memref<2x10240x128xf32, #tpu.memory_space<hbm>> -> memref<1x80x128xf32, #tpu.memory_space<hbm>>
      %dma_start3A_75 = tpu.memref_squeeze %dma_start3A_74 : memref<1x80x128xf32, #tpu.memory_space<hbm>> -> memref<80x128xf32, #tpu.memory_space<hbm>>
      tpu.enqueue_dma source(%arg9 : memref<80x128xf32, #tpu.memory_space<vmem>>) target(%dma_start3A_75 : memref<80x128xf32, #tpu.memory_space<hbm>>) target_semaphore(%run_scoped3A : memref<!tpu.dma_semaphore, #tpu.memory_space<semaphore_mem>>)
      %dma_wait3A = arith.constant 0 : i32
      %dma_wait3A_76 = tpu.memref_slice %arg6[%arg0, %add3A_42, %dma_wait3A] : memref<2x10240x128xf32, #tpu.memory_space<hbm>> -> memref<1x80x128xf32, #tpu.memory_space<hbm>>
      %dma_wait3A_77 = tpu.memref_squeeze %dma_wait3A_76 : memref<1x80x128xf32, #tpu.memory_space<hbm>> -> memref<80x128xf32, #tpu.memory_space<hbm>>
      %dma_wait3A_78 = arith.constant 0 : i32
      %dma_wait3A_79 = tpu.memref_slice %arg6[%arg0, %add3A_42, %dma_wait3A_78] : memref<2x10240x128xf32, #tpu.memory_space<hbm>> -> memref<1x80x128xf32, #tpu.memory_space<hbm>>
      %dma_wait3A_80 = tpu.memref_squeeze %dma_wait3A_79 : memref<1x80x128xf32, #tpu.memory_space<hbm>> -> memref<80x128xf32, #tpu.memory_space<hbm>>
      tpu.wait_dma2 semaphore(%run_scoped3A : memref<!tpu.dma_semaphore, #tpu.memory_space<semaphore_mem>>) src(%arg9 : memref<80x128xf32, #tpu.memory_space<vmem>>) dst(%dma_wait3A_80 : memref<80x128xf32, #tpu.memory_space<hbm>>)
      tpu.yield
    }) : () -> ()
    %mul3A_43 = arith.constant 640 : i32
    %mul3A_44 = arith.muli %arg1, %mul3A_43 : i32
    %add3A_45 = arith.constant 80 : i32
    %add3A_46 = arith.addi %mul3A_44, %add3A_45 : i32
    "tpu.region"() ({
      %run_scoped3A = tpu.sem_alloc : memref<!tpu.dma_semaphore, #tpu.memory_space<semaphore_mem>>
      %dma_start3A = arith.constant 0 : i32
      %dma_start3A_71 = tpu.memref_slice %arg10[%add3A_46, %dma_start3A] : memref<10240x128xf32, #tpu.memory_space<vmem_shared>> -> memref<80x128xf32, #tpu.memory_space<vmem_shared>>
      %dma_start3A_72 = arith.constant 0 : i32
      %dma_start3A_73 = tpu.memref_slice %arg10[%add3A_46, %dma_start3A_72] : memref<10240x128xf32, #tpu.memory_space<vmem_shared>> -> memref<80x128xf32, #tpu.memory_space<vmem_shared>>
      tpu.enqueue_dma source(%dma_start3A_73 : memref<80x128xf32, #tpu.memory_space<vmem_shared>>) target(%arg9 : memref<80x128xf32, #tpu.memory_space<vmem>>) target_semaphore(%run_scoped3A : memref<!tpu.dma_semaphore, #tpu.memory_space<semaphore_mem>>)
      %dma_wait3A = arith.constant 0 : i32
      %dma_wait3A_74 = tpu.memref_slice %arg10[%add3A_46, %dma_wait3A] : memref<10240x128xf32, #tpu.memory_space<vmem_shared>> -> memref<80x128xf32, #tpu.memory_space<vmem_shared>>
      %dma_wait3A_75 = arith.constant 0 : i32
      %dma_wait3A_76 = tpu.memref_slice %arg10[%add3A_46, %dma_wait3A_75] : memref<10240x128xf32, #tpu.memory_space<vmem_shared>> -> memref<80x128xf32, #tpu.memory_space<vmem_shared>>
      tpu.wait_dma2 semaphore(%run_scoped3A : memref<!tpu.dma_semaphore, #tpu.memory_space<semaphore_mem>>) src(%dma_wait3A_76 : memref<80x128xf32, #tpu.memory_space<vmem_shared>>) dst(%arg9 : memref<80x128xf32, #tpu.memory_space<vmem>>)
      tpu.yield
    }) : () -> ()
    "tpu.region"() ({
      %run_scoped3A = tpu.sem_alloc : memref<!tpu.dma_semaphore, #tpu.memory_space<semaphore_mem>>
      %dma_start3A = arith.constant 0 : i32
      %dma_start3A_71 = tpu.memref_slice %arg6[%arg0, %add3A_46, %dma_start3A] : memref<2x10240x128xf32, #tpu.memory_space<hbm>> -> memref<1x80x128xf32, #tpu.memory_space<hbm>>
      %dma_start3A_72 = tpu.memref_squeeze %dma_start3A_71 : memref<1x80x128xf32, #tpu.memory_space<hbm>> -> memref<80x128xf32, #tpu.memory_space<hbm>>
      %dma_start3A_73 = arith.constant 0 : i32
      %dma_start3A_74 = tpu.memref_slice %arg6[%arg0, %add3A_46, %dma_start3A_73] : memref<2x10240x128xf32, #tpu.memory_space<hbm>> -> memref<1x80x128xf32, #tpu.memory_space<hbm>>
      %dma_start3A_75 = tpu.memref_squeeze %dma_start3A_74 : memref<1x80x128xf32, #tpu.memory_space<hbm>> -> memref<80x128xf32, #tpu.memory_space<hbm>>
      tpu.enqueue_dma source(%arg9 : memref<80x128xf32, #tpu.memory_space<vmem>>) target(%dma_start3A_75 : memref<80x128xf32, #tpu.memory_space<hbm>>) target_semaphore(%run_scoped3A : memref<!tpu.dma_semaphore, #tpu.memory_space<semaphore_mem>>)
      %dma_wait3A = arith.constant 0 : i32
      %dma_wait3A_76 = tpu.memref_slice %arg6[%arg0, %add3A_46, %dma_wait3A] : memref<2x10240x128xf32, #tpu.memory_space<hbm>> -> memref<1x80x128xf32, #tpu.memory_space<hbm>>
      %dma_wait3A_77 = tpu.memref_squeeze %dma_wait3A_76 : memref<1x80x128xf32, #tpu.memory_space<hbm>> -> memref<80x128xf32, #tpu.memory_space<hbm>>
      %dma_wait3A_78 = arith.constant 0 : i32
      %dma_wait3A_79 = tpu.memref_slice %arg6[%arg0, %add3A_46, %dma_wait3A_78] : memref<2x10240x128xf32, #tpu.memory_space<hbm>> -> memref<1x80x128xf32, #tpu.memory_space<hbm>>
      %dma_wait3A_80 = tpu.memref_squeeze %dma_wait3A_79 : memref<1x80x128xf32, #tpu.memory_space<hbm>> -> memref<80x128xf32, #tpu.memory_space<hbm>>
      tpu.wait_dma2 semaphore(%run_scoped3A : memref<!tpu.dma_semaphore, #tpu.memory_space<semaphore_mem>>) src(%arg9 : memref<80x128xf32, #tpu.memory_space<vmem>>) dst(%dma_wait3A_80 : memref<80x128xf32, #tpu.memory_space<hbm>>)
      tpu.yield
    }) : () -> ()
    %mul3A_47 = arith.constant 640 : i32
    %mul3A_48 = arith.muli %arg1, %mul3A_47 : i32
    %add3A_49 = arith.constant 160 : i32
    %add3A_50 = arith.addi %mul3A_48, %add3A_49 : i32
    "tpu.region"() ({
      %run_scoped3A = tpu.sem_alloc : memref<!tpu.dma_semaphore, #tpu.memory_space<semaphore_mem>>
      %dma_start3A = arith.constant 0 : i32
      %dma_start3A_71 = tpu.memref_slice %arg10[%add3A_50, %dma_start3A] : memref<10240x128xf32, #tpu.memory_space<vmem_shared>> -> memref<80x128xf32, #tpu.memory_space<vmem_shared>>
      %dma_start3A_72 = arith.constant 0 : i32
      %dma_start3A_73 = tpu.memref_slice %arg10[%add3A_50, %dma_start3A_72] : memref<10240x128xf32, #tpu.memory_space<vmem_shared>> -> memref<80x128xf32, #tpu.memory_space<vmem_shared>>
      tpu.enqueue_dma source(%dma_start3A_73 : memref<80x128xf32, #tpu.memory_space<vmem_shared>>) target(%arg9 : memref<80x128xf32, #tpu.memory_space<vmem>>) target_semaphore(%run_scoped3A : memref<!tpu.dma_semaphore, #tpu.memory_space<semaphore_mem>>)
      %dma_wait3A = arith.constant 0 : i32
      %dma_wait3A_74 = tpu.memref_slice %arg10[%add3A_50, %dma_wait3A] : memref<10240x128xf32, #tpu.memory_space<vmem_shared>> -> memref<80x128xf32, #tpu.memory_space<vmem_shared>>
      %dma_wait3A_75 = arith.constant 0 : i32
      %dma_wait3A_76 = tpu.memref_slice %arg10[%add3A_50, %dma_wait3A_75] : memref<10240x128xf32, #tpu.memory_space<vmem_shared>> -> memref<80x128xf32, #tpu.memory_space<vmem_shared>>
      tpu.wait_dma2 semaphore(%run_scoped3A : memref<!tpu.dma_semaphore, #tpu.memory_space<semaphore_mem>>) src(%dma_wait3A_76 : memref<80x128xf32, #tpu.memory_space<vmem_shared>>) dst(%arg9 : memref<80x128xf32, #tpu.memory_space<vmem>>)
      tpu.yield
    }) : () -> ()
    "tpu.region"() ({
      %run_scoped3A = tpu.sem_alloc : memref<!tpu.dma_semaphore, #tpu.memory_space<semaphore_mem>>
      %dma_start3A = arith.constant 0 : i32
      %dma_start3A_71 = tpu.memref_slice %arg6[%arg0, %add3A_50, %dma_start3A] : memref<2x10240x128xf32, #tpu.memory_space<hbm>> -> memref<1x80x128xf32, #tpu.memory_space<hbm>>
      %dma_start3A_72 = tpu.memref_squeeze %dma_start3A_71 : memref<1x80x128xf32, #tpu.memory_space<hbm>> -> memref<80x128xf32, #tpu.memory_space<hbm>>
      %dma_start3A_73 = arith.constant 0 : i32
      %dma_start3A_74 = tpu.memref_slice %arg6[%arg0, %add3A_50, %dma_start3A_73] : memref<2x10240x128xf32, #tpu.memory_space<hbm>> -> memref<1x80x128xf32, #tpu.memory_space<hbm>>
      %dma_start3A_75 = tpu.memref_squeeze %dma_start3A_74 : memref<1x80x128xf32, #tpu.memory_space<hbm>> -> memref<80x128xf32, #tpu.memory_space<hbm>>
      tpu.enqueue_dma source(%arg9 : memref<80x128xf32, #tpu.memory_space<vmem>>) target(%dma_start3A_75 : memref<80x128xf32, #tpu.memory_space<hbm>>) target_semaphore(%run_scoped3A : memref<!tpu.dma_semaphore, #tpu.memory_space<semaphore_mem>>)
      %dma_wait3A = arith.constant 0 : i32
      %dma_wait3A_76 = tpu.memref_slice %arg6[%arg0, %add3A_50, %dma_wait3A] : memref<2x10240x128xf32, #tpu.memory_space<hbm>> -> memref<1x80x128xf32, #tpu.memory_space<hbm>>
      %dma_wait3A_77 = tpu.memref_squeeze %dma_wait3A_76 : memref<1x80x128xf32, #tpu.memory_space<hbm>> -> memref<80x128xf32, #tpu.memory_space<hbm>>
      %dma_wait3A_78 = arith.constant 0 : i32
      %dma_wait3A_79 = tpu.memref_slice %arg6[%arg0, %add3A_50, %dma_wait3A_78] : memref<2x10240x128xf32, #tpu.memory_space<hbm>> -> memref<1x80x128xf32, #tpu.memory_space<hbm>>
      %dma_wait3A_80 = tpu.memref_squeeze %dma_wait3A_79 : memref<1x80x128xf32, #tpu.memory_space<hbm>> -> memref<80x128xf32, #tpu.memory_space<hbm>>
      tpu.wait_dma2 semaphore(%run_scoped3A : memref<!tpu.dma_semaphore, #tpu.memory_space<semaphore_mem>>) src(%arg9 : memref<80x128xf32, #tpu.memory_space<vmem>>) dst(%dma_wait3A_80 : memref<80x128xf32, #tpu.memory_space<hbm>>)
      tpu.yield
    }) : () -> ()
    %mul3A_51 = arith.constant 640 : i32
    %mul3A_52 = arith.muli %arg1, %mul3A_51 : i32
    %add3A_53 = arith.constant 240 : i32
    %add3A_54 = arith.addi %mul3A_52, %add3A_53 : i32
    "tpu.region"() ({
      %run_scoped3A = tpu.sem_alloc : memref<!tpu.dma_semaphore, #tpu.memory_space<semaphore_mem>>
      %dma_start3A = arith.constant 0 : i32
      %dma_start3A_71 = tpu.memref_slice %arg10[%add3A_54, %dma_start3A] : memref<10240x128xf32, #tpu.memory_space<vmem_shared>> -> memref<80x128xf32, #tpu.memory_space<vmem_shared>>
      %dma_start3A_72 = arith.constant 0 : i32
      %dma_start3A_73 = tpu.memref_slice %arg10[%add3A_54, %dma_start3A_72] : memref<10240x128xf32, #tpu.memory_space<vmem_shared>> -> memref<80x128xf32, #tpu.memory_space<vmem_shared>>
      tpu.enqueue_dma source(%dma_start3A_73 : memref<80x128xf32, #tpu.memory_space<vmem_shared>>) target(%arg9 : memref<80x128xf32, #tpu.memory_space<vmem>>) target_semaphore(%run_scoped3A : memref<!tpu.dma_semaphore, #tpu.memory_space<semaphore_mem>>)
      %dma_wait3A = arith.constant 0 : i32
      %dma_wait3A_74 = tpu.memref_slice %arg10[%add3A_54, %dma_wait3A] : memref<10240x128xf32, #tpu.memory_space<vmem_shared>> -> memref<80x128xf32, #tpu.memory_space<vmem_shared>>
      %dma_wait3A_75 = arith.constant 0 : i32
      %dma_wait3A_76 = tpu.memref_slice %arg10[%add3A_54, %dma_wait3A_75] : memref<10240x128xf32, #tpu.memory_space<vmem_shared>> -> memref<80x128xf32, #tpu.memory_space<vmem_shared>>
      tpu.wait_dma2 semaphore(%run_scoped3A : memref<!tpu.dma_semaphore, #tpu.memory_space<semaphore_mem>>) src(%dma_wait3A_76 : memref<80x128xf32, #tpu.memory_space<vmem_shared>>) dst(%arg9 : memref<80x128xf32, #tpu.memory_space<vmem>>)
      tpu.yield
    }) : () -> ()
    "tpu.region"() ({
      %run_scoped3A = tpu.sem_alloc : memref<!tpu.dma_semaphore, #tpu.memory_space<semaphore_mem>>
      %dma_start3A = arith.constant 0 : i32
      %dma_start3A_71 = tpu.memref_slice %arg6[%arg0, %add3A_54, %dma_start3A] : memref<2x10240x128xf32, #tpu.memory_space<hbm>> -> memref<1x80x128xf32, #tpu.memory_space<hbm>>
      %dma_start3A_72 = tpu.memref_squeeze %dma_start3A_71 : memref<1x80x128xf32, #tpu.memory_space<hbm>> -> memref<80x128xf32, #tpu.memory_space<hbm>>
      %dma_start3A_73 = arith.constant 0 : i32
      %dma_start3A_74 = tpu.memref_slice %arg6[%arg0, %add3A_54, %dma_start3A_73] : memref<2x10240x128xf32, #tpu.memory_space<hbm>> -> memref<1x80x128xf32, #tpu.memory_space<hbm>>
      %dma_start3A_75 = tpu.memref_squeeze %dma_start3A_74 : memref<1x80x128xf32, #tpu.memory_space<hbm>> -> memref<80x128xf32, #tpu.memory_space<hbm>>
      tpu.enqueue_dma source(%arg9 : memref<80x128xf32, #tpu.memory_space<vmem>>) target(%dma_start3A_75 : memref<80x128xf32, #tpu.memory_space<hbm>>) target_semaphore(%run_scoped3A : memref<!tpu.dma_semaphore, #tpu.memory_space<semaphore_mem>>)
      %dma_wait3A = arith.constant 0 : i32
      %dma_wait3A_76 = tpu.memref_slice %arg6[%arg0, %add3A_54, %dma_wait3A] : memref<2x10240x128xf32, #tpu.memory_space<hbm>> -> memref<1x80x128xf32, #tpu.memory_space<hbm>>
      %dma_wait3A_77 = tpu.memref_squeeze %dma_wait3A_76 : memref<1x80x128xf32, #tpu.memory_space<hbm>> -> memref<80x128xf32, #tpu.memory_space<hbm>>
      %dma_wait3A_78 = arith.constant 0 : i32
      %dma_wait3A_79 = tpu.memref_slice %arg6[%arg0, %add3A_54, %dma_wait3A_78] : memref<2x10240x128xf32, #tpu.memory_space<hbm>> -> memref<1x80x128xf32, #tpu.memory_space<hbm>>
      %dma_wait3A_80 = tpu.memref_squeeze %dma_wait3A_79 : memref<1x80x128xf32, #tpu.memory_space<hbm>> -> memref<80x128xf32, #tpu.memory_space<hbm>>
      tpu.wait_dma2 semaphore(%run_scoped3A : memref<!tpu.dma_semaphore, #tpu.memory_space<semaphore_mem>>) src(%arg9 : memref<80x128xf32, #tpu.memory_space<vmem>>) dst(%dma_wait3A_80 : memref<80x128xf32, #tpu.memory_space<hbm>>)
      tpu.yield
    }) : () -> ()
    %mul3A_55 = arith.constant 640 : i32
    %mul3A_56 = arith.muli %arg1, %mul3A_55 : i32
    %add3A_57 = arith.constant 320 : i32
    %add3A_58 = arith.addi %mul3A_56, %add3A_57 : i32
    "tpu.region"() ({
      %run_scoped3A = tpu.sem_alloc : memref<!tpu.dma_semaphore, #tpu.memory_space<semaphore_mem>>
      %dma_start3A = arith.constant 0 : i32
      %dma_start3A_71 = tpu.memref_slice %arg10[%add3A_58, %dma_start3A] : memref<10240x128xf32, #tpu.memory_space<vmem_shared>> -> memref<80x128xf32, #tpu.memory_space<vmem_shared>>
      %dma_start3A_72 = arith.constant 0 : i32
      %dma_start3A_73 = tpu.memref_slice %arg10[%add3A_58, %dma_start3A_72] : memref<10240x128xf32, #tpu.memory_space<vmem_shared>> -> memref<80x128xf32, #tpu.memory_space<vmem_shared>>
      tpu.enqueue_dma source(%dma_start3A_73 : memref<80x128xf32, #tpu.memory_space<vmem_shared>>) target(%arg9 : memref<80x128xf32, #tpu.memory_space<vmem>>) target_semaphore(%run_scoped3A : memref<!tpu.dma_semaphore, #tpu.memory_space<semaphore_mem>>)
      %dma_wait3A = arith.constant 0 : i32
      %dma_wait3A_74 = tpu.memref_slice %arg10[%add3A_58, %dma_wait3A] : memref<10240x128xf32, #tpu.memory_space<vmem_shared>> -> memref<80x128xf32, #tpu.memory_space<vmem_shared>>
      %dma_wait3A_75 = arith.constant 0 : i32
      %dma_wait3A_76 = tpu.memref_slice %arg10[%add3A_58, %dma_wait3A_75] : memref<10240x128xf32, #tpu.memory_space<vmem_shared>> -> memref<80x128xf32, #tpu.memory_space<vmem_shared>>
      tpu.wait_dma2 semaphore(%run_scoped3A : memref<!tpu.dma_semaphore, #tpu.memory_space<semaphore_mem>>) src(%dma_wait3A_76 : memref<80x128xf32, #tpu.memory_space<vmem_shared>>) dst(%arg9 : memref<80x128xf32, #tpu.memory_space<vmem>>)
      tpu.yield
    }) : () -> ()
    "tpu.region"() ({
      %run_scoped3A = tpu.sem_alloc : memref<!tpu.dma_semaphore, #tpu.memory_space<semaphore_mem>>
      %dma_start3A = arith.constant 0 : i32
      %dma_start3A_71 = tpu.memref_slice %arg6[%arg0, %add3A_58, %dma_start3A] : memref<2x10240x128xf32, #tpu.memory_space<hbm>> -> memref<1x80x128xf32, #tpu.memory_space<hbm>>
      %dma_start3A_72 = tpu.memref_squeeze %dma_start3A_71 : memref<1x80x128xf32, #tpu.memory_space<hbm>> -> memref<80x128xf32, #tpu.memory_space<hbm>>
      %dma_start3A_73 = arith.constant 0 : i32
      %dma_start3A_74 = tpu.memref_slice %arg6[%arg0, %add3A_58, %dma_start3A_73] : memref<2x10240x128xf32, #tpu.memory_space<hbm>> -> memref<1x80x128xf32, #tpu.memory_space<hbm>>
      %dma_start3A_75 = tpu.memref_squeeze %dma_start3A_74 : memref<1x80x128xf32, #tpu.memory_space<hbm>> -> memref<80x128xf32, #tpu.memory_space<hbm>>
      tpu.enqueue_dma source(%arg9 : memref<80x128xf32, #tpu.memory_space<vmem>>) target(%dma_start3A_75 : memref<80x128xf32, #tpu.memory_space<hbm>>) target_semaphore(%run_scoped3A : memref<!tpu.dma_semaphore, #tpu.memory_space<semaphore_mem>>)
      %dma_wait3A = arith.constant 0 : i32
      %dma_wait3A_76 = tpu.memref_slice %arg6[%arg0, %add3A_58, %dma_wait3A] : memref<2x10240x128xf32, #tpu.memory_space<hbm>> -> memref<1x80x128xf32, #tpu.memory_space<hbm>>
      %dma_wait3A_77 = tpu.memref_squeeze %dma_wait3A_76 : memref<1x80x128xf32, #tpu.memory_space<hbm>> -> memref<80x128xf32, #tpu.memory_space<hbm>>
      %dma_wait3A_78 = arith.constant 0 : i32
      %dma_wait3A_79 = tpu.memref_slice %arg6[%arg0, %add3A_58, %dma_wait3A_78] : memref<2x10240x128xf32, #tpu.memory_space<hbm>> -> memref<1x80x128xf32, #tpu.memory_space<hbm>>
      %dma_wait3A_80 = tpu.memref_squeeze %dma_wait3A_79 : memref<1x80x128xf32, #tpu.memory_space<hbm>> -> memref<80x128xf32, #tpu.memory_space<hbm>>
      tpu.wait_dma2 semaphore(%run_scoped3A : memref<!tpu.dma_semaphore, #tpu.memory_space<semaphore_mem>>) src(%arg9 : memref<80x128xf32, #tpu.memory_space<vmem>>) dst(%dma_wait3A_80 : memref<80x128xf32, #tpu.memory_space<hbm>>)
      tpu.yield
    }) : () -> ()
    %mul3A_59 = arith.constant 640 : i32
    %mul3A_60 = arith.muli %arg1, %mul3A_59 : i32
    %add3A_61 = arith.constant 400 : i32
    %add3A_62 = arith.addi %mul3A_60, %add3A_61 : i32
    "tpu.region"() ({
      %run_scoped3A = tpu.sem_alloc : memref<!tpu.dma_semaphore, #tpu.memory_space<semaphore_mem>>
      %dma_start3A = arith.constant 0 : i32
      %dma_start3A_71 = tpu.memref_slice %arg10[%add3A_62, %dma_start3A] : memref<10240x128xf32, #tpu.memory_space<vmem_shared>> -> memref<80x128xf32, #tpu.memory_space<vmem_shared>>
      %dma_start3A_72 = arith.constant 0 : i32
      %dma_start3A_73 = tpu.memref_slice %arg10[%add3A_62, %dma_start3A_72] : memref<10240x128xf32, #tpu.memory_space<vmem_shared>> -> memref<80x128xf32, #tpu.memory_space<vmem_shared>>
      tpu.enqueue_dma source(%dma_start3A_73 : memref<80x128xf32, #tpu.memory_space<vmem_shared>>) target(%arg9 : memref<80x128xf32, #tpu.memory_space<vmem>>) target_semaphore(%run_scoped3A : memref<!tpu.dma_semaphore, #tpu.memory_space<semaphore_mem>>)
      %dma_wait3A = arith.constant 0 : i32
      %dma_wait3A_74 = tpu.memref_slice %arg10[%add3A_62, %dma_wait3A] : memref<10240x128xf32, #tpu.memory_space<vmem_shared>> -> memref<80x128xf32, #tpu.memory_space<vmem_shared>>
      %dma_wait3A_75 = arith.constant 0 : i32
      %dma_wait3A_76 = tpu.memref_slice %arg10[%add3A_62, %dma_wait3A_75] : memref<10240x128xf32, #tpu.memory_space<vmem_shared>> -> memref<80x128xf32, #tpu.memory_space<vmem_shared>>
      tpu.wait_dma2 semaphore(%run_scoped3A : memref<!tpu.dma_semaphore, #tpu.memory_space<semaphore_mem>>) src(%dma_wait3A_76 : memref<80x128xf32, #tpu.memory_space<vmem_shared>>) dst(%arg9 : memref<80x128xf32, #tpu.memory_space<vmem>>)
      tpu.yield
    }) : () -> ()
    "tpu.region"() ({
      %run_scoped3A = tpu.sem_alloc : memref<!tpu.dma_semaphore, #tpu.memory_space<semaphore_mem>>
      %dma_start3A = arith.constant 0 : i32
      %dma_start3A_71 = tpu.memref_slice %arg6[%arg0, %add3A_62, %dma_start3A] : memref<2x10240x128xf32, #tpu.memory_space<hbm>> -> memref<1x80x128xf32, #tpu.memory_space<hbm>>
      %dma_start3A_72 = tpu.memref_squeeze %dma_start3A_71 : memref<1x80x128xf32, #tpu.memory_space<hbm>> -> memref<80x128xf32, #tpu.memory_space<hbm>>
      %dma_start3A_73 = arith.constant 0 : i32
      %dma_start3A_74 = tpu.memref_slice %arg6[%arg0, %add3A_62, %dma_start3A_73] : memref<2x10240x128xf32, #tpu.memory_space<hbm>> -> memref<1x80x128xf32, #tpu.memory_space<hbm>>
      %dma_start3A_75 = tpu.memref_squeeze %dma_start3A_74 : memref<1x80x128xf32, #tpu.memory_space<hbm>> -> memref<80x128xf32, #tpu.memory_space<hbm>>
      tpu.enqueue_dma source(%arg9 : memref<80x128xf32, #tpu.memory_space<vmem>>) target(%dma_start3A_75 : memref<80x128xf32, #tpu.memory_space<hbm>>) target_semaphore(%run_scoped3A : memref<!tpu.dma_semaphore, #tpu.memory_space<semaphore_mem>>)
      %dma_wait3A = arith.constant 0 : i32
      %dma_wait3A_76 = tpu.memref_slice %arg6[%arg0, %add3A_62, %dma_wait3A] : memref<2x10240x128xf32, #tpu.memory_space<hbm>> -> memref<1x80x128xf32, #tpu.memory_space<hbm>>
      %dma_wait3A_77 = tpu.memref_squeeze %dma_wait3A_76 : memref<1x80x128xf32, #tpu.memory_space<hbm>> -> memref<80x128xf32, #tpu.memory_space<hbm>>
      %dma_wait3A_78 = arith.constant 0 : i32
      %dma_wait3A_79 = tpu.memref_slice %arg6[%arg0, %add3A_62, %dma_wait3A_78] : memref<2x10240x128xf32, #tpu.memory_space<hbm>> -> memref<1x80x128xf32, #tpu.memory_space<hbm>>
      %dma_wait3A_80 = tpu.memref_squeeze %dma_wait3A_79 : memref<1x80x128xf32, #tpu.memory_space<hbm>> -> memref<80x128xf32, #tpu.memory_space<hbm>>
      tpu.wait_dma2 semaphore(%run_scoped3A : memref<!tpu.dma_semaphore, #tpu.memory_space<semaphore_mem>>) src(%arg9 : memref<80x128xf32, #tpu.memory_space<vmem>>) dst(%dma_wait3A_80 : memref<80x128xf32, #tpu.memory_space<hbm>>)
      tpu.yield
    }) : () -> ()
    %mul3A_63 = arith.constant 640 : i32
    %mul3A_64 = arith.muli %arg1, %mul3A_63 : i32
    %add3A_65 = arith.constant 480 : i32
    %add3A_66 = arith.addi %mul3A_64, %add3A_65 : i32
    "tpu.region"() ({
      %run_scoped3A = tpu.sem_alloc : memref<!tpu.dma_semaphore, #tpu.memory_space<semaphore_mem>>
      %dma_start3A = arith.constant 0 : i32
      %dma_start3A_71 = tpu.memref_slice %arg10[%add3A_66, %dma_start3A] : memref<10240x128xf32, #tpu.memory_space<vmem_shared>> -> memref<80x128xf32, #tpu.memory_space<vmem_shared>>
      %dma_start3A_72 = arith.constant 0 : i32
      %dma_start3A_73 = tpu.memref_slice %arg10[%add3A_66, %dma_start3A_72] : memref<10240x128xf32, #tpu.memory_space<vmem_shared>> -> memref<80x128xf32, #tpu.memory_space<vmem_shared>>
      tpu.enqueue_dma source(%dma_start3A_73 : memref<80x128xf32, #tpu.memory_space<vmem_shared>>) target(%arg9 : memref<80x128xf32, #tpu.memory_space<vmem>>) target_semaphore(%run_scoped3A : memref<!tpu.dma_semaphore, #tpu.memory_space<semaphore_mem>>)
      %dma_wait3A = arith.constant 0 : i32
      %dma_wait3A_74 = tpu.memref_slice %arg10[%add3A_66, %dma_wait3A] : memref<10240x128xf32, #tpu.memory_space<vmem_shared>> -> memref<80x128xf32, #tpu.memory_space<vmem_shared>>
      %dma_wait3A_75 = arith.constant 0 : i32
      %dma_wait3A_76 = tpu.memref_slice %arg10[%add3A_66, %dma_wait3A_75] : memref<10240x128xf32, #tpu.memory_space<vmem_shared>> -> memref<80x128xf32, #tpu.memory_space<vmem_shared>>
      tpu.wait_dma2 semaphore(%run_scoped3A : memref<!tpu.dma_semaphore, #tpu.memory_space<semaphore_mem>>) src(%dma_wait3A_76 : memref<80x128xf32, #tpu.memory_space<vmem_shared>>) dst(%arg9 : memref<80x128xf32, #tpu.memory_space<vmem>>)
      tpu.yield
    }) : () -> ()
    "tpu.region"() ({
      %run_scoped3A = tpu.sem_alloc : memref<!tpu.dma_semaphore, #tpu.memory_space<semaphore_mem>>
      %dma_start3A = arith.constant 0 : i32
      %dma_start3A_71 = tpu.memref_slice %arg6[%arg0, %add3A_66, %dma_start3A] : memref<2x10240x128xf32, #tpu.memory_space<hbm>> -> memref<1x80x128xf32, #tpu.memory_space<hbm>>
      %dma_start3A_72 = tpu.memref_squeeze %dma_start3A_71 : memref<1x80x128xf32, #tpu.memory_space<hbm>> -> memref<80x128xf32, #tpu.memory_space<hbm>>
      %dma_start3A_73 = arith.constant 0 : i32
      %dma_start3A_74 = tpu.memref_slice %arg6[%arg0, %add3A_66, %dma_start3A_73] : memref<2x10240x128xf32, #tpu.memory_space<hbm>> -> memref<1x80x128xf32, #tpu.memory_space<hbm>>
      %dma_start3A_75 = tpu.memref_squeeze %dma_start3A_74 : memref<1x80x128xf32, #tpu.memory_space<hbm>> -> memref<80x128xf32, #tpu.memory_space<hbm>>
      tpu.enqueue_dma source(%arg9 : memref<80x128xf32, #tpu.memory_space<vmem>>) target(%dma_start3A_75 : memref<80x128xf32, #tpu.memory_space<hbm>>) target_semaphore(%run_scoped3A : memref<!tpu.dma_semaphore, #tpu.memory_space<semaphore_mem>>)
      %dma_wait3A = arith.constant 0 : i32
      %dma_wait3A_76 = tpu.memref_slice %arg6[%arg0, %add3A_66, %dma_wait3A] : memref<2x10240x128xf32, #tpu.memory_space<hbm>> -> memref<1x80x128xf32, #tpu.memory_space<hbm>>
      %dma_wait3A_77 = tpu.memref_squeeze %dma_wait3A_76 : memref<1x80x128xf32, #tpu.memory_space<hbm>> -> memref<80x128xf32, #tpu.memory_space<hbm>>
      %dma_wait3A_78 = arith.constant 0 : i32
      %dma_wait3A_79 = tpu.memref_slice %arg6[%arg0, %add3A_66, %dma_wait3A_78] : memref<2x10240x128xf32, #tpu.memory_space<hbm>> -> memref<1x80x128xf32, #tpu.memory_space<hbm>>
      %dma_wait3A_80 = tpu.memref_squeeze %dma_wait3A_79 : memref<1x80x128xf32, #tpu.memory_space<hbm>> -> memref<80x128xf32, #tpu.memory_space<hbm>>
      tpu.wait_dma2 semaphore(%run_scoped3A : memref<!tpu.dma_semaphore, #tpu.memory_space<semaphore_mem>>) src(%arg9 : memref<80x128xf32, #tpu.memory_space<vmem>>) dst(%dma_wait3A_80 : memref<80x128xf32, #tpu.memory_space<hbm>>)
      tpu.yield
    }) : () -> ()
    %mul3A_67 = arith.constant 640 : i32
    %mul3A_68 = arith.muli %arg1, %mul3A_67 : i32
    %add3A_69 = arith.constant 560 : i32
    %add3A_70 = arith.addi %mul3A_68, %add3A_69 : i32
    "tpu.region"() ({
      %run_scoped3A = tpu.sem_alloc : memref<!tpu.dma_semaphore, #tpu.memory_space<semaphore_mem>>
      %dma_start3A = arith.constant 0 : i32
      %dma_start3A_71 = tpu.memref_slice %arg10[%add3A_70, %dma_start3A] : memref<10240x128xf32, #tpu.memory_space<vmem_shared>> -> memref<80x128xf32, #tpu.memory_space<vmem_shared>>
      %dma_start3A_72 = arith.constant 0 : i32
      %dma_start3A_73 = tpu.memref_slice %arg10[%add3A_70, %dma_start3A_72] : memref<10240x128xf32, #tpu.memory_space<vmem_shared>> -> memref<80x128xf32, #tpu.memory_space<vmem_shared>>
      tpu.enqueue_dma source(%dma_start3A_73 : memref<80x128xf32, #tpu.memory_space<vmem_shared>>) target(%arg9 : memref<80x128xf32, #tpu.memory_space<vmem>>) target_semaphore(%run_scoped3A : memref<!tpu.dma_semaphore, #tpu.memory_space<semaphore_mem>>)
      %dma_wait3A = arith.constant 0 : i32
      %dma_wait3A_74 = tpu.memref_slice %arg10[%add3A_70, %dma_wait3A] : memref<10240x128xf32, #tpu.memory_space<vmem_shared>> -> memref<80x128xf32, #tpu.memory_space<vmem_shared>>
      %dma_wait3A_75 = arith.constant 0 : i32
      %dma_wait3A_76 = tpu.memref_slice %arg10[%add3A_70, %dma_wait3A_75] : memref<10240x128xf32, #tpu.memory_space<vmem_shared>> -> memref<80x128xf32, #tpu.memory_space<vmem_shared>>
      tpu.wait_dma2 semaphore(%run_scoped3A : memref<!tpu.dma_semaphore, #tpu.memory_space<semaphore_mem>>) src(%dma_wait3A_76 : memref<80x128xf32, #tpu.memory_space<vmem_shared>>) dst(%arg9 : memref<80x128xf32, #tpu.memory_space<vmem>>)
      tpu.yield
    }) : () -> ()
    "tpu.region"() ({
      %run_scoped3A = tpu.sem_alloc : memref<!tpu.dma_semaphore, #tpu.memory_space<semaphore_mem>>
      %dma_start3A = arith.constant 0 : i32
      %dma_start3A_71 = tpu.memref_slice %arg6[%arg0, %add3A_70, %dma_start3A] : memref<2x10240x128xf32, #tpu.memory_space<hbm>> -> memref<1x80x128xf32, #tpu.memory_space<hbm>>
      %dma_start3A_72 = tpu.memref_squeeze %dma_start3A_71 : memref<1x80x128xf32, #tpu.memory_space<hbm>> -> memref<80x128xf32, #tpu.memory_space<hbm>>
      %dma_start3A_73 = arith.constant 0 : i32
      %dma_start3A_74 = tpu.memref_slice %arg6[%arg0, %add3A_70, %dma_start3A_73] : memref<2x10240x128xf32, #tpu.memory_space<hbm>> -> memref<1x80x128xf32, #tpu.memory_space<hbm>>
      %dma_start3A_75 = tpu.memref_squeeze %dma_start3A_74 : memref<1x80x128xf32, #tpu.memory_space<hbm>> -> memref<80x128xf32, #tpu.memory_space<hbm>>
      tpu.enqueue_dma source(%arg9 : memref<80x128xf32, #tpu.memory_space<vmem>>) target(%dma_start3A_75 : memref<80x128xf32, #tpu.memory_space<hbm>>) target_semaphore(%run_scoped3A : memref<!tpu.dma_semaphore, #tpu.memory_space<semaphore_mem>>)
      %dma_wait3A = arith.constant 0 : i32
      %dma_wait3A_76 = tpu.memref_slice %arg6[%arg0, %add3A_70, %dma_wait3A] : memref<2x10240x128xf32, #tpu.memory_space<hbm>> -> memref<1x80x128xf32, #tpu.memory_space<hbm>>
      %dma_wait3A_77 = tpu.memref_squeeze %dma_wait3A_76 : memref<1x80x128xf32, #tpu.memory_space<hbm>> -> memref<80x128xf32, #tpu.memory_space<hbm>>
      %dma_wait3A_78 = arith.constant 0 : i32
      %dma_wait3A_79 = tpu.memref_slice %arg6[%arg0, %add3A_70, %dma_wait3A_78] : memref<2x10240x128xf32, #tpu.memory_space<hbm>> -> memref<1x80x128xf32, #tpu.memory_space<hbm>>
      %dma_wait3A_80 = tpu.memref_squeeze %dma_wait3A_79 : memref<1x80x128xf32, #tpu.memory_space<hbm>> -> memref<80x128xf32, #tpu.memory_space<hbm>>
      tpu.wait_dma2 semaphore(%run_scoped3A : memref<!tpu.dma_semaphore, #tpu.memory_space<semaphore_mem>>) src(%arg9 : memref<80x128xf32, #tpu.memory_space<vmem>>) dst(%dma_wait3A_80 : memref<80x128xf32, #tpu.memory_space<hbm>>)
      tpu.yield
    }) : () -> ()
    return
  }
}

#map = affine_map<(d0, d1) -> (0, 0)>
#map1 = affine_map<(d0, d1) -> (0, 0, 0)>
module attributes {stable_mosaic.version = 14 : i64} {
  func.func @_deg2_body(%arg0: i32, %arg1: i32, %arg2: memref<32x10000xi32, #tpu.memory_space<hbm>>, %arg3: memref<32x10000xi32, #tpu.memory_space<hbm>>, %arg4: memref<2x32x10240xf32, #tpu.memory_space<hbm>>, %arg5: memref<10000xi32, #tpu.memory_space<vmem>>, %arg6: memref<10000xi32, #tpu.memory_space<vmem>>, %arg7: memref<10240xf32, #tpu.memory_space<vmem>>, %arg8: memref<10240xf32, #tpu.memory_space<vmem>>) attributes {dimension_semantics = [#tpu.dimension_semantics<core_parallel>, #tpu.dimension_semantics<subcore_parallel>], iteration_bounds = array<i64: 2, 16>, scalar_prefetch = 0 : i64, scratch_operands = 4 : i64, tpu.core_type = #tpu.core_type<sc_vector_subcore>, window_params = [{transform_indices = #map}, {transform_indices = #map}, {transform_indices = #map1}]} {
    %mul3A = arith.constant 2 : i32
    %mul3A_0 = arith.muli %arg1, %mul3A : i32
    %add3A = arith.addi %mul3A_0, %arg0 : i32
    %broadcast_in_dim3A = arith.constant 0.000000e+00 : f32
    %broadcast_in_dim3A_1 = vector.broadcast %broadcast_in_dim3A : f32 to vector<16xf32>
    %scan3A = arith.constant 0 : i32
    %scan3A_2 = arith.constant 0 : i32
    %scan3A_3 = arith.constant 640 : i32
    %scan3A_4 = arith.addi %scan3A_2, %scan3A_3 : i32
    %scan3A_5 = arith.constant 1 : i32
    scf.for %scan3A_16 = %scan3A_2 to %scan3A_4 step %scan3A_5  : i32 {
      %mul3A_17 = arith.constant 16 : i32
      %mul3A_18 = arith.muli %scan3A_16, %mul3A_17 : i32
      %swap3A = arith.index_cast %mul3A_18 : i32 to index
      %swap3A_19 = tpu.vector_load %arg7[%swap3A] {strides = array<i32>} : memref<10240xf32, #tpu.memory_space<vmem>>, vector<16xf32>,
      tpu.vector_store %arg7[%swap3A], %broadcast_in_dim3A_1 {strides = array<i32>} : memref<10240xf32, #tpu.memory_space<vmem>>, vector<16xf32>,
      %mul3A_20 = arith.constant 16 : i32
      %mul3A_21 = arith.muli %scan3A_16, %mul3A_20 : i32
      %swap3A_22 = arith.index_cast %mul3A_21 : i32 to index
      %swap3A_23 = tpu.vector_load %arg8[%swap3A_22] {strides = array<i32>} : memref<10240xf32, #tpu.memory_space<vmem>>, vector<16xf32>,
      tpu.vector_store %arg8[%swap3A_22], %broadcast_in_dim3A_1 {strides = array<i32>} : memref<10240xf32, #tpu.memory_space<vmem>>, vector<16xf32>,
    }
    %scan3A_6 = arith.constant 640 : i32
    "tpu.region"() ({
      %run_scoped3A_16 = tpu.sem_alloc : memref<!tpu.dma_semaphore, #tpu.memory_space<semaphore_mem>>
      %dma_start3A = arith.constant 0 : i32
      %dma_start3A_17 = tpu.memref_slice %arg2[%add3A, %dma_start3A] : memref<32x10000xi32, #tpu.memory_space<hbm>> -> memref<1x10000xi32, #tpu.memory_space<hbm>>
      %dma_start3A_18 = tpu.memref_squeeze %dma_start3A_17 : memref<1x10000xi32, #tpu.memory_space<hbm>> -> memref<10000xi32, #tpu.memory_space<hbm>>
      %dma_start3A_19 = arith.constant 0 : i32
      %dma_start3A_20 = tpu.memref_slice %arg2[%add3A, %dma_start3A_19] : memref<32x10000xi32, #tpu.memory_space<hbm>> -> memref<1x10000xi32, #tpu.memory_space<hbm>>
      %dma_start3A_21 = tpu.memref_squeeze %dma_start3A_20 : memref<1x10000xi32, #tpu.memory_space<hbm>> -> memref<10000xi32, #tpu.memory_space<hbm>>
      tpu.enqueue_dma source(%dma_start3A_21 : memref<10000xi32, #tpu.memory_space<hbm>>) target(%arg5 : memref<10000xi32, #tpu.memory_space<vmem>>) target_semaphore(%run_scoped3A_16 : memref<!tpu.dma_semaphore, #tpu.memory_space<semaphore_mem>>)
      %dma_wait3A = arith.constant 0 : i32
      %dma_wait3A_22 = tpu.memref_slice %arg2[%add3A, %dma_wait3A] : memref<32x10000xi32, #tpu.memory_space<hbm>> -> memref<1x10000xi32, #tpu.memory_space<hbm>>
      %dma_wait3A_23 = tpu.memref_squeeze %dma_wait3A_22 : memref<1x10000xi32, #tpu.memory_space<hbm>> -> memref<10000xi32, #tpu.memory_space<hbm>>
      %dma_wait3A_24 = arith.constant 0 : i32
      %dma_wait3A_25 = tpu.memref_slice %arg2[%add3A, %dma_wait3A_24] : memref<32x10000xi32, #tpu.memory_space<hbm>> -> memref<1x10000xi32, #tpu.memory_space<hbm>>
      %dma_wait3A_26 = tpu.memref_squeeze %dma_wait3A_25 : memref<1x10000xi32, #tpu.memory_space<hbm>> -> memref<10000xi32, #tpu.memory_space<hbm>>
      tpu.wait_dma2 semaphore(%run_scoped3A_16 : memref<!tpu.dma_semaphore, #tpu.memory_space<semaphore_mem>>) src(%dma_wait3A_26 : memref<10000xi32, #tpu.memory_space<hbm>>) dst(%arg5 : memref<10000xi32, #tpu.memory_space<vmem>>)
      tpu.yield
    }) : () -> ()
    "tpu.region"() ({
      %run_scoped3A_16 = tpu.sem_alloc : memref<!tpu.dma_semaphore, #tpu.memory_space<semaphore_mem>>
      %dma_start3A = arith.constant 0 : i32
      %dma_start3A_17 = tpu.memref_slice %arg3[%add3A, %dma_start3A] : memref<32x10000xi32, #tpu.memory_space<hbm>> -> memref<1x10000xi32, #tpu.memory_space<hbm>>
      %dma_start3A_18 = tpu.memref_squeeze %dma_start3A_17 : memref<1x10000xi32, #tpu.memory_space<hbm>> -> memref<10000xi32, #tpu.memory_space<hbm>>
      %dma_start3A_19 = arith.constant 0 : i32
      %dma_start3A_20 = tpu.memref_slice %arg3[%add3A, %dma_start3A_19] : memref<32x10000xi32, #tpu.memory_space<hbm>> -> memref<1x10000xi32, #tpu.memory_space<hbm>>
      %dma_start3A_21 = tpu.memref_squeeze %dma_start3A_20 : memref<1x10000xi32, #tpu.memory_space<hbm>> -> memref<10000xi32, #tpu.memory_space<hbm>>
      tpu.enqueue_dma source(%dma_start3A_21 : memref<10000xi32, #tpu.memory_space<hbm>>) target(%arg6 : memref<10000xi32, #tpu.memory_space<vmem>>) target_semaphore(%run_scoped3A_16 : memref<!tpu.dma_semaphore, #tpu.memory_space<semaphore_mem>>)
      %dma_wait3A = arith.constant 0 : i32
      %dma_wait3A_22 = tpu.memref_slice %arg3[%add3A, %dma_wait3A] : memref<32x10000xi32, #tpu.memory_space<hbm>> -> memref<1x10000xi32, #tpu.memory_space<hbm>>
      %dma_wait3A_23 = tpu.memref_squeeze %dma_wait3A_22 : memref<1x10000xi32, #tpu.memory_space<hbm>> -> memref<10000xi32, #tpu.memory_space<hbm>>
      %dma_wait3A_24 = arith.constant 0 : i32
      %dma_wait3A_25 = tpu.memref_slice %arg3[%add3A, %dma_wait3A_24] : memref<32x10000xi32, #tpu.memory_space<hbm>> -> memref<1x10000xi32, #tpu.memory_space<hbm>>
      %dma_wait3A_26 = tpu.memref_squeeze %dma_wait3A_25 : memref<1x10000xi32, #tpu.memory_space<hbm>> -> memref<10000xi32, #tpu.memory_space<hbm>>
      tpu.wait_dma2 semaphore(%run_scoped3A_16 : memref<!tpu.dma_semaphore, #tpu.memory_space<semaphore_mem>>) src(%dma_wait3A_26 : memref<10000xi32, #tpu.memory_space<hbm>>) dst(%arg6 : memref<10000xi32, #tpu.memory_space<vmem>>)
      tpu.yield
    }) : () -> ()
    %broadcast_in_dim3A_7 = arith.constant 1.000000e+00 : f32
    %broadcast_in_dim3A_8 = vector.broadcast %broadcast_in_dim3A_7 : f32 to vector<16xf32>
    %scan3A_9 = arith.constant 0 : i32
    %scan3A_10 = arith.constant 0 : i32
    %scan3A_11 = arith.constant 625 : i32
    %scan3A_12 = arith.addi %scan3A_10, %scan3A_11 : i32
    %scan3A_13 = arith.constant 1 : i32
    scf.for %scan3A_16 = %scan3A_10 to %scan3A_12 step %scan3A_13  : i32 {
      %mul3A_17 = arith.constant 16 : i32
      %mul3A_18 = arith.muli %scan3A_16, %mul3A_17 : i32
      %get3A = arith.index_cast %mul3A_18 : i32 to index
      %get3A_19 = tpu.vector_load %arg5[%get3A] {strides = array<i32>} : memref<10000xi32, #tpu.memory_space<vmem>>, vector<16xi32>,
      tpu.vector_store_idx %arg7[%get3A_19], %broadcast_in_dim3A_8 {add = true} : memref<10240xf32, #tpu.memory_space<vmem>>[vector<16xi32>], vector<16xf32>,
      %mul3A_20 = arith.constant 16 : i32
      %mul3A_21 = arith.muli %scan3A_16, %mul3A_20 : i32
      %get3A_22 = arith.index_cast %mul3A_21 : i32 to index
      %get3A_23 = tpu.vector_load %arg6[%get3A_22] {strides = array<i32>} : memref<10000xi32, #tpu.memory_space<vmem>>, vector<16xi32>,
      tpu.vector_store_idx %arg8[%get3A_23], %broadcast_in_dim3A_8 {add = true} : memref<10240xf32, #tpu.memory_space<vmem>>[vector<16xi32>], vector<16xf32>,
    }
    %scan3A_14 = arith.constant 625 : i32
    %run_scoped3A = arith.constant 0 : i32
    "tpu.region"() ({
      %run_scoped3A_16 = tpu.sem_alloc : memref<!tpu.dma_semaphore, #tpu.memory_space<semaphore_mem>>
      %dma_start3A = arith.constant 0 : i32
      %dma_start3A_17 = tpu.memref_slice %arg4[%run_scoped3A, %add3A, %dma_start3A] : memref<2x32x10240xf32, #tpu.memory_space<hbm>> -> memref<1x1x10240xf32, #tpu.memory_space<hbm>>
      %dma_start3A_18 = tpu.memref_squeeze %dma_start3A_17 : memref<1x1x10240xf32, #tpu.memory_space<hbm>> -> memref<10240xf32, #tpu.memory_space<hbm>>
      %dma_start3A_19 = arith.constant 0 : i32
      %dma_start3A_20 = tpu.memref_slice %arg4[%run_scoped3A, %add3A, %dma_start3A_19] : memref<2x32x10240xf32, #tpu.memory_space<hbm>> -> memref<1x1x10240xf32, #tpu.memory_space<hbm>>
      %dma_start3A_21 = tpu.memref_squeeze %dma_start3A_20 : memref<1x1x10240xf32, #tpu.memory_space<hbm>> -> memref<10240xf32, #tpu.memory_space<hbm>>
      tpu.enqueue_dma source(%arg7 : memref<10240xf32, #tpu.memory_space<vmem>>) target(%dma_start3A_21 : memref<10240xf32, #tpu.memory_space<hbm>>) target_semaphore(%run_scoped3A_16 : memref<!tpu.dma_semaphore, #tpu.memory_space<semaphore_mem>>)
      %dma_wait3A = arith.constant 0 : i32
      %dma_wait3A_22 = tpu.memref_slice %arg4[%run_scoped3A, %add3A, %dma_wait3A] : memref<2x32x10240xf32, #tpu.memory_space<hbm>> -> memref<1x1x10240xf32, #tpu.memory_space<hbm>>
      %dma_wait3A_23 = tpu.memref_squeeze %dma_wait3A_22 : memref<1x1x10240xf32, #tpu.memory_space<hbm>> -> memref<10240xf32, #tpu.memory_space<hbm>>
      %dma_wait3A_24 = arith.constant 0 : i32
      %dma_wait3A_25 = tpu.memref_slice %arg4[%run_scoped3A, %add3A, %dma_wait3A_24] : memref<2x32x10240xf32, #tpu.memory_space<hbm>> -> memref<1x1x10240xf32, #tpu.memory_space<hbm>>
      %dma_wait3A_26 = tpu.memref_squeeze %dma_wait3A_25 : memref<1x1x10240xf32, #tpu.memory_space<hbm>> -> memref<10240xf32, #tpu.memory_space<hbm>>
      tpu.wait_dma2 semaphore(%run_scoped3A_16 : memref<!tpu.dma_semaphore, #tpu.memory_space<semaphore_mem>>) src(%arg7 : memref<10240xf32, #tpu.memory_space<vmem>>) dst(%dma_wait3A_26 : memref<10240xf32, #tpu.memory_space<hbm>>)
      tpu.yield
    }) : () -> ()
    %run_scoped3A_15 = arith.constant 1 : i32
    "tpu.region"() ({
      %run_scoped3A_16 = tpu.sem_alloc : memref<!tpu.dma_semaphore, #tpu.memory_space<semaphore_mem>>
      %dma_start3A = arith.constant 0 : i32
      %dma_start3A_17 = tpu.memref_slice %arg4[%run_scoped3A_15, %add3A, %dma_start3A] : memref<2x32x10240xf32, #tpu.memory_space<hbm>> -> memref<1x1x10240xf32, #tpu.memory_space<hbm>>
      %dma_start3A_18 = tpu.memref_squeeze %dma_start3A_17 : memref<1x1x10240xf32, #tpu.memory_space<hbm>> -> memref<10240xf32, #tpu.memory_space<hbm>>
      %dma_start3A_19 = arith.constant 0 : i32
      %dma_start3A_20 = tpu.memref_slice %arg4[%run_scoped3A_15, %add3A, %dma_start3A_19] : memref<2x32x10240xf32, #tpu.memory_space<hbm>> -> memref<1x1x10240xf32, #tpu.memory_space<hbm>>
      %dma_start3A_21 = tpu.memref_squeeze %dma_start3A_20 : memref<1x1x10240xf32, #tpu.memory_space<hbm>> -> memref<10240xf32, #tpu.memory_space<hbm>>
      tpu.enqueue_dma source(%arg8 : memref<10240xf32, #tpu.memory_space<vmem>>) target(%dma_start3A_21 : memref<10240xf32, #tpu.memory_space<hbm>>) target_semaphore(%run_scoped3A_16 : memref<!tpu.dma_semaphore, #tpu.memory_space<semaphore_mem>>)
      %dma_wait3A = arith.constant 0 : i32
      %dma_wait3A_22 = tpu.memref_slice %arg4[%run_scoped3A_15, %add3A, %dma_wait3A] : memref<2x32x10240xf32, #tpu.memory_space<hbm>> -> memref<1x1x10240xf32, #tpu.memory_space<hbm>>
      %dma_wait3A_23 = tpu.memref_squeeze %dma_wait3A_22 : memref<1x1x10240xf32, #tpu.memory_space<hbm>> -> memref<10240xf32, #tpu.memory_space<hbm>>
      %dma_wait3A_24 = arith.constant 0 : i32
      %dma_wait3A_25 = tpu.memref_slice %arg4[%run_scoped3A_15, %add3A, %dma_wait3A_24] : memref<2x32x10240xf32, #tpu.memory_space<hbm>> -> memref<1x1x10240xf32, #tpu.memory_space<hbm>>
      %dma_wait3A_26 = tpu.memref_squeeze %dma_wait3A_25 : memref<1x1x10240xf32, #tpu.memory_space<hbm>> -> memref<10240xf32, #tpu.memory_space<hbm>>
      tpu.wait_dma2 semaphore(%run_scoped3A_16 : memref<!tpu.dma_semaphore, #tpu.memory_space<semaphore_mem>>) src(%arg8 : memref<10240xf32, #tpu.memory_space<vmem>>) dst(%dma_wait3A_26 : memref<10240xf32, #tpu.memory_space<hbm>>)
      tpu.yield
    }) : () -> ()
    return
  }
}

module attributes {stable_mosaic.version = 14 : i64} {
  func.func @_xn_body(%arg0: i32, %arg1: memref<2048x128xf32, #tpu.memory_space<vmem>>, %arg2: memref<2x32x2048xf32, #tpu.memory_space<vmem>>, %arg3: memref<2048x128xf32, #tpu.memory_space<vmem>>) attributes {dimension_semantics = [#tpu.dimension_semantics<arbitrary>], iteration_bounds = array<i64: 5>, scalar_prefetch = 0 : i64, scratch_operands = 0 : i64, tpu.core_type = #tpu.core_type<tc>, window_params = [{transform_indices = @transform_0, window_bounds = array<i64: 2048, 128>}, {transform_indices = @transform_1, window_bounds = array<i64: 2, 32, 2048>}, {transform_indices = @transform_2, window_bounds = array<i64: 2048, 128>}]} {
    %get3A = arith.constant 0 : index
    %get3A_0 = arith.constant 0 : index
    %get3A_1 = vector.load %arg1[%get3A, %get3A_0] : memref<2048x128xf32, #tpu.memory_space<vmem>>, vector<2048x128xf32>
    %broadcast_in_dim3A = arith.constant 1.000000e+00 : f32
    %broadcast_in_dim3A_2 = vector.broadcast %broadcast_in_dim3A : f32 to vector<32x1xf32>
    %get3A_3 = arith.constant 0 : index
    %get3A_4 = arith.constant 0 : index
    %get3A_5 = arith.constant 0 : index
    %get3A_6 = vector.load %arg2[%get3A_3, %get3A_4, %get3A_5] : memref<2x32x2048xf32, #tpu.memory_space<vmem>>, vector<1x32x2048xf32>
    %get3A_7 = vector.shape_cast %get3A_6 : vector<1x32x2048xf32> to vector<32x2048xf32>
    %dot_general3A = arith.constant dense<0.000000e+00> : vector<2048x1xf32>
    %dot_general3A_8 = tpu.matmul %get3A_7, %broadcast_in_dim3A_2, %dot_general3A {dimension_numbers = #tpu.dot_dimension_numbers<[0], [0], [1], [1], [0, 1, 1, 1], [], []>, precision = #tpu.contract_precision<fp32>, transpose_lhs_hint = false} : vector<32x2048xf32>, vector<32x1xf32>, vector<2048x1xf32> -> vector<2048x1xf32>
    %max3A = arith.constant 1.000000e+00 : f32
    %max3A_9 = vector.broadcast %max3A : f32 to vector<2048x1xf32>
    %max3A_10 = arith.maximumf %dot_general3A_8, %max3A_9 : vector<2048x1xf32>
    %rsqrt3A = math.rsqrt %max3A_10 : vector<2048x1xf32>
    %mul3A = vector.broadcast %rsqrt3A : vector<2048x1xf32> to vector<2048x128xf32>
    %mul3A_11 = arith.mulf %get3A_1, %mul3A : vector<2048x128xf32>
    %swap3A = arith.constant 0 : index
    %swap3A_12 = arith.constant 0 : index
    %swap3A_13 = vector.load %arg3[%swap3A, %swap3A_12] : memref<2048x128xf32, #tpu.memory_space<vmem>>, vector<2048x128xf32>
    tpu.vector_store %arg3[%swap3A, %swap3A_12], %mul3A_11 {strides = array<i32>} : memref<2048x128xf32, #tpu.memory_space<vmem>>, vector<2048x128xf32>,
    return
  }
  func.func @transform_0(%arg0: i32) -> (i32, i32) {
    %c0_i32 = arith.constant 0 : i32
    %c0_i32_0 = arith.constant 0 : i32
    return %arg0, %c0_i32 : i32, i32
  }
  func.func @transform_1(%arg0: i32) -> (i32, i32, i32) {
    %c0_i32 = arith.constant 0 : i32
    %c0_i32_0 = arith.constant 0 : i32
    %c0_i32_1 = arith.constant 0 : i32
    return %c0_i32, %c0_i32_0, %arg0 : i32, i32, i32
  }
  func.func @transform_2(%arg0: i32) -> (i32, i32) {
    %c0_i32 = arith.constant 0 : i32
    %c0_i32_0 = arith.constant 0 : i32
    return %arg0, %c0_i32 : i32, i32
  }
}

module attributes {stable_mosaic.version = 14 : i64} {
  func.func @_conv1_body(%arg0: i32, %arg1: memref<2x2048x128xf32, #tpu.memory_space<vmem>>, %arg2: memref<2x32x2048xf32, #tpu.memory_space<vmem>>, %arg3: memref<128x256xf32, #tpu.memory_space<vmem>>, %arg4: memref<1x256xf32, #tpu.memory_space<vmem>>, %arg5: memref<256x128xf32, #tpu.memory_space<vmem>>, %arg6: memref<2048x128xf32, #tpu.memory_space<vmem>>) attributes {dimension_semantics = [#tpu.dimension_semantics<arbitrary>], iteration_bounds = array<i64: 5>, scalar_prefetch = 0 : i64, scratch_operands = 0 : i64, tpu.core_type = #tpu.core_type<tc>, window_params = [{transform_indices = @transform_0, window_bounds = array<i64: 2, 2048, 128>}, {transform_indices = @transform_1, window_bounds = array<i64: 2, 32, 2048>}, {pipeline_mode = #tpu.pipeline_mode<synchronous>, transform_indices = @transform_2, window_bounds = array<i64: 128, 256>}, {pipeline_mode = #tpu.pipeline_mode<synchronous>, transform_indices = @transform_3, window_bounds = array<i64: 1, 256>}, {pipeline_mode = #tpu.pipeline_mode<synchronous>, transform_indices = @transform_4, window_bounds = array<i64: 256, 128>}, {transform_indices = @transform_5, window_bounds = array<i64: 2048, 128>}]} {
    %get3A = arith.constant 0 : index
    %get3A_0 = arith.constant 0 : index
    %get3A_1 = arith.constant 0 : index
    %get3A_2 = vector.load %arg1[%get3A, %get3A_0, %get3A_1] : memref<2x2048x128xf32, #tpu.memory_space<vmem>>, vector<1x2048x128xf32>
    %get3A_3 = vector.shape_cast %get3A_2 : vector<1x2048x128xf32> to vector<2048x128xf32>
    %get3A_4 = arith.constant 1 : index
    %get3A_5 = arith.constant 0 : index
    %get3A_6 = arith.constant 0 : index
    %get3A_7 = vector.load %arg1[%get3A_4, %get3A_5, %get3A_6] : memref<2x2048x128xf32, #tpu.memory_space<vmem>>, vector<1x2048x128xf32>
    %get3A_8 = vector.shape_cast %get3A_7 : vector<1x2048x128xf32> to vector<2048x128xf32>
    %add3A = arith.addf %get3A_3, %get3A_8 : vector<2048x128xf32>
    %broadcast_in_dim3A = arith.constant 1.000000e+00 : f32
    %broadcast_in_dim3A_9 = vector.broadcast %broadcast_in_dim3A : f32 to vector<32x1xf32>
    %get3A_10 = arith.constant 1 : index
    %get3A_11 = arith.constant 0 : index
    %get3A_12 = arith.constant 0 : index
    %get3A_13 = vector.load %arg2[%get3A_10, %get3A_11, %get3A_12] : memref<2x32x2048xf32, #tpu.memory_space<vmem>>, vector<1x32x2048xf32>
    %get3A_14 = vector.shape_cast %get3A_13 : vector<1x32x2048xf32> to vector<32x2048xf32>
    %dot_general3A = arith.constant dense<0.000000e+00> : vector<2048x1xf32>
    %dot_general3A_15 = tpu.matmul %get3A_14, %broadcast_in_dim3A_9, %dot_general3A {dimension_numbers = #tpu.dot_dimension_numbers<[0], [0], [1], [1], [0, 1, 1, 1], [], []>, precision = #tpu.contract_precision<fp32>, transpose_lhs_hint = false} : vector<32x2048xf32>, vector<32x1xf32>, vector<2048x1xf32> -> vector<2048x1xf32>
    %max3A = arith.constant 1.000000e+00 : f32
    %max3A_16 = vector.broadcast %max3A : f32 to vector<2048x1xf32>
    %max3A_17 = arith.maximumf %dot_general3A_15, %max3A_16 : vector<2048x1xf32>
    %rsqrt3A = math.rsqrt %max3A_17 : vector<2048x1xf32>
    %mul3A = vector.broadcast %rsqrt3A : vector<2048x1xf32> to vector<2048x128xf32>
    %mul3A_18 = arith.mulf %add3A, %mul3A : vector<2048x128xf32>
    %get3A_19 = arith.constant 0 : index
    %get3A_20 = arith.constant 0 : index
    %get3A_21 = vector.load %arg3[%get3A_19, %get3A_20] : memref<128x256xf32, #tpu.memory_space<vmem>>, vector<128x256xf32>
    %dot_general3A_22 = arith.constant dense<0.000000e+00> : vector<2048x256xf32>
    %dot_general3A_23 = tpu.matmul %mul3A_18, %get3A_21, %dot_general3A_22 {dimension_numbers = #tpu.dot_dimension_numbers<[1], [0], [0], [1], [0, 0, 1, 1], [], []>, precision = #tpu.contract_precision<fp32>, transpose_lhs_hint = false} : vector<2048x128xf32>, vector<128x256xf32>, vector<2048x256xf32> -> vector<2048x256xf32>
    %get3A_24 = arith.constant 0 : index
    %get3A_25 = arith.constant 0 : index
    %get3A_26 = vector.load %arg4[%get3A_24, %get3A_25] : memref<1x256xf32, #tpu.memory_space<vmem>>, vector<1x256xf32>
    %add3A_27 = vector.broadcast %get3A_26 : vector<1x256xf32> to vector<2048x256xf32>
    %add3A_28 = arith.addf %dot_general3A_23, %add3A_27 : vector<2048x256xf32>
    %max3A_29 = arith.constant 0.000000e+00 : f32
    %max3A_30 = vector.broadcast %max3A_29 : f32 to vector<2048x256xf32>
    %max3A_31 = arith.maximumf %add3A_28, %max3A_30 : vector<2048x256xf32>
    %broadcast_in_dim3A_32 = arith.constant 1.000000e+00 : f32
    %broadcast_in_dim3A_33 = vector.broadcast %broadcast_in_dim3A_32 : f32 to vector<32x1xf32>
    %get3A_34 = arith.constant 0 : index
    %get3A_35 = arith.constant 0 : index
    %get3A_36 = arith.constant 0 : index
    %get3A_37 = vector.load %arg2[%get3A_34, %get3A_35, %get3A_36] : memref<2x32x2048xf32, #tpu.memory_space<vmem>>, vector<1x32x2048xf32>
    %get3A_38 = vector.shape_cast %get3A_37 : vector<1x32x2048xf32> to vector<32x2048xf32>
    %dot_general3A_39 = arith.constant dense<0.000000e+00> : vector<2048x1xf32>
    %dot_general3A_40 = tpu.matmul %get3A_38, %broadcast_in_dim3A_33, %dot_general3A_39 {dimension_numbers = #tpu.dot_dimension_numbers<[0], [0], [1], [1], [0, 1, 1, 1], [], []>, precision = #tpu.contract_precision<fp32>, transpose_lhs_hint = false} : vector<32x2048xf32>, vector<32x1xf32>, vector<2048x1xf32> -> vector<2048x1xf32>
    %max3A_41 = arith.constant 1.000000e+00 : f32
    %max3A_42 = vector.broadcast %max3A_41 : f32 to vector<2048x1xf32>
    %max3A_43 = arith.maximumf %dot_general3A_40, %max3A_42 : vector<2048x1xf32>
    %rsqrt3A_44 = math.rsqrt %max3A_43 : vector<2048x1xf32>
    %mul3A_45 = vector.broadcast %rsqrt3A_44 : vector<2048x1xf32> to vector<2048x256xf32>
    %mul3A_46 = arith.mulf %max3A_31, %mul3A_45 : vector<2048x256xf32>
    %get3A_47 = arith.constant 0 : index
    %get3A_48 = arith.constant 0 : index
    %get3A_49 = vector.load %arg5[%get3A_47, %get3A_48] : memref<256x128xf32, #tpu.memory_space<vmem>>, vector<256x128xf32>
    %dot_general3A_50 = arith.constant dense<0.000000e+00> : vector<2048x128xf32>
    %dot_general3A_51 = tpu.matmul %mul3A_46, %get3A_49, %dot_general3A_50 {dimension_numbers = #tpu.dot_dimension_numbers<[1], [0], [0], [1], [0, 0, 1, 1], [], []>, precision = #tpu.contract_precision<fp32>, transpose_lhs_hint = false} : vector<2048x256xf32>, vector<256x128xf32>, vector<2048x128xf32> -> vector<2048x128xf32>
    %swap3A = arith.constant 0 : index
    %swap3A_52 = arith.constant 0 : index
    %swap3A_53 = vector.load %arg6[%swap3A, %swap3A_52] : memref<2048x128xf32, #tpu.memory_space<vmem>>, vector<2048x128xf32>
    tpu.vector_store %arg6[%swap3A, %swap3A_52], %dot_general3A_51 {strides = array<i32>} : memref<2048x128xf32, #tpu.memory_space<vmem>>, vector<2048x128xf32>,
    return
  }
  func.func @transform_0(%arg0: i32) -> (i32, i32, i32) {
    %c0_i32 = arith.constant 0 : i32
    %c0_i32_0 = arith.constant 0 : i32
    %c0_i32_1 = arith.constant 0 : i32
    return %c0_i32, %arg0, %c0_i32_0 : i32, i32, i32
  }
  func.func @transform_1(%arg0: i32) -> (i32, i32, i32) {
    %c0_i32 = arith.constant 0 : i32
    %c0_i32_0 = arith.constant 0 : i32
    %c0_i32_1 = arith.constant 0 : i32
    return %c0_i32, %c0_i32_0, %arg0 : i32, i32, i32
  }
  func.func @transform_2(%arg0: i32) -> (i32, i32) {
    %c0_i32 = arith.constant 0 : i32
    %c0_i32_0 = arith.constant 0 : i32
    %c0_i32_1 = arith.constant 0 : i32
    return %c0_i32, %c0_i32_0 : i32, i32
  }
  func.func @transform_3(%arg0: i32) -> (i32, i32) {
    %c0_i32 = arith.constant 0 : i32
    %c0_i32_0 = arith.constant 0 : i32
    %c0_i32_1 = arith.constant 0 : i32
    return %c0_i32, %c0_i32_0 : i32, i32
  }
  func.func @transform_4(%arg0: i32) -> (i32, i32) {
    %c0_i32 = arith.constant 0 : i32
    %c0_i32_0 = arith.constant 0 : i32
    %c0_i32_1 = arith.constant 0 : i32
    return %c0_i32, %c0_i32_0 : i32, i32
  }
  func.func @transform_5(%arg0: i32) -> (i32, i32) {
    %c0_i32 = arith.constant 0 : i32
    %c0_i32_0 = arith.constant 0 : i32
    return %arg0, %c0_i32 : i32, i32
  }
}

module attributes {stable_mosaic.version = 14 : i64} {
  func.func @_conv2_body(%arg0: i32, %arg1: memref<2x2048x128xf32, #tpu.memory_space<vmem>>, %arg2: memref<2x32x2048xf32, #tpu.memory_space<vmem>>, %arg3: memref<1x128xf32, #tpu.memory_space<vmem>>, %arg4: memref<128x128xf32, #tpu.memory_space<vmem>>, %arg5: memref<128x128xf32, #tpu.memory_space<vmem>>, %arg6: memref<2048x128xf32, #tpu.memory_space<vmem>>, %arg7: memref<2048x128xf32, #tpu.memory_space<vmem>>, %arg8: memref<2048x128xf32, #tpu.memory_space<vmem>>) attributes {dimension_semantics = [#tpu.dimension_semantics<arbitrary>], iteration_bounds = array<i64: 5>, scalar_prefetch = 0 : i64, scratch_operands = 0 : i64, tpu.core_type = #tpu.core_type<tc>, window_params = [{transform_indices = @transform_0, window_bounds = array<i64: 2, 2048, 128>}, {transform_indices = @transform_1, window_bounds = array<i64: 2, 32, 2048>}, {pipeline_mode = #tpu.pipeline_mode<synchronous>, transform_indices = @transform_2, window_bounds = array<i64: 1, 128>}, {pipeline_mode = #tpu.pipeline_mode<synchronous>, transform_indices = @transform_3, window_bounds = array<i64: 128, 128>}, {pipeline_mode = #tpu.pipeline_mode<synchronous>, transform_indices = @transform_4, window_bounds = array<i64: 128, 128>}, {transform_indices = @transform_5, window_bounds = array<i64: 2048, 128>}, {transform_indices = @transform_6, window_bounds = array<i64: 2048, 128>}, {transform_indices = @transform_7, window_bounds = array<i64: 2048, 128>}]} {
    %get3A = arith.constant 0 : index
    %get3A_0 = arith.constant 0 : index
    %get3A_1 = arith.constant 0 : index
    %get3A_2 = vector.load %arg1[%get3A, %get3A_0, %get3A_1] : memref<2x2048x128xf32, #tpu.memory_space<vmem>>, vector<1x2048x128xf32>
    %get3A_3 = vector.shape_cast %get3A_2 : vector<1x2048x128xf32> to vector<2048x128xf32>
    %get3A_4 = arith.constant 1 : index
    %get3A_5 = arith.constant 0 : index
    %get3A_6 = arith.constant 0 : index
    %get3A_7 = vector.load %arg1[%get3A_4, %get3A_5, %get3A_6] : memref<2x2048x128xf32, #tpu.memory_space<vmem>>, vector<1x2048x128xf32>
    %get3A_8 = vector.shape_cast %get3A_7 : vector<1x2048x128xf32> to vector<2048x128xf32>
    %add3A = arith.addf %get3A_3, %get3A_8 : vector<2048x128xf32>
    %broadcast_in_dim3A = arith.constant 1.000000e+00 : f32
    %broadcast_in_dim3A_9 = vector.broadcast %broadcast_in_dim3A : f32 to vector<32x1xf32>
    %get3A_10 = arith.constant 1 : index
    %get3A_11 = arith.constant 0 : index
    %get3A_12 = arith.constant 0 : index
    %get3A_13 = vector.load %arg2[%get3A_10, %get3A_11, %get3A_12] : memref<2x32x2048xf32, #tpu.memory_space<vmem>>, vector<1x32x2048xf32>
    %get3A_14 = vector.shape_cast %get3A_13 : vector<1x32x2048xf32> to vector<32x2048xf32>
    %dot_general3A = arith.constant dense<0.000000e+00> : vector<2048x1xf32>
    %dot_general3A_15 = tpu.matmul %get3A_14, %broadcast_in_dim3A_9, %dot_general3A {dimension_numbers = #tpu.dot_dimension_numbers<[0], [0], [1], [1], [0, 1, 1, 1], [], []>, precision = #tpu.contract_precision<fp32>, transpose_lhs_hint = false} : vector<32x2048xf32>, vector<32x1xf32>, vector<2048x1xf32> -> vector<2048x1xf32>
    %max3A = arith.constant 1.000000e+00 : f32
    %max3A_16 = vector.broadcast %max3A : f32 to vector<2048x1xf32>
    %max3A_17 = arith.maximumf %dot_general3A_15, %max3A_16 : vector<2048x1xf32>
    %rsqrt3A = math.rsqrt %max3A_17 : vector<2048x1xf32>
    %mul3A = vector.broadcast %rsqrt3A : vector<2048x1xf32> to vector<2048x128xf32>
    %mul3A_18 = arith.mulf %add3A, %mul3A : vector<2048x128xf32>
    %get3A_19 = arith.constant 0 : index
    %get3A_20 = arith.constant 0 : index
    %get3A_21 = vector.load %arg3[%get3A_19, %get3A_20] : memref<1x128xf32, #tpu.memory_space<vmem>>, vector<1x128xf32>
    %add3A_22 = vector.broadcast %get3A_21 : vector<1x128xf32> to vector<2048x128xf32>
    %add3A_23 = arith.addf %mul3A_18, %add3A_22 : vector<2048x128xf32>
    %max3A_24 = arith.constant 0.000000e+00 : f32
    %max3A_25 = vector.broadcast %max3A_24 : f32 to vector<2048x128xf32>
    %max3A_26 = arith.maximumf %add3A_23, %max3A_25 : vector<2048x128xf32>
    %swap3A = arith.constant 0 : index
    %swap3A_27 = arith.constant 0 : index
    %swap3A_28 = vector.load %arg6[%swap3A, %swap3A_27] : memref<2048x128xf32, #tpu.memory_space<vmem>>, vector<2048x128xf32>
    tpu.vector_store %arg6[%swap3A, %swap3A_27], %max3A_26 {strides = array<i32>} : memref<2048x128xf32, #tpu.memory_space<vmem>>, vector<2048x128xf32>,
    %get3A_29 = arith.constant 0 : index
    %get3A_30 = arith.constant 0 : index
    %get3A_31 = vector.load %arg4[%get3A_29, %get3A_30] : memref<128x128xf32, #tpu.memory_space<vmem>>, vector<128x128xf32>
    %dot_general3A_32 = arith.constant dense<0.000000e+00> : vector<2048x128xf32>
    %dot_general3A_33 = tpu.matmul %max3A_26, %get3A_31, %dot_general3A_32 {dimension_numbers = #tpu.dot_dimension_numbers<[1], [0], [0], [1], [0, 0, 1, 1], [], []>, precision = #tpu.contract_precision<fp32>, transpose_lhs_hint = false} : vector<2048x128xf32>, vector<128x128xf32>, vector<2048x128xf32> -> vector<2048x128xf32>
    %swap3A_34 = arith.constant 0 : index
    %swap3A_35 = arith.constant 0 : index
    %swap3A_36 = vector.load %arg7[%swap3A_34, %swap3A_35] : memref<2048x128xf32, #tpu.memory_space<vmem>>, vector<2048x128xf32>
    tpu.vector_store %arg7[%swap3A_34, %swap3A_35], %dot_general3A_33 {strides = array<i32>} : memref<2048x128xf32, #tpu.memory_space<vmem>>, vector<2048x128xf32>,
    %get3A_37 = arith.constant 0 : index
    %get3A_38 = arith.constant 0 : index
    %get3A_39 = vector.load %arg5[%get3A_37, %get3A_38] : memref<128x128xf32, #tpu.memory_space<vmem>>, vector<128x128xf32>
    %dot_general3A_40 = arith.constant dense<0.000000e+00> : vector<2048x128xf32>
    %dot_general3A_41 = tpu.matmul %max3A_26, %get3A_39, %dot_general3A_40 {dimension_numbers = #tpu.dot_dimension_numbers<[1], [0], [0], [1], [0, 0, 1, 1], [], []>, precision = #tpu.contract_precision<fp32>, transpose_lhs_hint = false} : vector<2048x128xf32>, vector<128x128xf32>, vector<2048x128xf32> -> vector<2048x128xf32>
    %swap3A_42 = arith.constant 0 : index
    %swap3A_43 = arith.constant 0 : index
    %swap3A_44 = vector.load %arg8[%swap3A_42, %swap3A_43] : memref<2048x128xf32, #tpu.memory_space<vmem>>, vector<2048x128xf32>
    tpu.vector_store %arg8[%swap3A_42, %swap3A_43], %dot_general3A_41 {strides = array<i32>} : memref<2048x128xf32, #tpu.memory_space<vmem>>, vector<2048x128xf32>,
    return
  }
  func.func @transform_0(%arg0: i32) -> (i32, i32, i32) {
    %c0_i32 = arith.constant 0 : i32
    %c0_i32_0 = arith.constant 0 : i32
    %c0_i32_1 = arith.constant 0 : i32
    return %c0_i32, %arg0, %c0_i32_0 : i32, i32, i32
  }
  func.func @transform_1(%arg0: i32) -> (i32, i32, i32) {
    %c0_i32 = arith.constant 0 : i32
    %c0_i32_0 = arith.constant 0 : i32
    %c0_i32_1 = arith.constant 0 : i32
    return %c0_i32, %c0_i32_0, %arg0 : i32, i32, i32
  }
  func.func @transform_2(%arg0: i32) -> (i32, i32) {
    %c0_i32 = arith.constant 0 : i32
    %c0_i32_0 = arith.constant 0 : i32
    %c0_i32_1 = arith.constant 0 : i32
    return %c0_i32, %c0_i32_0 : i32, i32
  }
  func.func @transform_3(%arg0: i32) -> (i32, i32) {
    %c0_i32 = arith.constant 0 : i32
    %c0_i32_0 = arith.constant 0 : i32
    %c0_i32_1 = arith.constant 0 : i32
    return %c0_i32, %c0_i32_0 : i32, i32
  }
  func.func @transform_4(%arg0: i32) -> (i32, i32) {
    %c0_i32 = arith.constant 0 : i32
    %c0_i32_0 = arith.constant 0 : i32
    %c0_i32_1 = arith.constant 0 : i32
    return %c0_i32, %c0_i32_0 : i32, i32
  }
  func.func @transform_5(%arg0: i32) -> (i32, i32) {
    %c0_i32 = arith.constant 0 : i32
    %c0_i32_0 = arith.constant 0 : i32
    return %arg0, %c0_i32 : i32, i32
  }
  func.func @transform_6(%arg0: i32) -> (i32, i32) {
    %c0_i32 = arith.constant 0 : i32
    %c0_i32_0 = arith.constant 0 : i32
    return %arg0, %c0_i32 : i32, i32
  }
  func.func @transform_7(%arg0: i32) -> (i32, i32) {
    %c0_i32 = arith.constant 0 : i32
    %c0_i32_0 = arith.constant 0 : i32
    return %arg0, %c0_i32 : i32, i32
  }
}

</mosaic_0001>

<sc_bundles>
// kernel: kernel.11.cloned.1.call-start
scs
__scs_entry_jumppad:
0x0: {  	(pc) =	sbr.rel $0x88, $3  }
0x1: {  	(tag) =	ssettag $0x0;
	lr =	simm.s32 $0x1  }
0x2: {  	[smem:$0x3F99] =	sst lr;
	_ =	strace $0xD0000000  }
0x3: {  	_ = 	snop  }
0x4: {  	_ = 	snop  }
0x5: {  	_ = 	snop  }
0x6: {  	_ = 	snop  }
0x7: {  	_ = 	snop  }
__scs_overlays_trampoline_lowered:
0x8: {  	[smem:$0x3FA8] =	sst s0  }
0x9: {  	[smem:$0x3FA9] =	sst s1  }
0xa: {  	[smem:$0x3FAA] =	sst s2  }
0xb: {  	[smem:$0x3FAB] =	sst s3  }
0xc: {  	[smem:$0x3FAC] =	sst s4  }
0xd: {  	[smem:$0x3FAD] =	sst s5  }
0xe: {  	[smem:$0x3FAE] =	sst s6  }
0xf: {  	[smem:$0x3FAF] =	sst s7  }
0x10: {  	[smem:$0x3FB0] =	sst s8  }
0x11: {  	[smem:$0x3FB1] =	sst s9;
	s0 =	simm.s32 @!p0 $0x0  }
0x12: {  	s1 =	sld [smem:$0x3F97];
	s0 =	simm.s32 @p0 $0x1  }
0x13: {  	[smem:$0x3FB2] =	sst s0;
	s0 =	simm.s32 @!p1 $0x0  }
0x14: {  	s2 =	sld [smem:$0x3F96];
	s0 =	simm.s32 @p1 $0x1  }
0x15: {  	[smem:$0x3FB3] =	sst s0;
	s0 =	simm.s32 @!p2 $0x0  }
0x16: {  	s3 =	sld [smem:$0x3FDB];
	s0 =	simm.s32 @p2 $0x1  }
0x17: {  	s4 =	simm.s32 $0x1BF5;
	[smem:$0x3FB5] =	sst s0  }
0x18: {  	s0 =	sld [smem:$0x3F98];
	_ =	swait.ge [sflag:s4], $0x0  }
0x19: {  	s7 =	sld [smem:$0x3F99]  }
0x1a: {  	s8 =	sadd.s32 $0xFFFFE003, lr  }
0x1b: {  	s9 =	sadd.s32 $0xFFFFFEF7, lr;
	s5 =	simm.s32 $0xFFFFFFFF;
	p2 =	slt.u32 s8, $0xFFFFF086  }
0x1c: {  	p1 =	slt.u32 s9, $0xF7A;
	s5 =	simm.s32 @!p2 $0x0  }
0x1d: {  	s5 =	simm.s32 @p1 $0x1;
	p0 =	seq.s32 s7, s2  }
0x1e: {  	s7 =	smul.u32 @!p0 $0xF7A, s2;
	p2 =	seq.s32 @!p0 s5, $0x0  }
0x1f: {  	s9 =	smul.u32 $0xF7A, s1;
	s8 =	simm.s32 @!p0 $0x1BF5;
	p2 =	por !p2, p0  }
0x20: {  	[sflag:s8] =	ssyncset.s32 @!p0 $0xFFFFF086;
	s6 =	sadd.s32 @!p0 s3, s7;
	s7 =	simm.s32 @!p0 $0x108  }
0x21: {  	s3 =	sadd.s32 s3, s9;
	s6 =	sadd.s32 @!p0 $0x88, s6;
	s7 =	simm.s32 @p2 $0x1082  }
0x22: {  	[simem:s7], [sflag:s8] =	dma.local @!p0 [hbm:s6], $0xF7A  }
0x23: {  	s9 =	sor.u32 $0xD0000000, s2;
	s6 =	simm.s32 $0x108;
	_ =	swait.ge @!p0 [sflag:s8], $0x0  }
0x24: {  	s3 =	sadd.s32 $0x88, s3;
	s6 =	simm.s32 @!p1 $0x1082;
	[sflag:s4] =	ssyncset.s32 $0xFFFFF086  }
0x25: {  	[simem:s6], [sflag:s4] =	dma.local [hbm:s3], $0xF7A  }
0x26: {  	[smem:$0x3F99] =	sst s1;
	(tag) =	ssettag s2;
	_ =	strace s9  }
0x27: {  	s1 =	sld [smem:$0x3FA9]  }
0x28: {  	s2 =	sld [smem:$0x3FAA]  }
0x29: {  	s4 =	sld [smem:$0x3FAC]  }
0x2a: {  	p0 =	seq.s32 s5, $0x0;
	s5 =	sld [smem:$0x3FAD]  }
0x2b: {  	s6 =	sld [smem:$0x3FAE]  }
0x2c: {  	s7 =	sld [smem:$0x3FAF]  }
0x2d: {  	s3 =	simm.s32 $0x108;
	s8 =	sld [smem:$0x3FB0]  }
0x2e: {  	s3 =	simm.s32 @!p0 $0x1082;
	s9 =	sld [smem:$0x3FB1]  }
0x2f: {  	lr =	sadd.s32 s0, s3;
	s0 =	sld [smem:$0x3FA8]  }
0x30: {  	s3 =	sld [smem:$0x3FAB]  }
0x31: {  	[smem:$0x3FB4] =	sst s10  }
0x32: {  	s10 =	sld [smem:$0x3FB2];
	_ =	sdelay $0x3  }
0x33: {  	p0 =	seq.s32 s10, $0x1;
	s10 =	sld [smem:$0x3FB4];
	_ =	sdelay $0x3  }
0x34: {  	[smem:$0x3FB4] =	sst s10  }
0x35: {  	s10 =	sld [smem:$0x3FB3];
	_ =	sdelay $0x3  }
0x36: {  	p1 =	seq.s32 s10, $0x1;
	s10 =	sld [smem:$0x3FB4];
	_ =	sdelay $0x3  }
0x37: {  	[smem:$0x3FB4] =	sst s10  }
0x38: {  	s10 =	sld [smem:$0x3FB5]  }
0x39: {  	_ = 	snop;
	(pc) =	sbr.ind lr, $3  }
0x3a: {  	_ = 	snop  }
0x3b: {  	_ = 	snop  }
0x3c: {  	p2 =	seq.s32 s10, $0x1;
	s10 =	sld [smem:$0x3FB4]  }
0x3d: {  	_ =	shalt  }
0x3e: {  	_ =	shalt  }
0x3f: {  	_ =	shalt  }
0x40: {  	_ =	shalt  }
0x41: {  	_ =	shalt  }
0x42: {  	_ =	shalt  }
0x43: {  	_ =	shalt  }
0x44: {  	_ =	shalt  }
0x45: {  	_ =	shalt  }
0x46: {  	_ =	shalt  }
0x47: {  	_ =	shalt  }
0x48: {  	_ =	shalt  }
0x49: {  	_ =	shalt  }
0x4a: {  	_ =	shalt  }
0x4b: {  	_ =	shalt  }
0x4c: {  	_ =	shalt  }
0x4d: {  	_ =	shalt  }
0x4e: {  	_ =	shalt  }
0x4f: {  	_ =	shalt  }
0x50: {  	_ =	shalt  }
0x51: {  	_ =	shalt  }
0x52: {  	_ =	shalt  }
0x53: {  	_ =	shalt  }
0x54: {  	_ =	shalt  }
0x55: {  	_ =	shalt  }
0x56: {  	_ =	shalt  }
0x57: {  	_ =	shalt  }
0x58: {  	_ =	shalt  }
0x59: {  	_ =	shalt  }
0x5a: {  	_ =	shalt  }
0x5b: {  	_ =	shalt  }
0x5c: {  	_ =	shalt  }
0x5d: {  	_ =	shalt  }
0x5e: {  	_ =	shalt  }
0x5f: {  	_ =	shalt  }
0x60: {  	_ =	shalt  }
0x61: {  	_ =	shalt  }
0x62: {  	_ =	shalt  }
0x63: {  	_ =	shalt  }
0x64: {  	_ =	shalt  }
0x65: {  	_ =	shalt  }
0x66: {  	_ =	shalt  }
0x67: {  	_ =	shalt  }
0x68: {  	_ =	shalt  }
0x69: {  	_ =	shalt  }
0x6a: {  	_ =	shalt  }
0x6b: {  	_ =	shalt  }
0x6c: {  	_ =	shalt  }
0x6d: {  	_ =	shalt  }
0x6e: {  	_ =	shalt  }
0x6f: {  	_ =	shalt  }
0x70: {  	_ =	shalt  }
0x71: {  	_ =	shalt  }
0x72: {  	_ =	shalt  }
0x73: {  	_ =	shalt  }
0x74: {  	_ =	shalt  }
0x75: {  	_ =	shalt  }
0x76: {  	_ =	shalt  }
0x77: {  	_ =	shalt  }
0x78: {  	_ =	shalt  }
0x79: {  	_ =	shalt  }
0x7a: {  	_ =	shalt  }
0x7b: {  	_ =	shalt  }
0x7c: {  	_ =	shalt  }
0x7d: {  	_ =	shalt  }
0x7e: {  	_ =	shalt  }
0x7f: {  	_ =	shalt  }
0x80: {  	_ =	shalt  }
0x81: {  	_ =	shalt  }
0x82: {  	_ =	shalt  }
0x83: {  	_ =	shalt  }
0x84: {  	_ =	shalt  }
0x85: {  	_ =	shalt  }
0x86: {  	_ =	shalt  }
0x87: {  	_ =	shalt  }
.Lfunc_end0:
.L_simem_size_0:
called_computation.1_lowered:
.L_overlay_start_0:
0x88: {  	s2 =	sld [smem:$0x3FD9]  }
0x89: {  	s3 =	sld [smem:$0x3FFE];
	_ =	sdelay $0x1  }
0x8a: {  	s1 =	srdreg.scid  }
0x8b: {  	s0 =	sand.u32 $0x1, s1  }
0x8c: {  	s14 =	sshll.u32 s0, $0xA;
	s2 =	sadd.s32 s3, s2  }
0x8d: {  	s2 =	sadd.s32 s2, s14  }
0x8e: {  	[smem:$0x3FC0] =	sst s2  }
0x8f: {  	_ = 	snop  }
0x90: {  	s2 =	sld [smem:$0x3FD0];
	_ =	sdelay $0x2  }
0x91: {  	s15 =	simm.s32 $0xA;
	s4 =	simm.s32 $0x10  }
0x92: {  	[smem:s4], [sflag:s15] =	dma.local [hbm:s2], $0x1  }
0x93: {  	_ =	swait.eq [sflag:s15], $0x1  }
0x94: {  	s16 =	sld [smem:$0x10];
	[sflag:s15] =	ssyncset.done $0x0  }
0x95: {  	s17 =	sld [smem:$0x11];
	[sflag:s15] =	ssyncadd.s32 $0xFFFFFFFF  }
0x96: {  	s18 =	sld [smem:$0x12];
	(tm) =	ssettm $0x1  }
0x97: {  	s5 =	sld [smem:$0x3FFB];
	_ =	sdelay $0x3  }
0x98: {  	_ =	strace s5  }
0x99: {  	s5 =	sld [smem:$0x3FFC];
	_ =	sdelay $0x3  }
0x9a: {  	_ =	strace s5  }
0x9b: {  	s5 =	sld [smem:$0x3FFD];
	_ =	sdelay $0x3  }
0x9c: {  	_ =	strace s5  }
0x9d: {  	_ =	strace $0x8FFFFFFF  }
0x9e: {  	s19 =	sld [smem:$0x3FDB];
	_ =	sdelay $0x1  }
0x9f: {  	s6 =	simm.s32 $_scs_section_size  }
0xa0: {  	s7 =	simm.s32 $_size__tile_overlayer_lowered;
	s8 =	simm.s32 $_tile_overlayer_lowered  }
0xa1: {  	s22 =	simm.s32 $0x1BFF;
	s21 =	sshll.u32 s8, $0x1;
	s5 =	sadd.s32 s6, s19  }
0xa2: {  	s9 =	simm.s32 $0x0;
	s20 =	sshll.u32 s7, $0x1;
	s7 =	sadd.s32 s21, s5  }
0xa3: {  	[timem:s9], [sflag:s22] =	dma.local [hbm:s7], s20  }
0xa4: {  	_ =	swait.ge [sflag:s22], s20  }
0xa5: {  	s6 =	ssub.s32 $0x0, s20;
	[sflag:s22] =	ssyncset.done $0x0  }
0xa6: {  	[sflag:s22] =	ssyncadd.s32 s6;
	_ =	sdelay $0x1  }
0xa7: {  	s23 =	simm.s32 $0x1B8B  }
0xa8: {  	_ =	swait.ge [sflag:s23], $0x1  }
0xa9: {  	[sflag:s23] =	ssyncset.done $0x0  }
0xaa: {  	s25 =	simm.s32 $0x1B8E;
	s24 =	sld [smem:$0x3FFE];
	[sflag:s23] =	ssyncadd.s32 $0xFFFFFFFF  }
0xab: {  	s26 =	simm.s32 $execute0_lowered;
	[smem:$0x3FD2] =	sst s25  }
0xac: {  	s7 =	sshll.u32 s26, $0x1;
	_ =	strace $0x80000049;
	[dreg:$0x1] =	wrdreg $0xFFFFFFFF  }
0xad: {  	s28 =	simm.s32 $_size_execute0_lowered;
	s5 =	sadd.s32 s5, s7;
	[dreg:$0x0] =	wrdreg $0x0  }
0xae: {  	s7 =	sshll.u32 s28, $0x1;
	[dreg:$0x2] =	wrdreg s5  }
0xaf: {  	[dreg:$0x3] =	wrdreg s7  }
0xb0: {  	[dreg:$0x4] =	wrdreg $0xC0  }
0xb1: {  	_ =	task [dreg:s9], $0x5FFFF  }
0xb2: {  	[dreg:$0x1] =	wrdreg $0xFFFFFFFF  }
0xb3: {  	[dreg:$0x0] =	wrdreg $0x60  }
0xb4: {  	[dreg:$0x2] =	wrdreg s24  }
0xb5: {  	[dreg:$0x3] =	wrdreg s18  }
0xb6: {  	[dreg:$0x4] =	wrdreg s17  }
0xb7: {  	[dreg:$0x5] =	wrdreg s16  }
0xb8: {  	[dreg:$0x6] =	wrdreg $0x30000  }
0xb9: {  	[dreg:$0x7] =	wrdreg $0x9  }
0xba: {  	_ =	task.clear_ibuf [dreg:s9], $0x8FFFF;
	_ =	strace $0x90000049  }
0xbb: {  	s29 =	simm.s32 $0x9;
	_ =	strace $0x8000004B  }
0xbc: {  	_ =	swait.ge [sflag:s29], $0x1  }
0xbd: {  	[sflag:s29] =	ssyncadd.s32 $0xFFFFFFFF  }
0xbe: {  	_ =	strace $0x9000004B  }
0xbf: {  	_ =	sfence  }
0xc0: {  	s30 =	sld [smem:$0x0];
	_ =	sdelay $0x2  }
0xc1: {  	s31 =	sshll.u32 s1, $0xD;
	s1 =	sshrl.u32 s1, $0x2  }
0xc2: {  	s3 =	sand.u32 $0x4000, s31;
	s1 =	sadd.s32 s1, s30  }
0xc3: {  	s0 =	sor.u32 s3, s0;
	s1 =	sshll.u32 s1, $0x11  }
0xc4: {  	s0 =	sor.u32 s1, s0  }
0xc5: {  	s0 =	sadd.s32 $0x8F2B, s0  }
0xc6: {  	[sflag:s0] =	ssyncadd.remote.s32 $0x1  }
0xc7: {  	_ =	sfence.sel $0xFFFF  }
0xc8: {  	[dreg:$0x0] =	wrdreg $0xFFFFFFFF;
	(pc) =	sbr.abs _section_cstart, $3  }
0xc9: {  	[dreg:$0x1] =	wrdreg $0xFFFFFFFF  }
0xca: {  	_ =	task.clear_ibuf [dreg:s9], $0x2FFFF;
	_ =	strace $0x9FFFFFFF  }
0xcb: {  	(tm) =	ssettm $0x7FFFFFFF  }
tec
execute0_lowered:
.L_overlay_start_1:
0x0: {  	(tag) =	ssettag $0x1  }
0x1: {  	s4 =	rddreg [dreg:$0x0]  }
0x2: {  	s0 =	rddreg [dreg:$0x1]  }
0x3: {  	s1 =	rddreg [dreg:$0x2]  }
0x4: {  	s2 =	srdreg.scid;
	s16 =	stileid.u32  }
0x5: {  	s3 =	simm.s32 $0x0;
	s28 =	simm.s32 $0x400;
	s29 =	simm.s32 $0x50  }
0x6: {  	s30 =	simm.s32 $0x1;
	s5 =	sand.u32 $0x1, s2;
	s2 =	rddreg [dreg:$0x4]  }
0x7: {  	s31 =	simm.s32 $0x80;
	s8 =	smul.u32 $0x14000, s16;
	[smem:$0x7FF] =	sst s3  }
0x8: {  	s9 =	sadd.s32 $0x2A200, s4;
	s6 =	ssub.s32 $0x2, s5;
	s13 =	smul.u32 $0x140000, s5  }
0x9: {  	s5 =	smul.u32 $0x6400, s5;
	s7 =	sshrl.u32 s6, $0x1;
	s10 =	sor.u32 $0x2800, s8  }
0xa: {  	s11 =	sadd.s32 $0x5000, s8;
	s12 =	sadd.s32 $0x7800, s8;
	s18 =	sadd.s32 $0xA000, s8  }
0xb: {  	s19 =	sadd.s32 $0xC800, s8;
	s20 =	sadd.s32 $0xF000, s8;
	s21 =	sadd.s32 $0x11800, s8  }
0xc: {  	s6 =	ssub.s32 s6, s7;
	s7 =	smul.u32 $0x50000, s16;
	s8 =	sadd.s32 s8, s13  }
0xd: {  	s14 =	sadd.s32 s13, s10;
	s15 =	sadd.s32 s13, s11;
	s24 =	sadd.s32 s13, s12  }
0xe: {  	s25 =	sadd.s32 s13, s18;
	s26 =	sadd.s32 s13, s19;
	s11 =	sadd.s32 s11, s2  }
0xf: {  	s12 =	sadd.s32 s12, s2;
	s8 =	sshrl.u32 s8, $0x3;
	s14 =	sshrl.u32 s14, $0x3  }
0x10: {  	s15 =	sshrl.u32 s15, $0x3;
	s8 =	sadd.s32 s9, s8;
	s22 =	sadd.s32 s9, s14  }
0x11: {  	s23 =	sadd.s32 s9, s15;
	s14 =	sshrl.u32 s25, $0x3;
	[dreg:$0x6] =	wrdreg s8  }
0x12: {  	s15 =	sshrl.u32 s26, $0x3;
	s7 =	sshrl.u32 s7, $0x2;
	[dreg:$0x7] =	wrdreg s22  }
0x13: {  	s26 =	smax.u32 s6, $0x1;
	s6 =	simm.s32 $0x200;
	[dreg:$0x8] =	wrdreg s23  }
0x14: {  	s8 =	sshrl.u32 s24, $0x3;
	s14 =	sadd.s32 s9, s14;
	s17 =	sadd.s32 s9, s15  }
0x15: {  	s22 =	sadd.s32 s13, s20;
	s13 =	sadd.s32 s13, s21;
	s23 =	smul.u32 $0xC800, s16  }
0x16: {  	s15 =	sadd.s32 s18, s2;
	s16 =	sadd.s32 s19, s2;
	[dreg:$0xa] =	wrdreg s14  }
0x17: {  	s18 =	sadd.s32 s21, s2;
	s8 =	sadd.s32 s9, s8;
	[dreg:$0xb] =	wrdreg s17  }
0x18: {  	s13 =	sshrl.u32 s13, $0x3;
	s14 =	sadd.s32 s7, s2;
	s17 =	sadd.s32 s20, s2  }
0x19: {  	s7 =	simm.s32 $0x600;
	[dreg:$0x9] =	wrdreg s8;
	s8 =	sshrl.u32 s22, $0x3  }
0x1a: {  	s24 =	sadd.s32 s9, s13;
	s5 =	sadd.s32 s5, s23;
	s13 =	sadd.s32 $0x2200, s4  }
0x1b: {  	s22 =	sadd.s32 s10, s2;
	s10 =	simm.s32 $0x480;
	s4 =	simm.s32 $0x180  }
0x1c: {  	s8 =	sadd.s32 s9, s8;
	[dreg:$0xd] =	wrdreg s24;
	s25 =	sshrl.u32 s5, $0x3  }
0x1d: {  	s5 =	simm.s32 $0x580;
	[dreg:$0xc] =	wrdreg s8;
	s23 =	sadd.s32 s25, s1  }
0x1e: {  	s24 =	sadd.s32 s25, s0;
	s25 =	simm.s32 $0x800;
	s0 =	simm.s32 $0x100  }
0x1f: {  	s1 =	simm.s32 $0x500;
	_ =	strace $0x8000004A;
	[dreg:$0xf] =	wrdreg s26  }
0x20: {  	s8 =	simm.s32 $0x0;
	s26 =	simm.s32 $0x2;
	[dreg:$0xe] =	wrdreg s18  }
.LBB2_1:
0x21: {  	s9 =	rddreg [dreg:$0x3]  }
0x22: {  	[tilespmem:s25], [sflag:$0x2] =	stream.linear.gather [hbm4b:s9+s3], $0x2800, $0x38;
	[tilespmem:$0x17000] =	vst v63  }
0x23: {  	_ =	swait.ge [sflag:s26], $0x2800  }
0x24: {  	[sflag:s26] =	ssyncset.done $0x0  }
0x25: {  	[sflag:s26] =	ssyncadd.s32 $0xFFFFD800  }
0x26: {  	[spmem:s14] =	stream.linear.scatter [tilespmem:s25], [sflag:$0x2], $0x2800, $0x38;
	[tilespmem:$0x17000] =	vst v63  }
0x27: {  	_ =	swait.ge [sflag:s26], $0x2800  }
0x28: {  	[sflag:s26] =	ssyncset.done $0x0  }
0x29: {  	[sflag:s26] =	ssyncadd.s32 $0xFFFFD800  }
0x2a: {  	[spmem:s22] =	stream.linear.scatter [tilespmem:s25], [sflag:$0x2], $0x2800, $0x38;
	[tilespmem:$0x17000] =	vst v63  }
0x2b: {  	_ =	swait.ge [sflag:s26], $0x2800  }
0x2c: {  	[sflag:s26] =	ssyncset.done $0x0  }
0x2d: {  	[sflag:s26] =	ssyncadd.s32 $0xFFFFD800  }
0x2e: {  	[spmem:s11] =	stream.linear.scatter [tilespmem:s25], [sflag:$0x2], $0x2800, $0x38;
	[tilespmem:$0x17000] =	vst v63  }
0x2f: {  	_ =	swait.ge [sflag:s26], $0x2800  }
0x30: {  	[sflag:s26] =	ssyncset.done $0x0  }
0x31: {  	[sflag:s26] =	ssyncadd.s32 $0xFFFFD800  }
0x32: {  	[spmem:s12] =	stream.linear.scatter [tilespmem:s25], [sflag:$0x2], $0x2800, $0x38;
	[tilespmem:$0x17000] =	vst v63  }
0x33: {  	_ =	swait.ge [sflag:s26], $0x2800  }
0x34: {  	[sflag:s26] =	ssyncset.done $0x0  }
0x35: {  	s20 =	smov.u32 s15;
	[sflag:s26] =	ssyncadd.s32 $0xFFFFD800  }
0x36: {  	[spmem:s20] =	stream.linear.scatter [tilespmem:s25], [sflag:$0x2], $0x2800, $0x38;
	[tilespmem:$0x17000] =	vst v63  }
0x37: {  	_ =	swait.ge [sflag:s26], $0x2800  }
0x38: {  	[sflag:s26] =	ssyncset.done $0x0  }
0x39: {  	s21 =	smov.u32 s16;
	[sflag:s26] =	ssyncadd.s32 $0xFFFFD800  }
0x3a: {  	[spmem:s21] =	stream.linear.scatter [tilespmem:s25], [sflag:$0x2], $0x2800, $0x38;
	[tilespmem:$0x17000] =	vst v63  }
0x3b: {  	_ =	swait.ge [sflag:s26], $0x2800  }
0x3c: {  	[sflag:s26] =	ssyncset.done $0x0  }
0x3d: {  	s16 =	smov.u32 s22;
	s22 =	smov.u32 s17;
	[sflag:s26] =	ssyncadd.s32 $0xFFFFD800  }
0x3e: {  	[spmem:s22] =	stream.linear.scatter [tilespmem:s25], [sflag:$0x2], $0x2800, $0x38;
	[tilespmem:$0x17000] =	vst v63  }
0x3f: {  	_ =	swait.ge [sflag:s26], $0x2800  }
0x40: {  	[sflag:s26] =	ssyncset.done $0x0  }
0x41: {  	s17 =	smov.u32 s11;
	s11 =	smov.u32 s18;
	[sflag:s26] =	ssyncadd.s32 $0xFFFFD800  }
0x42: {  	[spmem:s11] =	stream.linear.scatter [tilespmem:s25], [sflag:$0x2], $0x2800, $0x38;
	[tilespmem:$0x17000] =	vst v63  }
0x43: {  	_ =	swait.ge [sflag:s26], $0x2800  }
0x44: {  	[sflag:s26] =	ssyncset.done $0x0  }
0x45: {  	[sflag:s26] =	ssyncadd.s32 $0xFFFFD800  }
0x46: {  	s15 =	smov.u32 s14;
	s14 =	sadd.s32 $0x0, s24;
	[bflag:$0x0] =	sbarrier.arrive $0xFFFF  }
0x47: {  	[tilespmem:s3], [sflag:$0x2] =	stream.linear.gather [hbm4b:s14+s3], $0x280, $0x38;
	[tilespmem:$0x17000] =	vst v63  }
0x48: {  	_ =	swait.ge [sflag:s26], $0x280  }
0x49: {  	s19 =	smov.u32 s20;
	s20 =	smov.u32 s21;
	[sflag:s26] =	ssyncset.done $0x0  }
0x4a: {  	s21 =	smov.u32 s22;
	s22 =	sadd.s32 $0x0, s23;
	[sflag:s26] =	ssyncadd.s32 $0xFFFFFD80  }
0x4b: {  	[tilespmem:s28], [sflag:$0x2] =	stream.linear.gather [hbm4b:s22+s3], $0x280, $0x38;
	[tilespmem:$0x17000] =	vst v63  }
0x4c: {  	_ =	swait.ge [sflag:s26], $0x280  }
0x4d: {  	[sflag:s26] =	ssyncset.done $0x0  }
0x4e: {  	[sflag:s26] =	ssyncadd.s32 $0xFFFFFD80  }
0x4f: {  	[tilespmem:s25], [sflag:$0x1] =	stream.indirect.gather [hbm4b:s13+s29], $0x80, s3, s29, $0xb8;
	[tilespmem:$0x17000] =	vst v63  }
0x50: {  	_ =	swait.ge [sflag:s30], $0x2800  }
0x51: {  	[sflag:s30] =	ssyncset.done $0x0  }
0x52: {  	[sflag:s30] =	ssyncadd.s32 $0xFFFFD800  }
0x53: {  	[spmem:s2] =	stream.indirect.scatter.add.f32 [tilespmem:s25], [sflag:$0x2], $0x80, s28, s29, $0xb8;
	[tilespmem:$0x17000] =	vst v63  }
0x54: {  	_ =	swait.ge [sflag:s26], $0x2800  }
0x55: {  	[sflag:s26] =	ssyncset.done $0x0  }
0x56: {  	[sflag:s26] =	ssyncadd.s32 $0xFFFFD800  }
0x57: {  	[tilespmem:s25], [sflag:$0x1] =	stream.indirect.gather [hbm4b:s13+s29], $0x80, s31, s29, $0xb8;
	[tilespmem:$0x17000] =	vst v63  }
0x58: {  	_ =	swait.ge [sflag:s30], $0x2800  }
0x59: {  	[sflag:s30] =	ssyncset.done $0x0  }
0x5a: {  	[sflag:s30] =	ssyncadd.s32 $0xFFFFD800  }
0x5b: {  	[spmem:s2] =	stream.indirect.scatter.add.f32 [tilespmem:s25], [sflag:$0x2], $0x80, s10, s29, $0xb8;
	[tilespmem:$0x17000] =	vst v63  }
0x5c: {  	_ =	swait.ge [sflag:s26], $0x2800  }
0x5d: {  	[sflag:s26] =	ssyncset.done $0x0  }
0x5e: {  	[sflag:s26] =	ssyncadd.s32 $0xFFFFD800  }
0x5f: {  	[tilespmem:s25], [sflag:$0x1] =	stream.indirect.gather [hbm4b:s13+s29], $0x80, s0, s29, $0xb8;
	[tilespmem:$0x17000] =	vst v63  }
0x60: {  	_ =	swait.ge [sflag:s30], $0x2800  }
0x61: {  	[sflag:s30] =	ssyncset.done $0x0  }
0x62: {  	[sflag:s30] =	ssyncadd.s32 $0xFFFFD800  }
0x63: {  	[spmem:s2] =	stream.indirect.scatter.add.f32 [tilespmem:s25], [sflag:$0x2], $0x80, s1, s29, $0xb8;
	[tilespmem:$0x17000] =	vst v63  }
0x64: {  	_ =	swait.ge [sflag:s26], $0x2800  }
0x65: {  	[sflag:s26] =	ssyncset.done $0x0  }
0x66: {  	[sflag:s26] =	ssyncadd.s32 $0xFFFFD800  }
0x67: {  	[tilespmem:s25], [sflag:$0x1] =	stream.indirect.gather [hbm4b:s13+s29], $0x80, s4, s29, $0xb8;
	[tilespmem:$0x17000] =	vst v63  }
0x68: {  	_ =	swait.ge [sflag:s30], $0x2800  }
0x69: {  	[sflag:s30] =	ssyncset.done $0x0  }
0x6a: {  	[sflag:s30] =	ssyncadd.s32 $0xFFFFD800  }
0x6b: {  	[spmem:s2] =	stream.indirect.scatter.add.f32 [tilespmem:s25], [sflag:$0x2], $0x80, s5, s29, $0xb8;
	[tilespmem:$0x17000] =	vst v63  }
0x6c: {  	_ =	swait.ge [sflag:s26], $0x2800  }
0x6d: {  	[sflag:s26] =	ssyncset.done $0x0  }
0x6e: {  	[sflag:s26] =	ssyncadd.s32 $0xFFFFD800  }
0x6f: {  	[tilespmem:s25], [sflag:$0x1] =	stream.indirect.gather [hbm4b:s13+s29], $0x80, s6, s29, $0xb8;
	[tilespmem:$0x17000] =	vst v63  }
0x70: {  	_ =	swait.ge [sflag:s30], $0x2800  }
0x71: {  	[sflag:s30] =	ssyncset.done $0x0  }
0x72: {  	[sflag:s30] =	ssyncadd.s32 $0xFFFFD800  }
0x73: {  	[spmem:s2] =	stream.indirect.scatter.add.f32 [tilespmem:s25], [sflag:$0x2], $0x80, s7, s29, $0xb8;
	[tilespmem:$0x17000] =	vst v63  }
0x74: {  	s9 =	simm.s32 $0x80;
	_ =	swait.ge [sflag:s26], $0x2800  }
0x75: {  	s18 =	smov.u32 s12;
	s11 =	simm.s32 $0x100;
	[sflag:s26] =	ssyncset.done $0x0  }
.LBB2_2:
0x76: {  	s22 =	sadd.s32 s9, s24  }
0x77: {  	[sflag:s26] =	ssyncadd.s32 $0xFFFFD800;
	s14 =	smov.u32 s11;
	s12 =	sadd.s32 $0x80, s11  }
0x78: {  	[tilespmem:s3], [sflag:$0x2] =	stream.linear.gather [hbm4b:s22+s3], $0x280, $0x38;
	[tilespmem:$0x17000] =	vst v63  }
0x79: {  	p0 =	sne.s32 s11, $0xC00;
	_ =	swait.ge [sflag:s26], $0x280  }
0x7a: {  	[sflag:s26] =	ssyncset.done $0x0  }
0x7b: {  	s11 =	sadd.s32 s9, s23;
	s9 =	smov.u32 s14;
	[sflag:s26] =	ssyncadd.s32 $0xFFFFFD80  }
0x7c: {  	[tilespmem:s28], [sflag:$0x2] =	stream.linear.gather [hbm4b:s11+s3], $0x280, $0x38;
	[tilespmem:$0x17000] =	vst v63  }
0x7d: {  	_ =	swait.ge [sflag:s26], $0x280  }
0x7e: {  	[sflag:s26] =	ssyncset.done $0x0  }
0x7f: {  	[sflag:s26] =	ssyncadd.s32 $0xFFFFFD80  }
0x80: {  	[tilespmem:s25], [sflag:$0x1] =	stream.indirect.gather [hbm4b:s13+s29], $0x80, s3, s29, $0xb8;
	[tilespmem:$0x17000] =	vst v63  }
0x81: {  	_ =	swait.ge [sflag:s30], $0x2800  }
0x82: {  	[sflag:s30] =	ssyncset.done $0x0  }
0x83: {  	[sflag:s30] =	ssyncadd.s32 $0xFFFFD800  }
0x84: {  	[spmem:s2] =	stream.indirect.scatter.add.f32 [tilespmem:s25], [sflag:$0x2], $0x80, s28, s29, $0xb8;
	[tilespmem:$0x17000] =	vst v63  }
0x85: {  	_ =	swait.ge [sflag:s26], $0x2800  }
0x86: {  	[sflag:s26] =	ssyncset.done $0x0  }
0x87: {  	[sflag:s26] =	ssyncadd.s32 $0xFFFFD800  }
0x88: {  	[tilespmem:s25], [sflag:$0x1] =	stream.indirect.gather [hbm4b:s13+s29], $0x80, s31, s29, $0xb8;
	[tilespmem:$0x17000] =	vst v63  }
0x89: {  	_ =	swait.ge [sflag:s30], $0x2800  }
0x8a: {  	[sflag:s30] =	ssyncset.done $0x0  }
0x8b: {  	[sflag:s30] =	ssyncadd.s32 $0xFFFFD800  }
0x8c: {  	[spmem:s2] =	stream.indirect.scatter.add.f32 [tilespmem:s25], [sflag:$0x2], $0x80, s10, s29, $0xb8;
	[tilespmem:$0x17000] =	vst v63  }
0x8d: {  	_ =	swait.ge [sflag:s26], $0x2800  }
0x8e: {  	[sflag:s26] =	ssyncset.done $0x0  }
0x8f: {  	[sflag:s26] =	ssyncadd.s32 $0xFFFFD800  }
0x90: {  	[tilespmem:s25], [sflag:$0x1] =	stream.indirect.gather [hbm4b:s13+s29], $0x80, s0, s29, $0xb8;
	[tilespmem:$0x17000] =	vst v63  }
0x91: {  	_ =	swait.ge [sflag:s30], $0x2800  }
0x92: {  	[sflag:s30] =	ssyncset.done $0x0  }
0x93: {  	[sflag:s30] =	ssyncadd.s32 $0xFFFFD800  }
0x94: {  	[spmem:s2] =	stream.indirect.scatter.add.f32 [tilespmem:s25], [sflag:$0x2], $0x80, s1, s29, $0xb8;
	[tilespmem:$0x17000] =	vst v63  }
0x95: {  	_ =	swait.ge [sflag:s26], $0x2800  }
0x96: {  	[sflag:s26] =	ssyncset.done $0x0  }
0x97: {  	[sflag:s26] =	ssyncadd.s32 $0xFFFFD800  }
0x98: {  	[tilespmem:s25], [sflag:$0x1] =	stream.indirect.gather [hbm4b:s13+s29], $0x80, s4, s29, $0xb8;
	[tilespmem:$0x17000] =	vst v63  }
0x99: {  	_ =	swait.ge [sflag:s30], $0x2800  }
0x9a: {  	[sflag:s30] =	ssyncset.done $0x0  }
0x9b: {  	[sflag:s30] =	ssyncadd.s32 $0xFFFFD800  }
0x9c: {  	[spmem:s2] =	stream.indirect.scatter.add.f32 [tilespmem:s25], [sflag:$0x2], $0x80, s5, s29, $0xb8;
	[tilespmem:$0x17000] =	vst v63  }
0x9d: {  	_ =	swait.ge [sflag:s26], $0x2800  }
0x9e: {  	[sflag:s26] =	ssyncset.done $0x0  }
0x9f: {  	[sflag:s26] =	ssyncadd.s32 $0xFFFFD800  }
0xa0: {  	[tilespmem:s25], [sflag:$0x1] =	stream.indirect.gather [hbm4b:s13+s29], $0x80, s6, s29, $0xb8;
	[tilespmem:$0x17000] =	vst v63  }
0xa1: {  	_ =	swait.ge [sflag:s30], $0x2800  }
.Ltmp0:
0xa2: {  	[sflag:s30] =	ssyncset.done $0x0;
	(pc) =	sbr.rel @p0 .LBB2_2-.Ltmp0, $4  }
0xa3: {  	[sflag:s30] =	ssyncadd.s32 $0xFFFFD800  }
0xa4: {  	[spmem:s2] =	stream.indirect.scatter.add.f32 [tilespmem:s25], [sflag:$0x2], $0x80, s7, s29, $0xb8;
	[tilespmem:$0x17000] =	vst v63  }
0xa5: {  	_ =	swait.ge [sflag:s26], $0x2800  }
0xa6: {  	s11 =	smov.u32 s12;
	[sflag:s26] =	ssyncset.done $0x0  }
0xa7: {  	s11 =	sadd.s32 s9, s24;
	[sflag:s26] =	ssyncadd.s32 $0xFFFFD800  }
0xa8: {  	[tilespmem:s3], [sflag:$0x2] =	stream.linear.gather [hbm4b:s11+s3], $0x280, $0x38;
	[tilespmem:$0x17000] =	vst v63  }
0xa9: {  	_ =	swait.ge [sflag:s26], $0x280  }
0xaa: {  	[sflag:s26] =	ssyncset.done $0x0  }
0xab: {  	s22 =	sadd.s32 s9, s23;
	[sflag:s26] =	ssyncadd.s32 $0xFFFFFD80  }
0xac: {  	[tilespmem:s28], [sflag:$0x2] =	stream.linear.gather [hbm4b:s22+s3], $0x280, $0x38;
	[tilespmem:$0x17000] =	vst v63  }
0xad: {  	_ =	swait.ge [sflag:s26], $0x280  }
0xae: {  	[sflag:s26] =	ssyncset.done $0x0  }
0xaf: {  	[sflag:s26] =	ssyncadd.s32 $0xFFFFFD80  }
0xb0: {  	[tilespmem:s25], [sflag:$0x1] =	stream.indirect.gather [hbm4b:s13+s29], $0x80, s3, s29, $0xb8;
	[tilespmem:$0x17000] =	vst v63  }
0xb1: {  	_ =	swait.ge [sflag:s30], $0x2800  }
0xb2: {  	[sflag:s30] =	ssyncset.done $0x0  }
0xb3: {  	[sflag:s30] =	ssyncadd.s32 $0xFFFFD800  }
0xb4: {  	[spmem:s2] =	stream.indirect.scatter.add.f32 [tilespmem:s25], [sflag:$0x2], $0x80, s28, s29, $0xb8;
	[tilespmem:$0x17000] =	vst v63  }
0xb5: {  	_ =	swait.ge [sflag:s26], $0x2800  }
0xb6: {  	[sflag:s26] =	ssyncset.done $0x0  }
0xb7: {  	[sflag:s26] =	ssyncadd.s32 $0xFFFFD800  }
0xb8: {  	[tilespmem:s25], [sflag:$0x1] =	stream.indirect.gather [hbm4b:s13+s29], $0x80, s31, s29, $0xb8;
	[tilespmem:$0x17000] =	vst v63  }
0xb9: {  	_ =	swait.ge [sflag:s30], $0x2800  }
0xba: {  	[sflag:s30] =	ssyncset.done $0x0  }
0xbb: {  	[sflag:s30] =	ssyncadd.s32 $0xFFFFD800  }
0xbc: {  	[spmem:s2] =	stream.indirect.scatter.add.f32 [tilespmem:s25], [sflag:$0x2], $0x80, s10, s29, $0xb8;
	[tilespmem:$0x17000] =	vst v63  }
0xbd: {  	_ =	swait.ge [sflag:s26], $0x2800  }
0xbe: {  	[sflag:s26] =	ssyncset.done $0x0  }
0xbf: {  	[sflag:s26] =	ssyncadd.s32 $0xFFFFD800  }
0xc0: {  	[tilespmem:s25], [sflag:$0x1] =	stream.indirect.gather [hbm4b:s13+s29], $0x80, s0, s29, $0xb8;
	[tilespmem:$0x17000] =	vst v63  }
0xc1: {  	_ =	swait.ge [sflag:s30], $0x2800  }
0xc2: {  	[sflag:s30] =	ssyncset.done $0x0  }
0xc3: {  	[sflag:s30] =	ssyncadd.s32 $0xFFFFD800  }
0xc4: {  	[spmem:s2] =	stream.indirect.scatter.add.f32 [tilespmem:s25], [sflag:$0x2], $0x80, s1, s29, $0xb8;
	[tilespmem:$0x17000] =	vst v63  }
0xc5: {  	_ =	swait.ge [sflag:s26], $0x2800  }
0xc6: {  	[sflag:s26] =	ssyncset.done $0x0  }
0xc7: {  	[sflag:s26] =	ssyncadd.s32 $0xFFFFD800  }
0xc8: {  	[tilespmem:s25], [sflag:$0x1] =	stream.indirect.gather [hbm4b:s13+s29], $0x80, s4, s29, $0xb8;
	[tilespmem:$0x17000] =	vst v63  }
0xc9: {  	_ =	swait.ge [sflag:s30], $0x2800  }
0xca: {  	[sflag:s30] =	ssyncset.done $0x0  }
0xcb: {  	[sflag:s30] =	ssyncadd.s32 $0xFFFFD800  }
0xcc: {  	[spmem:s2] =	stream.indirect.scatter.add.f32 [tilespmem:s25], [sflag:$0x2], $0x80, s5, s29, $0xb8;
	[tilespmem:$0x17000] =	vst v63  }
0xcd: {  	_ =	swait.ge [sflag:s26], $0x2800  }
0xce: {  	[sflag:s26] =	ssyncset.done $0x0  }
0xcf: {  	[sflag:s26] =	ssyncadd.s32 $0xFFFFD800  }
0xd0: {  	[tilespmem:s25], [sflag:$0x1] =	stream.indirect.gather [hbm4b:s13+s29], $0x80, s6, s29, $0xb8;
	[tilespmem:$0x17000] =	vst v63  }
0xd1: {  	_ =	swait.ge [sflag:s30], $0x2800  }
0xd2: {  	[sflag:s30] =	ssyncset.done $0x0  }
0xd3: {  	[sflag:s30] =	ssyncadd.s32 $0xFFFFD800  }
0xd4: {  	[spmem:s2] =	stream.indirect.scatter.add.f32 [tilespmem:s25], [sflag:$0x2], $0x80, s7, s29, $0xb8;
	[tilespmem:$0x17000] =	vst v63  }
0xd5: {  	_ =	swait.ge [sflag:s26], $0x2800  }
0xd6: {  	[sflag:s26] =	ssyncset.done $0x0  }
0xd7: {  	[sflag:s26] =	ssyncadd.s32 $0xFFFFD800  }
0xd8: {  	[bflag:$0x0] =	sbarrier.arrive $0xFFFF  }
0xd9: {  	[tilespmem:s25], [sflag:$0x2] =	stream.linear.gather [spmem:s15], $0x2800, $0x38;
	[tilespmem:$0x17000] =	vst v63  }
0xda: {  	_ =	swait.ge [sflag:s26], $0x2800  }
0xdb: {  	[sflag:s26] =	ssyncset.done $0x0  }
0xdc: {  	s11 =	rddreg [dreg:$0x6];
	[sflag:s26] =	ssyncadd.s32 $0xFFFFD800  }
0xdd: {  	[hbm4b:s11+s3] =	stream.linear.scatter [tilespmem:s25], [sflag:$0x2], $0x2800, $0x38;
	[tilespmem:$0x17000] =	vst v63  }
0xde: {  	_ =	swait.ge [sflag:s26], $0x2800  }
0xdf: {  	[sflag:s26] =	ssyncset.done $0x0  }
0xe0: {  	[sflag:s26] =	ssyncadd.s32 $0xFFFFD800  }
0xe1: {  	[tilespmem:s25], [sflag:$0x2] =	stream.linear.gather [spmem:s16], $0x2800, $0x38;
	[tilespmem:$0x17000] =	vst v63  }
0xe2: {  	_ =	swait.ge [sflag:s26], $0x2800  }
0xe3: {  	[sflag:s26] =	ssyncset.done $0x0  }
0xe4: {  	s12 =	rddreg [dreg:$0x7];
	[sflag:s26] =	ssyncadd.s32 $0xFFFFD800  }
0xe5: {  	[hbm4b:s12+s3] =	stream.linear.scatter [tilespmem:s25], [sflag:$0x2], $0x2800, $0x38;
	[tilespmem:$0x17000] =	vst v63  }
0xe6: {  	_ =	swait.ge [sflag:s26], $0x2800  }
0xe7: {  	[sflag:s26] =	ssyncset.done $0x0  }
0xe8: {  	[sflag:s26] =	ssyncadd.s32 $0xFFFFD800  }
0xe9: {  	[tilespmem:s25], [sflag:$0x2] =	stream.linear.gather [spmem:s17], $0x2800, $0x38;
	[tilespmem:$0x17000] =	vst v63  }
0xea: {  	_ =	swait.ge [sflag:s26], $0x2800  }
0xeb: {  	[sflag:s26] =	ssyncset.done $0x0  }
0xec: {  	s14 =	smov.u32 s15;
	s15 =	rddreg [dreg:$0x8];
	[sflag:s26] =	ssyncadd.s32 $0xFFFFD800  }
0xed: {  	[hbm4b:s15+s3] =	stream.linear.scatter [tilespmem:s25], [sflag:$0x2], $0x2800, $0x38;
	[tilespmem:$0x17000] =	vst v63  }
0xee: {  	_ =	swait.ge [sflag:s26], $0x2800  }
0xef: {  	[sflag:s26] =	ssyncset.done $0x0  }
0xf0: {  	[sflag:s26] =	ssyncadd.s32 $0xFFFFD800  }
0xf1: {  	[tilespmem:s25], [sflag:$0x2] =	stream.linear.gather [spmem:s18], $0x2800, $0x38;
	[tilespmem:$0x17000] =	vst v63  }
0xf2: {  	_ =	swait.ge [sflag:s26], $0x2800  }
0xf3: {  	[sflag:s26] =	ssyncset.done $0x0  }
0xf4: {  	s22 =	smov.u32 s16;
	s16 =	rddreg [dreg:$0x9];
	[sflag:s26] =	ssyncadd.s32 $0xFFFFD800  }
0xf5: {  	[hbm4b:s16+s3] =	stream.linear.scatter [tilespmem:s25], [sflag:$0x2], $0x2800, $0x38;
	[tilespmem:$0x17000] =	vst v63  }
0xf6: {  	_ =	swait.ge [sflag:s26], $0x2800  }
0xf7: {  	[sflag:s26] =	ssyncset.done $0x0  }
0xf8: {  	[sflag:s26] =	ssyncadd.s32 $0xFFFFD800  }
0xf9: {  	[tilespmem:s25], [sflag:$0x2] =	stream.linear.gather [spmem:s19], $0x2800, $0x38;
	[tilespmem:$0x17000] =	vst v63  }
0xfa: {  	_ =	swait.ge [sflag:s26], $0x2800  }
0xfb: {  	[sflag:s26] =	ssyncset.done $0x0  }
0xfc: {  	s11 =	smov.u32 s17;
	s17 =	rddreg [dreg:$0xa];
	[sflag:s26] =	ssyncadd.s32 $0xFFFFD800  }
0xfd: {  	[hbm4b:s17+s3] =	stream.linear.scatter [tilespmem:s25], [sflag:$0x2], $0x2800, $0x38;
	[tilespmem:$0x17000] =	vst v63  }
0xfe: {  	_ =	swait.ge [sflag:s26], $0x2800  }
0xff: {  	[sflag:s26] =	ssyncset.done $0x0  }
0x100: {  	[sflag:s26] =	ssyncadd.s32 $0xFFFFD800  }
0x101: {  	[tilespmem:s25], [sflag:$0x2] =	stream.linear.gather [spmem:s20], $0x2800, $0x38;
	[tilespmem:$0x17000] =	vst v63  }
0x102: {  	_ =	swait.ge [sflag:s26], $0x2800  }
0x103: {  	[sflag:s26] =	ssyncset.done $0x0  }
0x104: {  	s12 =	smov.u32 s18;
	s18 =	rddreg [dreg:$0xb];
	[sflag:s26] =	ssyncadd.s32 $0xFFFFD800  }
0x105: {  	[hbm4b:s18+s3] =	stream.linear.scatter [tilespmem:s25], [sflag:$0x2], $0x2800, $0x38;
	[tilespmem:$0x17000] =	vst v63  }
0x106: {  	_ =	swait.ge [sflag:s26], $0x2800  }
0x107: {  	[sflag:s26] =	ssyncset.done $0x0  }
0x108: {  	[sflag:s26] =	ssyncadd.s32 $0xFFFFD800  }
0x109: {  	[tilespmem:s25], [sflag:$0x2] =	stream.linear.gather [spmem:s21], $0x2800, $0x38;
	[tilespmem:$0x17000] =	vst v63  }
0x10a: {  	_ =	swait.ge [sflag:s26], $0x2800  }
0x10b: {  	[sflag:s26] =	ssyncset.done $0x0  }
0x10c: {  	s15 =	smov.u32 s19;
	s19 =	rddreg [dreg:$0xc];
	[sflag:s26] =	ssyncadd.s32 $0xFFFFD800  }
0x10d: {  	[hbm4b:s19+s3] =	stream.linear.scatter [tilespmem:s25], [sflag:$0x2], $0x2800, $0x38;
	[tilespmem:$0x17000] =	vst v63  }
0x10e: {  	_ =	swait.ge [sflag:s26], $0x2800  }
0x10f: {  	[sflag:s26] =	ssyncset.done $0x0  }
0x110: {  	s18 =	rddreg [dreg:$0xe];
	[sflag:s26] =	ssyncadd.s32 $0xFFFFD800  }
0x111: {  	[tilespmem:s25], [sflag:$0x2] =	stream.linear.gather [spmem:s18], $0x2800, $0x38;
	[tilespmem:$0x17000] =	vst v63  }
0x112: {  	_ =	swait.ge [sflag:s26], $0x2800  }
0x113: {  	[sflag:s26] =	ssyncset.done $0x0  }
0x114: {  	s16 =	smov.u32 s20;
	s20 =	rddreg [dreg:$0xd];
	[sflag:s26] =	ssyncadd.s32 $0xFFFFD800  }
0x115: {  	[hbm4b:s20+s3] =	stream.linear.scatter [tilespmem:s25], [sflag:$0x2], $0x2800, $0x38;
	[tilespmem:$0x17000] =	vst v63  }
0x116: {  	_ =	swait.ge [sflag:s26], $0x2800  }
0x117: {  	s8 =	sadd.s32 $0x1, s8;
	s17 =	smov.u32 s21;
	s21 =	rddreg [dreg:$0xf]  }
0x118: {  	p0 =	sne.s32 s8, s21  }
.Ltmp1:
0x119: {  	_ = 	snop;
	(pc) =	sbr.rel @p0 .LBB2_1-.Ltmp1, $3  }
0x11a: {  	_ =	sdelay $0x1  }
0x11b: {  	[sflag:s26] =	ssyncset.done $0x0  }
0x11c: {  	[sflag:s26] =	ssyncadd.s32 $0xFFFFD800  }
0x11d: {  	_ =	sfence.sel $0x180000  }
0x11e: {  	[bflag:$0x0] =	sbarrier.arrive $0xFFFF  }
0x11f: {  	_ =	strace $0x9000004A  }
0x120: {  	s0 =	stileid.u32;
	[bflag:$0x2] =	sbarrier.arrive $0xFFFF  }
0x121: {  	p0 =	sne.s32 s0, $0x0;
	s0 =	rddreg [dreg:$0x5]  }
0x122: {  	s0 =	sadd.s32 @!p0 $0x100000, s0  }
0x123: {  	[sflag:s0] =	ssyncadd.tile.s32 @!p0 $0x1;
	_ =	shalt  }
.Lfunc_end2:
_tile_overlayer_lowered:
.L_overlay_start_2:
0x124: {  	(tag) =	ssettag $0x2  }
0x125: {  	s0 =	rddreg [dreg:$0x0];
	s2 =	stileid.u32  }
0x126: {  	s1 =	rddreg [dreg:$0x1];
	p0 =	sne.s32 s2, $0x0  }
0x127: {  	s3 =	rddreg [dreg:$0x2];
	[bflag:$0x3] =	sbarrier.arrive $0xFFFF;
	s2 =	simm.s32 @!p0 $0x1C02  }
0x128: {  	[timem:s3], [sflag:s2] =	dma.local @!p0 [hbm:s0], s1  }
0x129: {  	s0 =	simm.s32 @!p0 $0x2  }
0x12a: {  	_ =	swait.ge @!p0 [sflag:s0], s1  }
0x12b: {  	s1 =	ssub.s32 @!p0 $0x0, s1;
	[sflag:s0] =	ssyncset.done @!p0 $0x0  }
0x12c: {  	[sflag:s0] =	ssyncadd.s32 @!p0 s1  }
0x12d: {  	[bflag:$0x3] =	sbarrier.arrive $0xFFFF  }
0x12e: {  	_ =	shalt  }

// kernel: kernel.14.cloned.1.call-start
scs
__scs_entry_jumppad:
0x0: {  	(pc) =	sbr.rel $0x88, $3  }
0x1: {  	(tag) =	ssettag $0x0;
	lr =	simm.s32 $0x1  }
0x2: {  	[smem:$0x3F99] =	sst lr;
	_ =	strace $0xD0000000  }
0x3: {  	_ = 	snop  }
0x4: {  	_ = 	snop  }
0x5: {  	_ = 	snop  }
0x6: {  	_ = 	snop  }
0x7: {  	_ = 	snop  }
__scs_overlays_trampoline_lowered:
0x8: {  	[smem:$0x3FA8] =	sst s0  }
0x9: {  	[smem:$0x3FA9] =	sst s1  }
0xa: {  	[smem:$0x3FAA] =	sst s2  }
0xb: {  	[smem:$0x3FAB] =	sst s3  }
0xc: {  	[smem:$0x3FAC] =	sst s4  }
0xd: {  	[smem:$0x3FAD] =	sst s5  }
0xe: {  	[smem:$0x3FAE] =	sst s6  }
0xf: {  	[smem:$0x3FAF] =	sst s7  }
0x10: {  	[smem:$0x3FB0] =	sst s8  }
0x11: {  	[smem:$0x3FB1] =	sst s9;
	s0 =	simm.s32 @!p0 $0x0  }
0x12: {  	s1 =	sld [smem:$0x3F97];
	s0 =	simm.s32 @p0 $0x1  }
0x13: {  	[smem:$0x3FB2] =	sst s0;
	s0 =	simm.s32 @!p1 $0x0  }
0x14: {  	s2 =	sld [smem:$0x3F96];
	s0 =	simm.s32 @p1 $0x1  }
0x15: {  	[smem:$0x3FB3] =	sst s0;
	s0 =	simm.s32 @!p2 $0x0  }
0x16: {  	s3 =	sld [smem:$0x3FDB];
	s0 =	simm.s32 @p2 $0x1  }
0x17: {  	s4 =	simm.s32 $0x1BF5;
	[smem:$0x3FB5] =	sst s0  }
0x18: {  	s0 =	sld [smem:$0x3F98];
	_ =	swait.ge [sflag:s4], $0x0  }
0x19: {  	s7 =	sld [smem:$0x3F99]  }
0x1a: {  	s8 =	sadd.s32 $0xFFFFE003, lr  }
0x1b: {  	s9 =	sadd.s32 $0xFFFFFEF7, lr;
	s5 =	simm.s32 $0xFFFFFFFF;
	p2 =	slt.u32 s8, $0xFFFFF086  }
0x1c: {  	p1 =	slt.u32 s9, $0xF7A;
	s5 =	simm.s32 @!p2 $0x0  }
0x1d: {  	s5 =	simm.s32 @p1 $0x1;
	p0 =	seq.s32 s7, s2  }
0x1e: {  	s7 =	smul.u32 @!p0 $0xF7A, s2;
	p2 =	seq.s32 @!p0 s5, $0x0  }
0x1f: {  	s9 =	smul.u32 $0xF7A, s1;
	s8 =	simm.s32 @!p0 $0x1BF5;
	p2 =	por !p2, p0  }
0x20: {  	[sflag:s8] =	ssyncset.s32 @!p0 $0xFFFFF086;
	s6 =	sadd.s32 @!p0 s3, s7;
	s7 =	simm.s32 @!p0 $0x108  }
0x21: {  	s3 =	sadd.s32 s3, s9;
	s6 =	sadd.s32 @!p0 $0x88, s6;
	s7 =	simm.s32 @p2 $0x1082  }
0x22: {  	[simem:s7], [sflag:s8] =	dma.local @!p0 [hbm:s6], $0xF7A  }
0x23: {  	s9 =	sor.u32 $0xD0000000, s2;
	s6 =	simm.s32 $0x108;
	_ =	swait.ge @!p0 [sflag:s8], $0x0  }
0x24: {  	s3 =	sadd.s32 $0x88, s3;
	s6 =	simm.s32 @!p1 $0x1082;
	[sflag:s4] =	ssyncset.s32 $0xFFFFF086  }
0x25: {  	[simem:s6], [sflag:s4] =	dma.local [hbm:s3], $0xF7A  }
0x26: {  	[smem:$0x3F99] =	sst s1;
	(tag) =	ssettag s2;
	_ =	strace s9  }
0x27: {  	s1 =	sld [smem:$0x3FA9]  }
0x28: {  	s2 =	sld [smem:$0x3FAA]  }
0x29: {  	s4 =	sld [smem:$0x3FAC]  }
0x2a: {  	p0 =	seq.s32 s5, $0x0;
	s5 =	sld [smem:$0x3FAD]  }
0x2b: {  	s6 =	sld [smem:$0x3FAE]  }
0x2c: {  	s7 =	sld [smem:$0x3FAF]  }
0x2d: {  	s3 =	simm.s32 $0x108;
	s8 =	sld [smem:$0x3FB0]  }
0x2e: {  	s3 =	simm.s32 @!p0 $0x1082;
	s9 =	sld [smem:$0x3FB1]  }
0x2f: {  	lr =	sadd.s32 s0, s3;
	s0 =	sld [smem:$0x3FA8]  }
0x30: {  	s3 =	sld [smem:$0x3FAB]  }
0x31: {  	[smem:$0x3FB4] =	sst s10  }
0x32: {  	s10 =	sld [smem:$0x3FB2];
	_ =	sdelay $0x3  }
0x33: {  	p0 =	seq.s32 s10, $0x1;
	s10 =	sld [smem:$0x3FB4];
	_ =	sdelay $0x3  }
0x34: {  	[smem:$0x3FB4] =	sst s10  }
0x35: {  	s10 =	sld [smem:$0x3FB3];
	_ =	sdelay $0x3  }
0x36: {  	p1 =	seq.s32 s10, $0x1;
	s10 =	sld [smem:$0x3FB4];
	_ =	sdelay $0x3  }
0x37: {  	[smem:$0x3FB4] =	sst s10  }
0x38: {  	s10 =	sld [smem:$0x3FB5]  }
0x39: {  	_ = 	snop;
	(pc) =	sbr.ind lr, $3  }
0x3a: {  	_ = 	snop  }
0x3b: {  	_ = 	snop  }
0x3c: {  	p2 =	seq.s32 s10, $0x1;
	s10 =	sld [smem:$0x3FB4]  }
0x3d: {  	_ =	shalt  }
0x3e: {  	_ =	shalt  }
0x3f: {  	_ =	shalt  }
0x40: {  	_ =	shalt  }
0x41: {  	_ =	shalt  }
0x42: {  	_ =	shalt  }
0x43: {  	_ =	shalt  }
0x44: {  	_ =	shalt  }
0x45: {  	_ =	shalt  }
0x46: {  	_ =	shalt  }
0x47: {  	_ =	shalt  }
0x48: {  	_ =	shalt  }
0x49: {  	_ =	shalt  }
0x4a: {  	_ =	shalt  }
0x4b: {  	_ =	shalt  }
0x4c: {  	_ =	shalt  }
0x4d: {  	_ =	shalt  }
0x4e: {  	_ =	shalt  }
0x4f: {  	_ =	shalt  }
0x50: {  	_ =	shalt  }
0x51: {  	_ =	shalt  }
0x52: {  	_ =	shalt  }
0x53: {  	_ =	shalt  }
0x54: {  	_ =	shalt  }
0x55: {  	_ =	shalt  }
0x56: {  	_ =	shalt  }
0x57: {  	_ =	shalt  }
0x58: {  	_ =	shalt  }
0x59: {  	_ =	shalt  }
0x5a: {  	_ =	shalt  }
0x5b: {  	_ =	shalt  }
0x5c: {  	_ =	shalt  }
0x5d: {  	_ =	shalt  }
0x5e: {  	_ =	shalt  }
0x5f: {  	_ =	shalt  }
0x60: {  	_ =	shalt  }
0x61: {  	_ =	shalt  }
0x62: {  	_ =	shalt  }
0x63: {  	_ =	shalt  }
0x64: {  	_ =	shalt  }
0x65: {  	_ =	shalt  }
0x66: {  	_ =	shalt  }
0x67: {  	_ =	shalt  }
0x68: {  	_ =	shalt  }
0x69: {  	_ =	shalt  }
0x6a: {  	_ =	shalt  }
0x6b: {  	_ =	shalt  }
0x6c: {  	_ =	shalt  }
0x6d: {  	_ =	shalt  }
0x6e: {  	_ =	shalt  }
0x6f: {  	_ =	shalt  }
0x70: {  	_ =	shalt  }
0x71: {  	_ =	shalt  }
0x72: {  	_ =	shalt  }
0x73: {  	_ =	shalt  }
0x74: {  	_ =	shalt  }
0x75: {  	_ =	shalt  }
0x76: {  	_ =	shalt  }
0x77: {  	_ =	shalt  }
0x78: {  	_ =	shalt  }
0x79: {  	_ =	shalt  }
0x7a: {  	_ =	shalt  }
0x7b: {  	_ =	shalt  }
0x7c: {  	_ =	shalt  }
0x7d: {  	_ =	shalt  }
0x7e: {  	_ =	shalt  }
0x7f: {  	_ =	shalt  }
0x80: {  	_ =	shalt  }
0x81: {  	_ =	shalt  }
0x82: {  	_ =	shalt  }
0x83: {  	_ =	shalt  }
0x84: {  	_ =	shalt  }
0x85: {  	_ =	shalt  }
0x86: {  	_ =	shalt  }
0x87: {  	_ =	shalt  }
.Lfunc_end0:
.L_simem_size_0:
called_computation.2_lowered:
.L_overlay_start_0:
0x88: {  	s2 =	sld [smem:$0x3FD9]  }
0x89: {  	s3 =	sld [smem:$0x3FFE];
	_ =	sdelay $0x1  }
0x8a: {  	s1 =	srdreg.scid  }
0x8b: {  	s0 =	sand.u32 $0x1, s1  }
0x8c: {  	s14 =	sshll.u32 s0, $0xA;
	s2 =	sadd.s32 s3, s2  }
0x8d: {  	s2 =	sadd.s32 s2, s14  }
0x8e: {  	[smem:$0x3FC0] =	sst s2  }
0x8f: {  	_ = 	snop  }
0x90: {  	s2 =	sld [smem:$0x3FD0];
	_ =	sdelay $0x2  }
0x91: {  	s15 =	simm.s32 $0xA;
	s4 =	simm.s32 $0x10  }
0x92: {  	[smem:s4], [sflag:s15] =	dma.local [hbm:s2], $0x1  }
0x93: {  	_ =	swait.eq [sflag:s15], $0x1  }
0x94: {  	s16 =	sld [smem:$0x10];
	[sflag:s15] =	ssyncset.done $0x0  }
0x95: {  	s17 =	sld [smem:$0x11];
	[sflag:s15] =	ssyncadd.s32 $0xFFFFFFFF  }
0x96: {  	s18 =	sld [smem:$0x12];
	(tm) =	ssettm $0x1  }
0x97: {  	s5 =	sld [smem:$0x3FFB];
	_ =	sdelay $0x3  }
0x98: {  	_ =	strace s5  }
0x99: {  	s5 =	sld [smem:$0x3FFC];
	_ =	sdelay $0x3  }
0x9a: {  	_ =	strace s5  }
0x9b: {  	s5 =	sld [smem:$0x3FFD];
	_ =	sdelay $0x3  }
0x9c: {  	_ =	strace s5  }
0x9d: {  	_ =	strace $0x8FFFFFFF  }
0x9e: {  	s19 =	sld [smem:$0x3FDB];
	_ =	sdelay $0x1  }
0x9f: {  	s6 =	simm.s32 $_scs_section_size  }
0xa0: {  	s7 =	simm.s32 $_size__tile_overlayer_lowered;
	s8 =	simm.s32 $_tile_overlayer_lowered  }
0xa1: {  	s22 =	simm.s32 $0x1BFF;
	s21 =	sshll.u32 s8, $0x1;
	s5 =	sadd.s32 s6, s19  }
0xa2: {  	s9 =	simm.s32 $0x0;
	s20 =	sshll.u32 s7, $0x1;
	s7 =	sadd.s32 s21, s5  }
0xa3: {  	[timem:s9], [sflag:s22] =	dma.local [hbm:s7], s20  }
0xa4: {  	_ =	swait.ge [sflag:s22], s20  }
0xa5: {  	s6 =	ssub.s32 $0x0, s20;
	[sflag:s22] =	ssyncset.done $0x0  }
0xa6: {  	[sflag:s22] =	ssyncadd.s32 s6;
	_ =	sdelay $0x1  }
0xa7: {  	s23 =	simm.s32 $0x1B8B  }
0xa8: {  	_ =	swait.ge [sflag:s23], $0x1  }
0xa9: {  	[sflag:s23] =	ssyncset.done $0x0  }
0xaa: {  	s25 =	simm.s32 $0x1B8E;
	s24 =	sld [smem:$0x3FFE];
	[sflag:s23] =	ssyncadd.s32 $0xFFFFFFFF  }
0xab: {  	s26 =	simm.s32 $execute0_lowered;
	[smem:$0x3FD2] =	sst s25  }
0xac: {  	s7 =	sshll.u32 s26, $0x1;
	_ =	strace $0x8000004C;
	[dreg:$0x1] =	wrdreg $0xFFFFFFFF  }
0xad: {  	s28 =	simm.s32 $_size_execute0_lowered;
	s5 =	sadd.s32 s5, s7;
	[dreg:$0x0] =	wrdreg $0x0  }
0xae: {  	s7 =	sshll.u32 s28, $0x1;
	[dreg:$0x2] =	wrdreg s5  }
0xaf: {  	[dreg:$0x3] =	wrdreg s7  }
0xb0: {  	[dreg:$0x4] =	wrdreg $0xC0  }
0xb1: {  	_ =	task [dreg:s9], $0x5FFFF  }
0xb2: {  	[dreg:$0x1] =	wrdreg $0xFFFFFFFF  }
0xb3: {  	[dreg:$0x0] =	wrdreg $0x60  }
0xb4: {  	[dreg:$0x2] =	wrdreg s24  }
0xb5: {  	[dreg:$0x3] =	wrdreg s18  }
0xb6: {  	[dreg:$0x4] =	wrdreg s17  }
0xb7: {  	[dreg:$0x5] =	wrdreg s16  }
0xb8: {  	[dreg:$0x6] =	wrdreg $0x30000  }
0xb9: {  	[dreg:$0x7] =	wrdreg $0x9  }
0xba: {  	_ =	task.clear_ibuf [dreg:s9], $0x8FFFF;
	_ =	strace $0x9000004C  }
0xbb: {  	s29 =	simm.s32 $0x9;
	_ =	strace $0x8000004E  }
0xbc: {  	_ =	swait.ge [sflag:s29], $0x1  }
0xbd: {  	[sflag:s29] =	ssyncadd.s32 $0xFFFFFFFF  }
0xbe: {  	_ =	strace $0x9000004E  }
0xbf: {  	_ =	sfence  }
0xc0: {  	s30 =	sld [smem:$0x0];
	_ =	sdelay $0x2  }
0xc1: {  	s31 =	sshll.u32 s1, $0xD;
	s1 =	sshrl.u32 s1, $0x2  }
0xc2: {  	s3 =	sand.u32 $0x4000, s31;
	s1 =	sadd.s32 s1, s30  }
0xc3: {  	s0 =	sor.u32 s3, s0;
	s1 =	sshll.u32 s1, $0x11  }
0xc4: {  	s0 =	sor.u32 s1, s0  }
0xc5: {  	s0 =	sadd.s32 $0x8F2B, s0  }
0xc6: {  	[sflag:s0] =	ssyncadd.remote.s32 $0x1  }
0xc7: {  	_ =	sfence.sel $0xFFFF  }
0xc8: {  	[dreg:$0x0] =	wrdreg $0xFFFFFFFF;
	(pc) =	sbr.abs _section_cstart, $3  }
0xc9: {  	[dreg:$0x1] =	wrdreg $0xFFFFFFFF  }
0xca: {  	_ =	task.clear_ibuf [dreg:s9], $0x2FFFF;
	_ =	strace $0x9FFFFFFF  }
0xcb: {  	(tm) =	ssettm $0x7FFFFFFF  }
tec
execute0_lowered:
.L_overlay_start_1:
0x0: {  	(tag) =	ssettag $0x1  }
0x1: {  	s4 =	rddreg [dreg:$0x0]  }
0x2: {  	s0 =	rddreg [dreg:$0x1]  }
0x3: {  	s1 =	rddreg [dreg:$0x2]  }
0x4: {  	s2 =	srdreg.scid;
	s16 =	stileid.u32  }
0x5: {  	s3 =	simm.s32 $0x0;
	s28 =	simm.s32 $0x400;
	s29 =	simm.s32 $0x50  }
0x6: {  	s30 =	simm.s32 $0x1;
	s5 =	sand.u32 $0x1, s2;
	s2 =	rddreg [dreg:$0x4]  }
0x7: {  	s31 =	simm.s32 $0x80;
	s8 =	smul.u32 $0x14000, s16;
	[smem:$0x7FF] =	sst s3  }
0x8: {  	s9 =	sadd.s32 $0x2A200, s4;
	s6 =	ssub.s32 $0x2, s5;
	s13 =	smul.u32 $0x140000, s5  }
0x9: {  	s5 =	smul.u32 $0x6400, s5;
	s7 =	sshrl.u32 s6, $0x1;
	s10 =	sor.u32 $0x2800, s8  }
0xa: {  	s11 =	sadd.s32 $0x5000, s8;
	s12 =	sadd.s32 $0x7800, s8;
	s18 =	sadd.s32 $0xA000, s8  }
0xb: {  	s19 =	sadd.s32 $0xC800, s8;
	s20 =	sadd.s32 $0xF000, s8;
	s21 =	sadd.s32 $0x11800, s8  }
0xc: {  	s6 =	ssub.s32 s6, s7;
	s7 =	smul.u32 $0x50000, s16;
	s8 =	sadd.s32 s8, s13  }
0xd: {  	s14 =	sadd.s32 s13, s10;
	s15 =	sadd.s32 s13, s11;
	s24 =	sadd.s32 s13, s12  }
0xe: {  	s25 =	sadd.s32 s13, s18;
	s26 =	sadd.s32 s13, s19;
	s11 =	sadd.s32 s11, s2  }
0xf: {  	s12 =	sadd.s32 s12, s2;
	s8 =	sshrl.u32 s8, $0x3;
	s14 =	sshrl.u32 s14, $0x3  }
0x10: {  	s15 =	sshrl.u32 s15, $0x3;
	s8 =	sadd.s32 s9, s8;
	s22 =	sadd.s32 s9, s14  }
0x11: {  	s23 =	sadd.s32 s9, s15;
	s14 =	sshrl.u32 s25, $0x3;
	[dreg:$0x6] =	wrdreg s8  }
0x12: {  	s15 =	sshrl.u32 s26, $0x3;
	s7 =	sshrl.u32 s7, $0x2;
	[dreg:$0x7] =	wrdreg s22  }
0x13: {  	s26 =	smax.u32 s6, $0x1;
	s6 =	simm.s32 $0x200;
	[dreg:$0x8] =	wrdreg s23  }
0x14: {  	s8 =	sshrl.u32 s24, $0x3;
	s14 =	sadd.s32 s9, s14;
	s17 =	sadd.s32 s9, s15  }
0x15: {  	s22 =	sadd.s32 s13, s20;
	s13 =	sadd.s32 s13, s21;
	s23 =	smul.u32 $0xC800, s16  }
0x16: {  	s15 =	sadd.s32 s18, s2;
	s16 =	sadd.s32 s19, s2;
	[dreg:$0xa] =	wrdreg s14  }
0x17: {  	s18 =	sadd.s32 s21, s2;
	s8 =	sadd.s32 s9, s8;
	[dreg:$0xb] =	wrdreg s17  }
0x18: {  	s13 =	sshrl.u32 s13, $0x3;
	s14 =	sadd.s32 s7, s2;
	s17 =	sadd.s32 s20, s2  }
0x19: {  	s7 =	simm.s32 $0x600;
	[dreg:$0x9] =	wrdreg s8;
	s8 =	sshrl.u32 s22, $0x3  }
0x1a: {  	s24 =	sadd.s32 s9, s13;
	s5 =	sadd.s32 s5, s23;
	s13 =	sadd.s32 $0x2200, s4  }
0x1b: {  	s22 =	sadd.s32 s10, s2;
	s10 =	simm.s32 $0x480;
	s4 =	simm.s32 $0x180  }
0x1c: {  	s8 =	sadd.s32 s9, s8;
	[dreg:$0xd] =	wrdreg s24;
	s25 =	sshrl.u32 s5, $0x3  }
0x1d: {  	s5 =	simm.s32 $0x580;
	[dreg:$0xc] =	wrdreg s8;
	s23 =	sadd.s32 s25, s1  }
0x1e: {  	s24 =	sadd.s32 s25, s0;
	s25 =	simm.s32 $0x800;
	s0 =	simm.s32 $0x100  }
0x1f: {  	s1 =	simm.s32 $0x500;
	_ =	strace $0x8000004D;
	[dreg:$0xf] =	wrdreg s26  }
0x20: {  	s8 =	simm.s32 $0x0;
	s26 =	simm.s32 $0x2;
	[dreg:$0xe] =	wrdreg s18  }
.LBB2_1:
0x21: {  	s9 =	rddreg [dreg:$0x3]  }
0x22: {  	[tilespmem:s25], [sflag:$0x2] =	stream.linear.gather [hbm4b:s9+s3], $0x2800, $0x38;
	[tilespmem:$0x17000] =	vst v63  }
0x23: {  	_ =	swait.ge [sflag:s26], $0x2800  }
0x24: {  	[sflag:s26] =	ssyncset.done $0x0  }
0x25: {  	[sflag:s26] =	ssyncadd.s32 $0xFFFFD800  }
0x26: {  	[spmem:s14] =	stream.linear.scatter [tilespmem:s25], [sflag:$0x2], $0x2800, $0x38;
	[tilespmem:$0x17000] =	vst v63  }
0x27: {  	_ =	swait.ge [sflag:s26], $0x2800  }
0x28: {  	[sflag:s26] =	ssyncset.done $0x0  }
0x29: {  	[sflag:s26] =	ssyncadd.s32 $0xFFFFD800  }
0x2a: {  	[spmem:s22] =	stream.linear.scatter [tilespmem:s25], [sflag:$0x2], $0x2800, $0x38;
	[tilespmem:$0x17000] =	vst v63  }
0x2b: {  	_ =	swait.ge [sflag:s26], $0x2800  }
0x2c: {  	[sflag:s26] =	ssyncset.done $0x0  }
0x2d: {  	[sflag:s26] =	ssyncadd.s32 $0xFFFFD800  }
0x2e: {  	[spmem:s11] =	stream.linear.scatter [tilespmem:s25], [sflag:$0x2], $0x2800, $0x38;
	[tilespmem:$0x17000] =	vst v63  }
0x2f: {  	_ =	swait.ge [sflag:s26], $0x2800  }
0x30: {  	[sflag:s26] =	ssyncset.done $0x0  }
0x31: {  	[sflag:s26] =	ssyncadd.s32 $0xFFFFD800  }
0x32: {  	[spmem:s12] =	stream.linear.scatter [tilespmem:s25], [sflag:$0x2], $0x2800, $0x38;
	[tilespmem:$0x17000] =	vst v63  }
0x33: {  	_ =	swait.ge [sflag:s26], $0x2800  }
0x34: {  	[sflag:s26] =	ssyncset.done $0x0  }
0x35: {  	s20 =	smov.u32 s15;
	[sflag:s26] =	ssyncadd.s32 $0xFFFFD800  }
0x36: {  	[spmem:s20] =	stream.linear.scatter [tilespmem:s25], [sflag:$0x2], $0x2800, $0x38;
	[tilespmem:$0x17000] =	vst v63  }
0x37: {  	_ =	swait.ge [sflag:s26], $0x2800  }
0x38: {  	[sflag:s26] =	ssyncset.done $0x0  }
0x39: {  	s21 =	smov.u32 s16;
	[sflag:s26] =	ssyncadd.s32 $0xFFFFD800  }
0x3a: {  	[spmem:s21] =	stream.linear.scatter [tilespmem:s25], [sflag:$0x2], $0x2800, $0x38;
	[tilespmem:$0x17000] =	vst v63  }
0x3b: {  	_ =	swait.ge [sflag:s26], $0x2800  }
0x3c: {  	[sflag:s26] =	ssyncset.done $0x0  }
0x3d: {  	s16 =	smov.u32 s22;
	s22 =	smov.u32 s17;
	[sflag:s26] =	ssyncadd.s32 $0xFFFFD800  }
0x3e: {  	[spmem:s22] =	stream.linear.scatter [tilespmem:s25], [sflag:$0x2], $0x2800, $0x38;
	[tilespmem:$0x17000] =	vst v63  }
0x3f: {  	_ =	swait.ge [sflag:s26], $0x2800  }
0x40: {  	[sflag:s26] =	ssyncset.done $0x0  }
0x41: {  	s17 =	smov.u32 s11;
	s11 =	smov.u32 s18;
	[sflag:s26] =	ssyncadd.s32 $0xFFFFD800  }
0x42: {  	[spmem:s11] =	stream.linear.scatter [tilespmem:s25], [sflag:$0x2], $0x2800, $0x38;
	[tilespmem:$0x17000] =	vst v63  }
0x43: {  	_ =	swait.ge [sflag:s26], $0x2800  }
0x44: {  	[sflag:s26] =	ssyncset.done $0x0  }
0x45: {  	[sflag:s26] =	ssyncadd.s32 $0xFFFFD800  }
0x46: {  	s15 =	smov.u32 s14;
	s14 =	sadd.s32 $0x0, s24;
	[bflag:$0x0] =	sbarrier.arrive $0xFFFF  }
0x47: {  	[tilespmem:s3], [sflag:$0x2] =	stream.linear.gather [hbm4b:s14+s3], $0x280, $0x38;
	[tilespmem:$0x17000] =	vst v63  }
0x48: {  	_ =	swait.ge [sflag:s26], $0x280  }
0x49: {  	s19 =	smov.u32 s20;
	s20 =	smov.u32 s21;
	[sflag:s26] =	ssyncset.done $0x0  }
0x4a: {  	s21 =	smov.u32 s22;
	s22 =	sadd.s32 $0x0, s23;
	[sflag:s26] =	ssyncadd.s32 $0xFFFFFD80  }
0x4b: {  	[tilespmem:s28], [sflag:$0x2] =	stream.linear.gather [hbm4b:s22+s3], $0x280, $0x38;
	[tilespmem:$0x17000] =	vst v63  }
0x4c: {  	_ =	swait.ge [sflag:s26], $0x280  }
0x4d: {  	[sflag:s26] =	ssyncset.done $0x0  }
0x4e: {  	[sflag:s26] =	ssyncadd.s32 $0xFFFFFD80  }
0x4f: {  	[tilespmem:s25], [sflag:$0x1] =	stream.indirect.gather [hbm4b:s13+s29], $0x80, s3, s29, $0xb8;
	[tilespmem:$0x17000] =	vst v63  }
0x50: {  	_ =	swait.ge [sflag:s30], $0x2800  }
0x51: {  	[sflag:s30] =	ssyncset.done $0x0  }
0x52: {  	[sflag:s30] =	ssyncadd.s32 $0xFFFFD800  }
0x53: {  	[spmem:s2] =	stream.indirect.scatter.add.f32 [tilespmem:s25], [sflag:$0x2], $0x80, s28, s29, $0xb8;
	[tilespmem:$0x17000] =	vst v63  }
0x54: {  	_ =	swait.ge [sflag:s26], $0x2800  }
0x55: {  	[sflag:s26] =	ssyncset.done $0x0  }
0x56: {  	[sflag:s26] =	ssyncadd.s32 $0xFFFFD800  }
0x57: {  	[tilespmem:s25], [sflag:$0x1] =	stream.indirect.gather [hbm4b:s13+s29], $0x80, s31, s29, $0xb8;
	[tilespmem:$0x17000] =	vst v63  }
0x58: {  	_ =	swait.ge [sflag:s30], $0x2800  }
0x59: {  	[sflag:s30] =	ssyncset.done $0x0  }
0x5a: {  	[sflag:s30] =	ssyncadd.s32 $0xFFFFD800  }
0x5b: {  	[spmem:s2] =	stream.indirect.scatter.add.f32 [tilespmem:s25], [sflag:$0x2], $0x80, s10, s29, $0xb8;
	[tilespmem:$0x17000] =	vst v63  }
0x5c: {  	_ =	swait.ge [sflag:s26], $0x2800  }
0x5d: {  	[sflag:s26] =	ssyncset.done $0x0  }
0x5e: {  	[sflag:s26] =	ssyncadd.s32 $0xFFFFD800  }
0x5f: {  	[tilespmem:s25], [sflag:$0x1] =	stream.indirect.gather [hbm4b:s13+s29], $0x80, s0, s29, $0xb8;
	[tilespmem:$0x17000] =	vst v63  }
0x60: {  	_ =	swait.ge [sflag:s30], $0x2800  }
0x61: {  	[sflag:s30] =	ssyncset.done $0x0  }
0x62: {  	[sflag:s30] =	ssyncadd.s32 $0xFFFFD800  }
0x63: {  	[spmem:s2] =	stream.indirect.scatter.add.f32 [tilespmem:s25], [sflag:$0x2], $0x80, s1, s29, $0xb8;
	[tilespmem:$0x17000] =	vst v63  }
0x64: {  	_ =	swait.ge [sflag:s26], $0x2800  }
0x65: {  	[sflag:s26] =	ssyncset.done $0x0  }
0x66: {  	[sflag:s26] =	ssyncadd.s32 $0xFFFFD800  }
0x67: {  	[tilespmem:s25], [sflag:$0x1] =	stream.indirect.gather [hbm4b:s13+s29], $0x80, s4, s29, $0xb8;
	[tilespmem:$0x17000] =	vst v63  }
0x68: {  	_ =	swait.ge [sflag:s30], $0x2800  }
0x69: {  	[sflag:s30] =	ssyncset.done $0x0  }
0x6a: {  	[sflag:s30] =	ssyncadd.s32 $0xFFFFD800  }
0x6b: {  	[spmem:s2] =	stream.indirect.scatter.add.f32 [tilespmem:s25], [sflag:$0x2], $0x80, s5, s29, $0xb8;
	[tilespmem:$0x17000] =	vst v63  }
0x6c: {  	_ =	swait.ge [sflag:s26], $0x2800  }
0x6d: {  	[sflag:s26] =	ssyncset.done $0x0  }
0x6e: {  	[sflag:s26] =	ssyncadd.s32 $0xFFFFD800  }
0x6f: {  	[tilespmem:s25], [sflag:$0x1] =	stream.indirect.gather [hbm4b:s13+s29], $0x80, s6, s29, $0xb8;
	[tilespmem:$0x17000] =	vst v63  }
0x70: {  	_ =	swait.ge [sflag:s30], $0x2800  }
0x71: {  	[sflag:s30] =	ssyncset.done $0x0  }
0x72: {  	[sflag:s30] =	ssyncadd.s32 $0xFFFFD800  }
0x73: {  	[spmem:s2] =	stream.indirect.scatter.add.f32 [tilespmem:s25], [sflag:$0x2], $0x80, s7, s29, $0xb8;
	[tilespmem:$0x17000] =	vst v63  }
0x74: {  	s9 =	simm.s32 $0x80;
	_ =	swait.ge [sflag:s26], $0x2800  }
0x75: {  	s18 =	smov.u32 s12;
	s11 =	simm.s32 $0x100;
	[sflag:s26] =	ssyncset.done $0x0  }
.LBB2_2:
0x76: {  	s22 =	sadd.s32 s9, s24  }
0x77: {  	[sflag:s26] =	ssyncadd.s32 $0xFFFFD800;
	s14 =	smov.u32 s11;
	s12 =	sadd.s32 $0x80, s11  }
0x78: {  	[tilespmem:s3], [sflag:$0x2] =	stream.linear.gather [hbm4b:s22+s3], $0x280, $0x38;
	[tilespmem:$0x17000] =	vst v63  }
0x79: {  	p0 =	sne.s32 s11, $0xC00;
	_ =	swait.ge [sflag:s26], $0x280  }
0x7a: {  	[sflag:s26] =	ssyncset.done $0x0  }
0x7b: {  	s11 =	sadd.s32 s9, s23;
	s9 =	smov.u32 s14;
	[sflag:s26] =	ssyncadd.s32 $0xFFFFFD80  }
0x7c: {  	[tilespmem:s28], [sflag:$0x2] =	stream.linear.gather [hbm4b:s11+s3], $0x280, $0x38;
	[tilespmem:$0x17000] =	vst v63  }
0x7d: {  	_ =	swait.ge [sflag:s26], $0x280  }
0x7e: {  	[sflag:s26] =	ssyncset.done $0x0  }
0x7f: {  	[sflag:s26] =	ssyncadd.s32 $0xFFFFFD80  }
0x80: {  	[tilespmem:s25], [sflag:$0x1] =	stream.indirect.gather [hbm4b:s13+s29], $0x80, s3, s29, $0xb8;
	[tilespmem:$0x17000] =	vst v63  }
0x81: {  	_ =	swait.ge [sflag:s30], $0x2800  }
0x82: {  	[sflag:s30] =	ssyncset.done $0x0  }
0x83: {  	[sflag:s30] =	ssyncadd.s32 $0xFFFFD800  }
0x84: {  	[spmem:s2] =	stream.indirect.scatter.add.f32 [tilespmem:s25], [sflag:$0x2], $0x80, s28, s29, $0xb8;
	[tilespmem:$0x17000] =	vst v63  }
0x85: {  	_ =	swait.ge [sflag:s26], $0x2800  }
0x86: {  	[sflag:s26] =	ssyncset.done $0x0  }
0x87: {  	[sflag:s26] =	ssyncadd.s32 $0xFFFFD800  }
0x88: {  	[tilespmem:s25], [sflag:$0x1] =	stream.indirect.gather [hbm4b:s13+s29], $0x80, s31, s29, $0xb8;
	[tilespmem:$0x17000] =	vst v63  }
0x89: {  	_ =	swait.ge [sflag:s30], $0x2800  }
0x8a: {  	[sflag:s30] =	ssyncset.done $0x0  }
0x8b: {  	[sflag:s30] =	ssyncadd.s32 $0xFFFFD800  }
0x8c: {  	[spmem:s2] =	stream.indirect.scatter.add.f32 [tilespmem:s25], [sflag:$0x2], $0x80, s10, s29, $0xb8;
	[tilespmem:$0x17000] =	vst v63  }
0x8d: {  	_ =	swait.ge [sflag:s26], $0x2800  }
0x8e: {  	[sflag:s26] =	ssyncset.done $0x0  }
0x8f: {  	[sflag:s26] =	ssyncadd.s32 $0xFFFFD800  }
0x90: {  	[tilespmem:s25], [sflag:$0x1] =	stream.indirect.gather [hbm4b:s13+s29], $0x80, s0, s29, $0xb8;
	[tilespmem:$0x17000] =	vst v63  }
0x91: {  	_ =	swait.ge [sflag:s30], $0x2800  }
0x92: {  	[sflag:s30] =	ssyncset.done $0x0  }
0x93: {  	[sflag:s30] =	ssyncadd.s32 $0xFFFFD800  }
0x94: {  	[spmem:s2] =	stream.indirect.scatter.add.f32 [tilespmem:s25], [sflag:$0x2], $0x80, s1, s29, $0xb8;
	[tilespmem:$0x17000] =	vst v63  }
0x95: {  	_ =	swait.ge [sflag:s26], $0x2800  }
0x96: {  	[sflag:s26] =	ssyncset.done $0x0  }
0x97: {  	[sflag:s26] =	ssyncadd.s32 $0xFFFFD800  }
0x98: {  	[tilespmem:s25], [sflag:$0x1] =	stream.indirect.gather [hbm4b:s13+s29], $0x80, s4, s29, $0xb8;
	[tilespmem:$0x17000] =	vst v63  }
0x99: {  	_ =	swait.ge [sflag:s30], $0x2800  }
0x9a: {  	[sflag:s30] =	ssyncset.done $0x0  }
0x9b: {  	[sflag:s30] =	ssyncadd.s32 $0xFFFFD800  }
0x9c: {  	[spmem:s2] =	stream.indirect.scatter.add.f32 [tilespmem:s25], [sflag:$0x2], $0x80, s5, s29, $0xb8;
	[tilespmem:$0x17000] =	vst v63  }
0x9d: {  	_ =	swait.ge [sflag:s26], $0x2800  }
0x9e: {  	[sflag:s26] =	ssyncset.done $0x0  }
0x9f: {  	[sflag:s26] =	ssyncadd.s32 $0xFFFFD800  }
0xa0: {  	[tilespmem:s25], [sflag:$0x1] =	stream.indirect.gather [hbm4b:s13+s29], $0x80, s6, s29, $0xb8;
	[tilespmem:$0x17000] =	vst v63  }
0xa1: {  	_ =	swait.ge [sflag:s30], $0x2800  }
.Ltmp0:
0xa2: {  	[sflag:s30] =	ssyncset.done $0x0;
	(pc) =	sbr.rel @p0 .LBB2_2-.Ltmp0, $4  }
0xa3: {  	[sflag:s30] =	ssyncadd.s32 $0xFFFFD800  }
0xa4: {  	[spmem:s2] =	stream.indirect.scatter.add.f32 [tilespmem:s25], [sflag:$0x2], $0x80, s7, s29, $0xb8;
	[tilespmem:$0x17000] =	vst v63  }
0xa5: {  	_ =	swait.ge [sflag:s26], $0x2800  }
0xa6: {  	s11 =	smov.u32 s12;
	[sflag:s26] =	ssyncset.done $0x0  }
0xa7: {  	s11 =	sadd.s32 s9, s24;
	[sflag:s26] =	ssyncadd.s32 $0xFFFFD800  }
0xa8: {  	[tilespmem:s3], [sflag:$0x2] =	stream.linear.gather [hbm4b:s11+s3], $0x280, $0x38;
	[tilespmem:$0x17000] =	vst v63  }
0xa9: {  	_ =	swait.ge [sflag:s26], $0x280  }
0xaa: {  	[sflag:s26] =	ssyncset.done $0x0  }
0xab: {  	s22 =	sadd.s32 s9, s23;
	[sflag:s26] =	ssyncadd.s32 $0xFFFFFD80  }
0xac: {  	[tilespmem:s28], [sflag:$0x2] =	stream.linear.gather [hbm4b:s22+s3], $0x280, $0x38;
	[tilespmem:$0x17000] =	vst v63  }
0xad: {  	_ =	swait.ge [sflag:s26], $0x280  }
0xae: {  	[sflag:s26] =	ssyncset.done $0x0  }
0xaf: {  	[sflag:s26] =	ssyncadd.s32 $0xFFFFFD80  }
0xb0: {  	[tilespmem:s25], [sflag:$0x1] =	stream.indirect.gather [hbm4b:s13+s29], $0x80, s3, s29, $0xb8;
	[tilespmem:$0x17000] =	vst v63  }
0xb1: {  	_ =	swait.ge [sflag:s30], $0x2800  }
0xb2: {  	[sflag:s30] =	ssyncset.done $0x0  }
0xb3: {  	[sflag:s30] =	ssyncadd.s32 $0xFFFFD800  }
0xb4: {  	[spmem:s2] =	stream.indirect.scatter.add.f32 [tilespmem:s25], [sflag:$0x2], $0x80, s28, s29, $0xb8;
	[tilespmem:$0x17000] =	vst v63  }
0xb5: {  	_ =	swait.ge [sflag:s26], $0x2800  }
0xb6: {  	[sflag:s26] =	ssyncset.done $0x0  }
0xb7: {  	[sflag:s26] =	ssyncadd.s32 $0xFFFFD800  }
0xb8: {  	[tilespmem:s25], [sflag:$0x1] =	stream.indirect.gather [hbm4b:s13+s29], $0x80, s31, s29, $0xb8;
	[tilespmem:$0x17000] =	vst v63  }
0xb9: {  	_ =	swait.ge [sflag:s30], $0x2800  }
0xba: {  	[sflag:s30] =	ssyncset.done $0x0  }
0xbb: {  	[sflag:s30] =	ssyncadd.s32 $0xFFFFD800  }
0xbc: {  	[spmem:s2] =	stream.indirect.scatter.add.f32 [tilespmem:s25], [sflag:$0x2], $0x80, s10, s29, $0xb8;
	[tilespmem:$0x17000] =	vst v63  }
0xbd: {  	_ =	swait.ge [sflag:s26], $0x2800  }
0xbe: {  	[sflag:s26] =	ssyncset.done $0x0  }
0xbf: {  	[sflag:s26] =	ssyncadd.s32 $0xFFFFD800  }
0xc0: {  	[tilespmem:s25], [sflag:$0x1] =	stream.indirect.gather [hbm4b:s13+s29], $0x80, s0, s29, $0xb8;
	[tilespmem:$0x17000] =	vst v63  }
0xc1: {  	_ =	swait.ge [sflag:s30], $0x2800  }
0xc2: {  	[sflag:s30] =	ssyncset.done $0x0  }
0xc3: {  	[sflag:s30] =	ssyncadd.s32 $0xFFFFD800  }
0xc4: {  	[spmem:s2] =	stream.indirect.scatter.add.f32 [tilespmem:s25], [sflag:$0x2], $0x80, s1, s29, $0xb8;
	[tilespmem:$0x17000] =	vst v63  }
0xc5: {  	_ =	swait.ge [sflag:s26], $0x2800  }
0xc6: {  	[sflag:s26] =	ssyncset.done $0x0  }
0xc7: {  	[sflag:s26] =	ssyncadd.s32 $0xFFFFD800  }
0xc8: {  	[tilespmem:s25], [sflag:$0x1] =	stream.indirect.gather [hbm4b:s13+s29], $0x80, s4, s29, $0xb8;
	[tilespmem:$0x17000] =	vst v63  }
0xc9: {  	_ =	swait.ge [sflag:s30], $0x2800  }
0xca: {  	[sflag:s30] =	ssyncset.done $0x0  }
0xcb: {  	[sflag:s30] =	ssyncadd.s32 $0xFFFFD800  }
0xcc: {  	[spmem:s2] =	stream.indirect.scatter.add.f32 [tilespmem:s25], [sflag:$0x2], $0x80, s5, s29, $0xb8;
	[tilespmem:$0x17000] =	vst v63  }
0xcd: {  	_ =	swait.ge [sflag:s26], $0x2800  }
0xce: {  	[sflag:s26] =	ssyncset.done $0x0  }
0xcf: {  	[sflag:s26] =	ssyncadd.s32 $0xFFFFD800  }
0xd0: {  	[tilespmem:s25], [sflag:$0x1] =	stream.indirect.gather [hbm4b:s13+s29], $0x80, s6, s29, $0xb8;
	[tilespmem:$0x17000] =	vst v63  }
0xd1: {  	_ =	swait.ge [sflag:s30], $0x2800  }
0xd2: {  	[sflag:s30] =	ssyncset.done $0x0  }
0xd3: {  	[sflag:s30] =	ssyncadd.s32 $0xFFFFD800  }
0xd4: {  	[spmem:s2] =	stream.indirect.scatter.add.f32 [tilespmem:s25], [sflag:$0x2], $0x80, s7, s29, $0xb8;
	[tilespmem:$0x17000] =	vst v63  }
0xd5: {  	_ =	swait.ge [sflag:s26], $0x2800  }
0xd6: {  	[sflag:s26] =	ssyncset.done $0x0  }
0xd7: {  	[sflag:s26] =	ssyncadd.s32 $0xFFFFD800  }
0xd8: {  	[bflag:$0x0] =	sbarrier.arrive $0xFFFF  }
0xd9: {  	[tilespmem:s25], [sflag:$0x2] =	stream.linear.gather [spmem:s15], $0x2800, $0x38;
	[tilespmem:$0x17000] =	vst v63  }
0xda: {  	_ =	swait.ge [sflag:s26], $0x2800  }
0xdb: {  	[sflag:s26] =	ssyncset.done $0x0  }
0xdc: {  	s11 =	rddreg [dreg:$0x6];
	[sflag:s26] =	ssyncadd.s32 $0xFFFFD800  }
0xdd: {  	[hbm4b:s11+s3] =	stream.linear.scatter [tilespmem:s25], [sflag:$0x2], $0x2800, $0x38;
	[tilespmem:$0x17000] =	vst v63  }
0xde: {  	_ =	swait.ge [sflag:s26], $0x2800  }
0xdf: {  	[sflag:s26] =	ssyncset.done $0x0  }
0xe0: {  	[sflag:s26] =	ssyncadd.s32 $0xFFFFD800  }
0xe1: {  	[tilespmem:s25], [sflag:$0x2] =	stream.linear.gather [spmem:s16], $0x2800, $0x38;
	[tilespmem:$0x17000] =	vst v63  }
0xe2: {  	_ =	swait.ge [sflag:s26], $0x2800  }
0xe3: {  	[sflag:s26] =	ssyncset.done $0x0  }
0xe4: {  	s12 =	rddreg [dreg:$0x7];
	[sflag:s26] =	ssyncadd.s32 $0xFFFFD800  }
0xe5: {  	[hbm4b:s12+s3] =	stream.linear.scatter [tilespmem:s25], [sflag:$0x2], $0x2800, $0x38;
	[tilespmem:$0x17000] =	vst v63  }
0xe6: {  	_ =	swait.ge [sflag:s26], $0x2800  }
0xe7: {  	[sflag:s26] =	ssyncset.done $0x0  }
0xe8: {  	[sflag:s26] =	ssyncadd.s32 $0xFFFFD800  }
0xe9: {  	[tilespmem:s25], [sflag:$0x2] =	stream.linear.gather [spmem:s17], $0x2800, $0x38;
	[tilespmem:$0x17000] =	vst v63  }
0xea: {  	_ =	swait.ge [sflag:s26], $0x2800  }
0xeb: {  	[sflag:s26] =	ssyncset.done $0x0  }
0xec: {  	s14 =	smov.u32 s15;
	s15 =	rddreg [dreg:$0x8];
	[sflag:s26] =	ssyncadd.s32 $0xFFFFD800  }
0xed: {  	[hbm4b:s15+s3] =	stream.linear.scatter [tilespmem:s25], [sflag:$0x2], $0x2800, $0x38;
	[tilespmem:$0x17000] =	vst v63  }
0xee: {  	_ =	swait.ge [sflag:s26], $0x2800  }
0xef: {  	[sflag:s26] =	ssyncset.done $0x0  }
0xf0: {  	[sflag:s26] =	ssyncadd.s32 $0xFFFFD800  }
0xf1: {  	[tilespmem:s25], [sflag:$0x2] =	stream.linear.gather [spmem:s18], $0x2800, $0x38;
	[tilespmem:$0x17000] =	vst v63  }
0xf2: {  	_ =	swait.ge [sflag:s26], $0x2800  }
0xf3: {  	[sflag:s26] =	ssyncset.done $0x0  }
0xf4: {  	s22 =	smov.u32 s16;
	s16 =	rddreg [dreg:$0x9];
	[sflag:s26] =	ssyncadd.s32 $0xFFFFD800  }
0xf5: {  	[hbm4b:s16+s3] =	stream.linear.scatter [tilespmem:s25], [sflag:$0x2], $0x2800, $0x38;
	[tilespmem:$0x17000] =	vst v63  }
0xf6: {  	_ =	swait.ge [sflag:s26], $0x2800  }
0xf7: {  	[sflag:s26] =	ssyncset.done $0x0  }
0xf8: {  	[sflag:s26] =	ssyncadd.s32 $0xFFFFD800  }
0xf9: {  	[tilespmem:s25], [sflag:$0x2] =	stream.linear.gather [spmem:s19], $0x2800, $0x38;
	[tilespmem:$0x17000] =	vst v63  }
0xfa: {  	_ =	swait.ge [sflag:s26], $0x2800  }
0xfb: {  	[sflag:s26] =	ssyncset.done $0x0  }
0xfc: {  	s11 =	smov.u32 s17;
	s17 =	rddreg [dreg:$0xa];
	[sflag:s26] =	ssyncadd.s32 $0xFFFFD800  }
0xfd: {  	[hbm4b:s17+s3] =	stream.linear.scatter [tilespmem:s25], [sflag:$0x2], $0x2800, $0x38;
	[tilespmem:$0x17000] =	vst v63  }
0xfe: {  	_ =	swait.ge [sflag:s26], $0x2800  }
0xff: {  	[sflag:s26] =	ssyncset.done $0x0  }
0x100: {  	[sflag:s26] =	ssyncadd.s32 $0xFFFFD800  }
0x101: {  	[tilespmem:s25], [sflag:$0x2] =	stream.linear.gather [spmem:s20], $0x2800, $0x38;
	[tilespmem:$0x17000] =	vst v63  }
0x102: {  	_ =	swait.ge [sflag:s26], $0x2800  }
0x103: {  	[sflag:s26] =	ssyncset.done $0x0  }
0x104: {  	s12 =	smov.u32 s18;
	s18 =	rddreg [dreg:$0xb];
	[sflag:s26] =	ssyncadd.s32 $0xFFFFD800  }
0x105: {  	[hbm4b:s18+s3] =	stream.linear.scatter [tilespmem:s25], [sflag:$0x2], $0x2800, $0x38;
	[tilespmem:$0x17000] =	vst v63  }
0x106: {  	_ =	swait.ge [sflag:s26], $0x2800  }
0x107: {  	[sflag:s26] =	ssyncset.done $0x0  }
0x108: {  	[sflag:s26] =	ssyncadd.s32 $0xFFFFD800  }
0x109: {  	[tilespmem:s25], [sflag:$0x2] =	stream.linear.gather [spmem:s21], $0x2800, $0x38;
	[tilespmem:$0x17000] =	vst v63  }
0x10a: {  	_ =	swait.ge [sflag:s26], $0x2800  }
0x10b: {  	[sflag:s26] =	ssyncset.done $0x0  }
0x10c: {  	s15 =	smov.u32 s19;
	s19 =	rddreg [dreg:$0xc];
	[sflag:s26] =	ssyncadd.s32 $0xFFFFD800  }
0x10d: {  	[hbm4b:s19+s3] =	stream.linear.scatter [tilespmem:s25], [sflag:$0x2], $0x2800, $0x38;
	[tilespmem:$0x17000] =	vst v63  }
0x10e: {  	_ =	swait.ge [sflag:s26], $0x2800  }
0x10f: {  	[sflag:s26] =	ssyncset.done $0x0  }
0x110: {  	s18 =	rddreg [dreg:$0xe];
	[sflag:s26] =	ssyncadd.s32 $0xFFFFD800  }
0x111: {  	[tilespmem:s25], [sflag:$0x2] =	stream.linear.gather [spmem:s18], $0x2800, $0x38;
	[tilespmem:$0x17000] =	vst v63  }
0x112: {  	_ =	swait.ge [sflag:s26], $0x2800  }
0x113: {  	[sflag:s26] =	ssyncset.done $0x0  }
0x114: {  	s16 =	smov.u32 s20;
	s20 =	rddreg [dreg:$0xd];
	[sflag:s26] =	ssyncadd.s32 $0xFFFFD800  }
0x115: {  	[hbm4b:s20+s3] =	stream.linear.scatter [tilespmem:s25], [sflag:$0x2], $0x2800, $0x38;
	[tilespmem:$0x17000] =	vst v63  }
0x116: {  	_ =	swait.ge [sflag:s26], $0x2800  }
0x117: {  	s8 =	sadd.s32 $0x1, s8;
	s17 =	smov.u32 s21;
	s21 =	rddreg [dreg:$0xf]  }
0x118: {  	p0 =	sne.s32 s8, s21  }
.Ltmp1:
0x119: {  	_ = 	snop;
	(pc) =	sbr.rel @p0 .LBB2_1-.Ltmp1, $3  }
0x11a: {  	_ =	sdelay $0x1  }
0x11b: {  	[sflag:s26] =	ssyncset.done $0x0  }
0x11c: {  	[sflag:s26] =	ssyncadd.s32 $0xFFFFD800  }
0x11d: {  	_ =	sfence.sel $0x180000  }
0x11e: {  	[bflag:$0x0] =	sbarrier.arrive $0xFFFF  }
0x11f: {  	_ =	strace $0x9000004D  }
0x120: {  	s0 =	stileid.u32;
	[bflag:$0x2] =	sbarrier.arrive $0xFFFF  }
0x121: {  	p0 =	sne.s32 s0, $0x0;
	s0 =	rddreg [dreg:$0x5]  }
0x122: {  	s0 =	sadd.s32 @!p0 $0x100000, s0  }
0x123: {  	[sflag:s0] =	ssyncadd.tile.s32 @!p0 $0x1;
	_ =	shalt  }
.Lfunc_end2:
_tile_overlayer_lowered:
.L_overlay_start_2:
0x124: {  	(tag) =	ssettag $0x2  }
0x125: {  	s0 =	rddreg [dreg:$0x0];
	s2 =	stileid.u32  }
0x126: {  	s1 =	rddreg [dreg:$0x1];
	p0 =	sne.s32 s2, $0x0  }
0x127: {  	s3 =	rddreg [dreg:$0x2];
	[bflag:$0x3] =	sbarrier.arrive $0xFFFF;
	s2 =	simm.s32 @!p0 $0x1C02  }
0x128: {  	[timem:s3], [sflag:s2] =	dma.local @!p0 [hbm:s0], s1  }
0x129: {  	s0 =	simm.s32 @!p0 $0x2  }
0x12a: {  	_ =	swait.ge @!p0 [sflag:s0], s1  }
0x12b: {  	s1 =	ssub.s32 @!p0 $0x0, s1;
	[sflag:s0] =	ssyncset.done @!p0 $0x0  }
0x12c: {  	[sflag:s0] =	ssyncadd.s32 @!p0 s1  }
0x12d: {  	[bflag:$0x3] =	sbarrier.arrive $0xFFFF  }
0x12e: {  	_ =	shalt  }

// kernel: kernel.8.cloned.1.call-start
scs
__scs_entry_jumppad:
0x0: {  	(pc) =	sbr.rel $0x88, $3  }
0x1: {  	(tag) =	ssettag $0x0;
	lr =	simm.s32 $0x1  }
0x2: {  	[smem:$0x3F99] =	sst lr;
	_ =	strace $0xD0000000  }
0x3: {  	_ = 	snop  }
0x4: {  	_ = 	snop  }
0x5: {  	_ = 	snop  }
0x6: {  	_ = 	snop  }
0x7: {  	_ = 	snop  }
__scs_overlays_trampoline_lowered:
0x8: {  	[smem:$0x3FA8] =	sst s0  }
0x9: {  	[smem:$0x3FA9] =	sst s1  }
0xa: {  	[smem:$0x3FAA] =	sst s2  }
0xb: {  	[smem:$0x3FAB] =	sst s3  }
0xc: {  	[smem:$0x3FAC] =	sst s4  }
0xd: {  	[smem:$0x3FAD] =	sst s5  }
0xe: {  	[smem:$0x3FAE] =	sst s6  }
0xf: {  	[smem:$0x3FAF] =	sst s7  }
0x10: {  	[smem:$0x3FB0] =	sst s8  }
0x11: {  	[smem:$0x3FB1] =	sst s9;
	s0 =	simm.s32 @!p0 $0x0  }
0x12: {  	s1 =	sld [smem:$0x3F97];
	s0 =	simm.s32 @p0 $0x1  }
0x13: {  	[smem:$0x3FB2] =	sst s0;
	s0 =	simm.s32 @!p1 $0x0  }
0x14: {  	s2 =	sld [smem:$0x3F96];
	s0 =	simm.s32 @p1 $0x1  }
0x15: {  	[smem:$0x3FB3] =	sst s0;
	s0 =	simm.s32 @!p2 $0x0  }
0x16: {  	s3 =	sld [smem:$0x3FDB];
	s0 =	simm.s32 @p2 $0x1  }
0x17: {  	s4 =	simm.s32 $0x1BF5;
	[smem:$0x3FB5] =	sst s0  }
0x18: {  	s0 =	sld [smem:$0x3F98];
	_ =	swait.ge [sflag:s4], $0x0  }
0x19: {  	s7 =	sld [smem:$0x3F99]  }
0x1a: {  	s8 =	sadd.s32 $0xFFFFE003, lr  }
0x1b: {  	s9 =	sadd.s32 $0xFFFFFEF7, lr;
	s5 =	simm.s32 $0xFFFFFFFF;
	p2 =	slt.u32 s8, $0xFFFFF086  }
0x1c: {  	p1 =	slt.u32 s9, $0xF7A;
	s5 =	simm.s32 @!p2 $0x0  }
0x1d: {  	s5 =	simm.s32 @p1 $0x1;
	p0 =	seq.s32 s7, s2  }
0x1e: {  	s7 =	smul.u32 @!p0 $0xF7A, s2;
	p2 =	seq.s32 @!p0 s5, $0x0  }
0x1f: {  	s9 =	smul.u32 $0xF7A, s1;
	s8 =	simm.s32 @!p0 $0x1BF5;
	p2 =	por !p2, p0  }
0x20: {  	[sflag:s8] =	ssyncset.s32 @!p0 $0xFFFFF086;
	s6 =	sadd.s32 @!p0 s3, s7;
	s7 =	simm.s32 @!p0 $0x108  }
0x21: {  	s3 =	sadd.s32 s3, s9;
	s6 =	sadd.s32 @!p0 $0x88, s6;
	s7 =	simm.s32 @p2 $0x1082  }
0x22: {  	[simem:s7], [sflag:s8] =	dma.local @!p0 [hbm:s6], $0xF7A  }
0x23: {  	s9 =	sor.u32 $0xD0000000, s2;
	s6 =	simm.s32 $0x108;
	_ =	swait.ge @!p0 [sflag:s8], $0x0  }
0x24: {  	s3 =	sadd.s32 $0x88, s3;
	s6 =	simm.s32 @!p1 $0x1082;
	[sflag:s4] =	ssyncset.s32 $0xFFFFF086  }
0x25: {  	[simem:s6], [sflag:s4] =	dma.local [hbm:s3], $0xF7A  }
0x26: {  	[smem:$0x3F99] =	sst s1;
	(tag) =	ssettag s2;
	_ =	strace s9  }
0x27: {  	s1 =	sld [smem:$0x3FA9]  }
0x28: {  	s2 =	sld [smem:$0x3FAA]  }
0x29: {  	s4 =	sld [smem:$0x3FAC]  }
0x2a: {  	p0 =	seq.s32 s5, $0x0;
	s5 =	sld [smem:$0x3FAD]  }
0x2b: {  	s6 =	sld [smem:$0x3FAE]  }
0x2c: {  	s7 =	sld [smem:$0x3FAF]  }
0x2d: {  	s3 =	simm.s32 $0x108;
	s8 =	sld [smem:$0x3FB0]  }
0x2e: {  	s3 =	simm.s32 @!p0 $0x1082;
	s9 =	sld [smem:$0x3FB1]  }
0x2f: {  	lr =	sadd.s32 s0, s3;
	s0 =	sld [smem:$0x3FA8]  }
0x30: {  	s3 =	sld [smem:$0x3FAB]  }
0x31: {  	[smem:$0x3FB4] =	sst s10  }
0x32: {  	s10 =	sld [smem:$0x3FB2];
	_ =	sdelay $0x3  }
0x33: {  	p0 =	seq.s32 s10, $0x1;
	s10 =	sld [smem:$0x3FB4];
	_ =	sdelay $0x3  }
0x34: {  	[smem:$0x3FB4] =	sst s10  }
0x35: {  	s10 =	sld [smem:$0x3FB3];
	_ =	sdelay $0x3  }
0x36: {  	p1 =	seq.s32 s10, $0x1;
	s10 =	sld [smem:$0x3FB4];
	_ =	sdelay $0x3  }
0x37: {  	[smem:$0x3FB4] =	sst s10  }
0x38: {  	s10 =	sld [smem:$0x3FB5]  }
0x39: {  	_ = 	snop;
	(pc) =	sbr.ind lr, $3  }
0x3a: {  	_ = 	snop  }
0x3b: {  	_ = 	snop  }
0x3c: {  	p2 =	seq.s32 s10, $0x1;
	s10 =	sld [smem:$0x3FB4]  }
0x3d: {  	_ =	shalt  }
0x3e: {  	_ =	shalt  }
0x3f: {  	_ =	shalt  }
0x40: {  	_ =	shalt  }
0x41: {  	_ =	shalt  }
0x42: {  	_ =	shalt  }
0x43: {  	_ =	shalt  }
0x44: {  	_ =	shalt  }
0x45: {  	_ =	shalt  }
0x46: {  	_ =	shalt  }
0x47: {  	_ =	shalt  }
0x48: {  	_ =	shalt  }
0x49: {  	_ =	shalt  }
0x4a: {  	_ =	shalt  }
0x4b: {  	_ =	shalt  }
0x4c: {  	_ =	shalt  }
0x4d: {  	_ =	shalt  }
0x4e: {  	_ =	shalt  }
0x4f: {  	_ =	shalt  }
0x50: {  	_ =	shalt  }
0x51: {  	_ =	shalt  }
0x52: {  	_ =	shalt  }
0x53: {  	_ =	shalt  }
0x54: {  	_ =	shalt  }
0x55: {  	_ =	shalt  }
0x56: {  	_ =	shalt  }
0x57: {  	_ =	shalt  }
0x58: {  	_ =	shalt  }
0x59: {  	_ =	shalt  }
0x5a: {  	_ =	shalt  }
0x5b: {  	_ =	shalt  }
0x5c: {  	_ =	shalt  }
0x5d: {  	_ =	shalt  }
0x5e: {  	_ =	shalt  }
0x5f: {  	_ =	shalt  }
0x60: {  	_ =	shalt  }
0x61: {  	_ =	shalt  }
0x62: {  	_ =	shalt  }
0x63: {  	_ =	shalt  }
0x64: {  	_ =	shalt  }
0x65: {  	_ =	shalt  }
0x66: {  	_ =	shalt  }
0x67: {  	_ =	shalt  }
0x68: {  	_ =	shalt  }
0x69: {  	_ =	shalt  }
0x6a: {  	_ =	shalt  }
0x6b: {  	_ =	shalt  }
0x6c: {  	_ =	shalt  }
0x6d: {  	_ =	shalt  }
0x6e: {  	_ =	shalt  }
0x6f: {  	_ =	shalt  }
0x70: {  	_ =	shalt  }
0x71: {  	_ =	shalt  }
0x72: {  	_ =	shalt  }
0x73: {  	_ =	shalt  }
0x74: {  	_ =	shalt  }
0x75: {  	_ =	shalt  }
0x76: {  	_ =	shalt  }
0x77: {  	_ =	shalt  }
0x78: {  	_ =	shalt  }
0x79: {  	_ =	shalt  }
0x7a: {  	_ =	shalt  }
0x7b: {  	_ =	shalt  }
0x7c: {  	_ =	shalt  }
0x7d: {  	_ =	shalt  }
0x7e: {  	_ =	shalt  }
0x7f: {  	_ =	shalt  }
0x80: {  	_ =	shalt  }
0x81: {  	_ =	shalt  }
0x82: {  	_ =	shalt  }
0x83: {  	_ =	shalt  }
0x84: {  	_ =	shalt  }
0x85: {  	_ =	shalt  }
0x86: {  	_ =	shalt  }
0x87: {  	_ =	shalt  }
.Lfunc_end0:
.L_simem_size_0:
called_computation_lowered:
.L_overlay_start_0:
0x88: {  	s2 =	sld [smem:$0x3FD9]  }
0x89: {  	s3 =	sld [smem:$0x3FFE];
	_ =	sdelay $0x1  }
0x8a: {  	s1 =	srdreg.scid  }
0x8b: {  	s0 =	sand.u32 $0x1, s1  }
0x8c: {  	s14 =	sshll.u32 s0, $0xA;
	s2 =	sadd.s32 s3, s2  }
0x8d: {  	s2 =	sadd.s32 s2, s14  }
0x8e: {  	[smem:$0x3FC0] =	sst s2  }
0x8f: {  	_ = 	snop  }
0x90: {  	s2 =	sld [smem:$0x3FD0];
	_ =	sdelay $0x2  }
0x91: {  	s15 =	simm.s32 $0xA;
	s4 =	simm.s32 $0x10  }
0x92: {  	[smem:s4], [sflag:s15] =	dma.local [hbm:s2], $0x1  }
0x93: {  	_ =	swait.eq [sflag:s15], $0x1  }
0x94: {  	[sflag:s15] =	ssyncset.done $0x0  }
0x95: {  	[sflag:s15] =	ssyncadd.s32 $0xFFFFFFFF  }
0x96: {  	s16 =	sld [smem:$0x10];
	(tm) =	ssettm $0x1  }
0x97: {  	s17 =	sld [smem:$0x3FFB];
	_ =	sdelay $0x3  }
0x98: {  	_ =	strace s17  }
0x99: {  	s3 =	sld [smem:$0x3FFC];
	_ =	sdelay $0x3  }
0x9a: {  	_ =	strace s3  }
0x9b: {  	s3 =	sld [smem:$0x3FFD];
	_ =	sdelay $0x3  }
0x9c: {  	_ =	strace s3  }
0x9d: {  	_ =	strace $0x8FFFFFFF  }
0x9e: {  	s18 =	sld [smem:$0x3FDB];
	_ =	sdelay $0x1  }
0x9f: {  	s19 =	simm.s32 $_scs_section_size  }
0xa0: {  	s5 =	simm.s32 $_size__tile_overlayer_lowered;
	s6 =	simm.s32 $_tile_overlayer_lowered  }
0xa1: {  	s22 =	simm.s32 $0x1BFF;
	s21 =	sshll.u32 s6, $0x1;
	s3 =	sadd.s32 s19, s18  }
0xa2: {  	s7 =	simm.s32 $0x0;
	s20 =	sshll.u32 s5, $0x1;
	s5 =	sadd.s32 s21, s3  }
0xa3: {  	[timem:s7], [sflag:s22] =	dma.local [hbm:s5], s20  }
0xa4: {  	_ =	swait.ge [sflag:s22], s20  }
0xa5: {  	s4 =	ssub.s32 $0x0, s20;
	[sflag:s22] =	ssyncset.done $0x0  }
0xa6: {  	[sflag:s22] =	ssyncadd.s32 s4;
	_ =	sdelay $0x1  }
0xa7: {  	s23 =	simm.s32 $0x1B8B  }
0xa8: {  	_ =	swait.ge [sflag:s23], $0x1  }
0xa9: {  	[sflag:s23] =	ssyncset.done $0x0  }
0xaa: {  	s25 =	simm.s32 $0x1B8E;
	s24 =	sld [smem:$0x3FFE];
	[sflag:s23] =	ssyncadd.s32 $0xFFFFFFFF  }
0xab: {  	s26 =	simm.s32 $execute0_lowered;
	[smem:$0x3FD2] =	sst s25  }
0xac: {  	s5 =	sshll.u32 s26, $0x1;
	_ =	strace $0x80000046;
	[dreg:$0x1] =	wrdreg $0xFFFFFFFF  }
0xad: {  	s28 =	simm.s32 $_size_execute0_lowered;
	s3 =	sadd.s32 s3, s5;
	[dreg:$0x0] =	wrdreg $0x0  }
0xae: {  	s5 =	sshll.u32 s28, $0x1;
	[dreg:$0x2] =	wrdreg s3  }
0xaf: {  	[dreg:$0x3] =	wrdreg s5  }
0xb0: {  	[dreg:$0x4] =	wrdreg $0xC0  }
0xb1: {  	_ =	task [dreg:s7], $0x5FFFF  }
0xb2: {  	[dreg:$0x1] =	wrdreg $0xFFFFFFFF  }
0xb3: {  	[dreg:$0x0] =	wrdreg $0x60  }
0xb4: {  	[dreg:$0x2] =	wrdreg s24  }
0xb5: {  	[dreg:$0x3] =	wrdreg s16  }
0xb6: {  	[dreg:$0x4] =	wrdreg $0x9  }
0xb7: {  	_ =	task.clear_ibuf [dreg:s7], $0x5FFFF;
	_ =	strace $0x90000046  }
0xb8: {  	s29 =	simm.s32 $0x9;
	_ =	strace $0x80000048  }
0xb9: {  	_ =	swait.ge [sflag:s29], $0x1  }
0xba: {  	[sflag:s29] =	ssyncadd.s32 $0xFFFFFFFF  }
0xbb: {  	_ =	strace $0x90000048  }
0xbc: {  	_ =	sfence  }
0xbd: {  	s30 =	sld [smem:$0x0];
	_ =	sdelay $0x2  }
0xbe: {  	s31 =	sshll.u32 s1, $0xD;
	s1 =	sshrl.u32 s1, $0x2  }
0xbf: {  	s3 =	sand.u32 $0x4000, s31;
	s1 =	sadd.s32 s1, s30  }
0xc0: {  	s0 =	sor.u32 s3, s0;
	s1 =	sshll.u32 s1, $0x11  }
0xc1: {  	s0 =	sor.u32 s1, s0  }
0xc2: {  	s0 =	sadd.s32 $0x8F2B, s0  }
0xc3: {  	[sflag:s0] =	ssyncadd.remote.s32 $0x1  }
0xc4: {  	_ =	sfence.sel $0xFFFF  }
0xc5: {  	[dreg:$0x0] =	wrdreg $0xFFFFFFFF;
	(pc) =	sbr.abs _section_cstart, $3  }
0xc6: {  	[dreg:$0x1] =	wrdreg $0xFFFFFFFF  }
0xc7: {  	_ =	task.clear_ibuf [dreg:s7], $0x2FFFF;
	_ =	strace $0x9FFFFFFF  }
0xc8: {  	(tm) =	ssettm $0x7FFFFFFF  }
0xc9: {  	_ =	shalt  }
tec
execute0_lowered:
.L_overlay_start_1:
0x0: {  	(tag) =	ssettag $0x1  }
0x1: {  	s3 =	rddreg [dreg:$0x0]  }
0x2: {  	s6 =	rddreg [dreg:$0x1]  }
0x3: {  	s1 =	srdreg.scid;
	s0 =	stileid.u32  }
0x4: {  	s2 =	simm.s32 $0x0;
	s10 =	simm.s32 $0x1;
	s11 =	simm.s32 $0x2780  }
0x5: {  	s12 =	simm.s32 $0x4F00;
	s13 =	simm.s32 $0x7700;
	s4 =	sand.u32 $0x1, s1  }
0x6: {  	s5 =	sshrl.u32 s0, $0x2;
	s26 =	sshll.u32 s0, $0x8;
	s1 =	rddreg [dreg:$0x2]  }
0x7: {  	[smem:$0x7FF] =	sst s2;
	s7 =	sshll.u32 s4, $0x7;
	s9 =	smul.u32 $0x13C00, s5  }
0x8: {  	s8 =	sand.u32 $0x300, s26;
	s5 =	smul.u32 $0x14000, s5;
	s4 =	ssub.s32 $0x2, s4  }
0x9: {  	_ =	strace $0x80000047;
	s7 =	sor.u32 s7, s8;
	s28 =	sshrl.u32 s4, $0x1  }
0xa: {  	s8 =	sor.u32 s9, s7;
	s5 =	sor.u32 s5, s7;
	s29 =	ssub.s32 s4, s28  }
0xb: {  	s9 =	simm.s32 $0x400;
	s8 =	sshrl.u32 s8, $0x3;
	s30 =	sadd.s32 $0x50000, s5  }
0xc: {  	s5 =	sshrl.u32 s5, $0x3;
	s7 =	smax.u32 s29, $0x1;
	s8 =	sadd.s32 s8, s3  }
0xd: {  	s31 =	sshrl.u32 s30, $0x3;
	s5 =	sadd.s32 s6, s5;
	s3 =	sadd.s32 $0xC000, s8  }
0xe: {  	v0 =	vimm.f32 $0.0e+00;
	v1 =	vimm.f32 $1.000000000e+00;
	s4 =	sadd.s32 $0x2200, s8;
	s6 =	sadd.s32 s6, s31;
	s8 =	simm.s32 $0x80  }
.LBB2_1:
0xf: {  	s14 =	simm.s32 $0x40;
	s15 =	simm.s32 $0x0  }
.LBB2_2:
0x10: {  	p0 =	sne.s32 s14, $0x9FC0;
	[tilespmem:s15+$0x4F00] =	vst v0;
	s16 =	smov.u32 s14;
	s14 =	sadd.s32 $0x40, s14  }
.Ltmp0:
0x11: {  	[tilespmem:s15+$0x7700] =	vst v0;
	(pc) =	sbr.rel @p0 .LBB2_2-.Ltmp0, $2  }
0x12: {  	_ =	sdelay $0x2  }
0x13: {  	s15 =	sshra.s32 s16, $0x2  }
0x14: {  	[tilespmem:s15+$0x4F00] =	vst v0  }
0x15: {  	[tilespmem:s15+$0x7700] =	vst v0;
	s14 =	simm.s32 $0x0  }
0x16: {  	[tilespmem:s14], [sflag:$0x1] =	stream.strided.gather [hbm4b:s3+s8], $0x2780, s9, s8, $0x38;
	[tilespmem:$0x9F00] =	vst v63  }
0x17: {  	_ =	swait.ge [sflag:s10], $0x2780  }
0x18: {  	[sflag:s10] =	ssyncset.done $0x0  }
0x19: {  	[sflag:s10] =	ssyncadd.s32 $0xFFFFD880  }
0x1a: {  	[tilespmem:s11], [sflag:$0x1] =	stream.strided.gather [hbm4b:s4+s8], $0x2780, s9, s8, $0x38;
	[tilespmem:$0x9F00] =	vst v63  }
0x1b: {  	_ =	swait.ge [sflag:s10], $0x2780  }
0x1c: {  	[sflag:s10] =	ssyncset.done $0x0  }
0x1d: {  	s15 =	simm.s32 $0x0;
	s14 =	simm.s32 $0x40;
	[sflag:s10] =	ssyncadd.s32 $0xFFFFD880  }
.LBB2_4:
0x1e: {  	p0 =	sne.s32 s14, $0x9C00;
	v2 =	vld [tilespmem:s15+$0x0];
	_ =	sdelay $0x7  }
0x1f: {  	[tilespmem:v2+s12+$0x0] =	vst.idx.add.f32.msk $0xffff, v1  }
0x20: {  	v2 =	vld [tilespmem:s15+$0x2780];
	_ =	sdelay $0x3  }
.Ltmp1:
0x21: {  	(pc) =	sbr.rel @p0 .LBB2_4-.Ltmp1, $2  }
0x22: {  	_ =	sdelay $0x2  }
0x23: {  	s15 =	sshra.s32 s14, $0x2;
	s14 =	sadd.s32 $0x40, s14;
	[tilespmem:v2+s13+$0x0] =	vst.idx.add.f32.msk $0xffff, v1  }
0x24: {  	v2 =	vld [tilespmem:s15+$0x0];
	_ =	sdelay $0x7  }
0x25: {  	[tilespmem:v2+s12+$0x0] =	vst.idx.add.f32.msk $0xffff, v1  }
0x26: {  	v2 =	vld [tilespmem:s15+$0x2780];
	_ =	sdelay $0x7  }
0x27: {  	[tilespmem:v2+s13+$0x0] =	vst.idx.add.f32.msk $0xffff, v1  }
0x28: {  	[hbm4b:s5+s8] =	stream.strided.scatter [tilespmem:s12], [sflag:$0x1], $0x2800, s9, s8, $0x38;
	[tilespmem:$0x9F00] =	vst v63  }
0x29: {  	s2 =	sadd.s32 $0x1, s2;
	_ =	swait.ge [sflag:s10], $0x2800  }
0x2a: {  	p0 =	sne.s32 s2, s7;
	[sflag:s10] =	ssyncset.done $0x0  }
.Ltmp2:
0x2b: {  	[sflag:s10] =	ssyncadd.s32 $0xFFFFD800;
	(pc) =	sbr.rel @p0 .LBB2_1-.Ltmp2, $4  }
0x2c: {  	[hbm4b:s6+s8] =	stream.strided.scatter [tilespmem:s13], [sflag:$0x1], $0x2800, s9, s8, $0x38;
	[tilespmem:$0x9F00] =	vst v63  }
0x2d: {  	_ =	swait.ge [sflag:s10], $0x2800  }
0x2e: {  	[sflag:s10] =	ssyncset.done $0x0  }
0x2f: {  	[sflag:s10] =	ssyncadd.s32 $0xFFFFD800  }
0x30: {  	_ =	sfence.sel $0x180000  }
0x31: {  	[bflag:$0x0] =	sbarrier.arrive $0xFFFF  }
0x32: {  	p0 =	sne.s32 s0, $0x0;
	_ =	strace $0x90000047  }
0x33: {  	s0 =	sadd.s32 @!p0 $0x100000, s1;
	[bflag:$0x2] =	sbarrier.arrive $0xFFFF  }
0x34: {  	[sflag:s0] =	ssyncadd.tile.s32 @!p0 $0x1;
	_ =	shalt  }
.Lfunc_end2:
_tile_overlayer_lowered:
.L_overlay_start_2:
0x35: {  	(tag) =	ssettag $0x2  }
0x36: {  	s0 =	rddreg [dreg:$0x0];
	s2 =	stileid.u32  }
0x37: {  	s1 =	rddreg [dreg:$0x1];
	p0 =	sne.s32 s2, $0x0  }
0x38: {  	s3 =	rddreg [dreg:$0x2];
	[bflag:$0x3] =	sbarrier.arrive $0xFFFF;
	s2 =	simm.s32 @!p0 $0x1C01  }
0x39: {  	[timem:s3], [sflag:s2] =	dma.local @!p0 [hbm:s0], s1  }
0x3a: {  	s0 =	simm.s32 @!p0 $0x1  }
0x3b: {  	_ =	swait.ge @!p0 [sflag:s0], s1  }
0x3c: {  	s1 =	ssub.s32 @!p0 $0x0, s1;
	[sflag:s0] =	ssyncset.done @!p0 $0x0  }
0x3d: {  	[sflag:s0] =	ssyncadd.s32 @!p0 s1  }
0x3e: {  	[bflag:$0x3] =	sbarrier.arrive $0xFFFF  }
0x3f: {  	_ =	shalt  }

</sc_bundles>
